<compile_context>
chip_gen: v7x
topology: tpu7x:2x2x1
jax: 0.10.2.dev20260603
libtpu: 0.0.44.dev20260713+nightly
codegen_flags: <defaults>
</compile_context>

<pallas_src>
import jax
import jax.numpy as jnp
from jax import lax
from jax.experimental import pallas as pl
from jax.experimental.pallas import tpu as pltpu
from jax.experimental.pallas import tpu_sc as plsc

N_NODES = 10000
E = 320000
D = 128
PE_DIM = 16
GW = 64
ACC_W = 80
H_ROWS = 10112
ROWS_PER_TILE = H_ROWS // 16
CHUNK = 64
E_PAD = 327680
NCHUNK_TILE = E_PAD // CHUNK // 16
N_ACC_CP = -(-ROWS_PER_TILE // CHUNK)


def _g_kernel(x_ref, w1a_ref, o_ref):
    o_ref[0] = jnp.dot(x_ref[...], w1a_ref[0],
                       preferred_element_type=jnp.float32)


def _p_kernel(pe_ref, w1b_ref, b1_ref, o_ref):
    o_ref[0] = jnp.dot(pe_ref[...], w1b_ref[0],
                       preferred_element_type=jnp.float32) + b1_ref[0]


def _edge_kernel(g_hbm, p_hbm, src_hbm, dst_hbm, out_hbm,
                 src_idx, dst_idx, gbuf, pbuf, hbuf,
                 hacc, gsem0, gsem1, psem0, psem1, ssem0, ssem1):
    c = lax.axis_index("c")
    s = lax.axis_index("s")
    gsem = (gsem0, gsem1)
    psem = (psem0, psem1)
    ssem = (ssem0, ssem1)

    one16 = jnp.where(lax.iota(jnp.int32, 16) == 0, 1.0, 0.0)
    zero16 = jnp.zeros((16,), jnp.float32)

    def _z(e, carry):
        for b in range(2):
            for q in range(ACC_W // 16):
                hbuf[b, e, pl.ds(q * 16, 16)] = zero16
        return carry
    lax.fori_loop(0, CHUNK, _z, 0)
    row0 = s * ROWS_PER_TILE
    for k in range(N_ACC_CP):
        sz = min(CHUNK, ROWS_PER_TILE - k * CHUNK)
        pltpu.sync_copy(hbuf.at[0, pl.ds(0, sz)],
                        hacc.at[pl.ds(row0 + k * CHUNK, sz)])

    def _o(e, carry):
        for b in range(2):
            hbuf[b, e, pl.ds(GW, 16)] = one16
        return carry
    lax.fori_loop(0, CHUNK, _o, 0)
    plsc.subcore_barrier()

    pltpu.sync_copy(src_hbm.at[pl.ds(s * NCHUNK_TILE, NCHUNK_TILE)], src_idx)
    pltpu.sync_copy(dst_hbm.at[pl.ds(s * NCHUNK_TILE, NCHUNK_TILE)], dst_idx)

    def _in_refs(j, b):
        return (
            (g_hbm.at[c].at[src_idx.at[j]], gbuf.at[b], gsem[b]),
            (p_hbm.at[c, pl.ds((s * NCHUNK_TILE + j) * CHUNK, CHUNK)],
             pbuf.at[b], psem[b]),
        )

    def _start_in(j, b):
        for refs in _in_refs(j, b):
            pltpu.async_copy(*refs)

    def _wait_in(j, b):
        for refs in _in_refs(j, b):
            pltpu.make_async_copy(*refs).wait()

    def _start_scatter(j, b):
        pltpu.async_copy(hbuf.at[b], hacc.at[dst_idx.at[j]], ssem[b],
                         add=True)

    def _wait_scatter(j, b):
        pltpu.make_async_copy(hbuf.at[b], hacc.at[dst_idx.at[j]],
                              ssem[b]).wait()

    _start_in(0, 0)

    def _step(j, b):
        _wait_in(j, b)

        @pl.when(j + 1 < NCHUNK_TILE)
        def _prefetch():
            _start_in(j + 1, 1 - b)

        @pl.when(j >= 2)
        def _drain():
            _wait_scatter(j - 2, b)

        def _edge(e, inner):
            for q in range(GW // 16):
                g = gbuf[b, e, pl.ds(q * 16, 16)]
                p = pbuf[b, e, pl.ds(q * 16, 16)]
                hbuf[b, e, pl.ds(q * 16, 16)] = jnp.maximum(g + p, 0.0)
            return inner
        lax.fori_loop(0, CHUNK, _edge, 0, unroll=2)

        _start_scatter(j, b)

    def _pair(t, carry):
        _step(2 * t, 0)
        _step(2 * t + 1, 1)
        return carry
    lax.fori_loop(0, NCHUNK_TILE // 2, _pair, 0)
    _wait_scatter(NCHUNK_TILE - 2, 0)
    _wait_scatter(NCHUNK_TILE - 1, 1)
    plsc.subcore_barrier()

    for k in range(N_ACC_CP):
        sz = min(CHUNK, ROWS_PER_TILE - k * CHUNK)
        pltpu.sync_copy(hacc.at[pl.ds(row0 + k * CHUNK, sz)],
                        hbuf.at[0, pl.ds(0, sz)])
        pltpu.sync_copy(hbuf.at[0, pl.ds(0, sz)],
                        out_hbm.at[c, pl.ds(row0 + k * CHUNK, sz)])


def _node_kernel(x_ref, h0_ref, h1_ref, w2_ref, b2_ref, w3_ref, b3_ref,
                 w4_ref, b4_ref, o_ref):
    h0 = h0_ref[0]
    h1 = h1_ref[0]
    hs = jnp.concatenate([h0[:, 0:GW], h1[:, 0:GW]], axis=1)
    deg = h0[:, GW:GW + 1]
    agg = (jnp.dot(hs, w2_ref[...], preferred_element_type=jnp.float32)
           + deg * b2_ref[...])
    a = (jnp.dot(x_ref[...], w3_ref[0:D, :], preferred_element_type=jnp.float32)
         + jnp.dot(agg, w3_ref[D:2 * D, :], preferred_element_type=jnp.float32)
         + b3_ref[...])
    u = jnp.maximum(a, 0.0)
    o_ref[...] = (jnp.dot(u, w4_ref[...], preferred_element_type=jnp.float32)
                  + b4_ref[...])


def kernel(x, edge_index, edge_pe, W1, b1, W2, b2, W3, b3, W4, b4):
    src = jnp.asarray(edge_index[0], jnp.int32)
    dst = jnp.asarray(edge_index[1], jnp.int32)
    npad = E_PAD - E
    src2d = jnp.concatenate(
        [src, jnp.zeros((npad,), jnp.int32)]).reshape(E_PAD // CHUNK, CHUNK)
    dst2d = jnp.concatenate(
        [dst, jnp.full((npad,), N_NODES, jnp.int32)]).reshape(E_PAD // CHUNK, CHUNK)
    pe_pad = jnp.concatenate(
        [edge_pe, jnp.zeros((npad, PE_DIM), jnp.float32)], axis=0)
    w1a = jnp.stack([W1[:D, :GW], W1[:D, GW:]])
    w1b = jnp.stack([W1[D:, :GW], W1[D:, GW:]])
    b1h = jnp.stack([b1[:GW].reshape(1, GW), b1[GW:].reshape(1, GW)])
    b2r = b2.reshape(1, D)
    b3r = b3.reshape(1, D)
    b4r = b4.reshape(1, D)

    g_table = pl.pallas_call(
        _g_kernel,
        grid=(2,),
        in_specs=[pl.BlockSpec((N_NODES, D), lambda i: (0, 0)),
                  pl.BlockSpec((1, D, GW), lambda i: (i, 0, 0))],
        out_specs=pl.BlockSpec((1, N_NODES, GW), lambda i: (i, 0, 0)),
        out_shape=jax.ShapeDtypeStruct((2, N_NODES, GW), jnp.float32),
    )(x, w1a)

    PB = 10240
    p_edges = pl.pallas_call(
        _p_kernel,
        grid=(2, E_PAD // PB),
        in_specs=[pl.BlockSpec((PB, PE_DIM), lambda i, j: (j, 0)),
                  pl.BlockSpec((1, PE_DIM, GW), lambda i, j: (i, 0, 0)),
                  pl.BlockSpec((1, 1, GW), lambda i, j: (i, 0, 0))],
        out_specs=pl.BlockSpec((1, PB, GW), lambda i, j: (i, j, 0)),
        out_shape=jax.ShapeDtypeStruct((2, E_PAD, GW), jnp.float32),
    )(pe_pad, w1b, b1h)

    mesh = plsc.VectorSubcoreMesh(core_axis_name="c", subcore_axis_name="s")
    hacc = pl.kernel(
        _edge_kernel,
        mesh=mesh,
        compiler_params=pltpu.CompilerParams(use_tc_tiling_on_sc=False),
        out_type=jax.ShapeDtypeStruct((2, H_ROWS, ACC_W), jnp.float32),
        scratch_types=[
            pltpu.VMEM((NCHUNK_TILE, CHUNK), jnp.int32),
            pltpu.VMEM((NCHUNK_TILE, CHUNK), jnp.int32),
            pltpu.VMEM((2, CHUNK, GW), jnp.float32),
            pltpu.VMEM((2, CHUNK, GW), jnp.float32),
            pltpu.VMEM((2, CHUNK, ACC_W), jnp.float32),
            pltpu.VMEM_SHARED((H_ROWS, ACC_W), jnp.float32),
            pltpu.SemaphoreType.DMA,
            pltpu.SemaphoreType.DMA,
            pltpu.SemaphoreType.DMA,
            pltpu.SemaphoreType.DMA,
            pltpu.SemaphoreType.DMA,
            pltpu.SemaphoreType.DMA,
        ],
    )(g_table, p_edges, src2d, dst2d)

    NB = 1000
    out = pl.pallas_call(
        _node_kernel,
        grid=(N_NODES // NB,),
        in_specs=[pl.BlockSpec((NB, D), lambda i: (i, 0)),
                  pl.BlockSpec((1, NB, ACC_W), lambda i: (0, i, 0)),
                  pl.BlockSpec((1, NB, ACC_W), lambda i: (1, i, 0)),
                  pl.BlockSpec((D, D), lambda i: (0, 0)),
                  pl.BlockSpec((1, D), lambda i: (0, 0)),
                  pl.BlockSpec((2 * D, D), lambda i: (0, 0)),
                  pl.BlockSpec((1, D), lambda i: (0, 0)),
                  pl.BlockSpec((D, D), lambda i: (0, 0)),
                  pl.BlockSpec((1, D), lambda i: (0, 0))],
        out_specs=pl.BlockSpec((NB, D), lambda i: (i, 0)),
        out_shape=jax.ShapeDtypeStruct((N_NODES, D), jnp.float32),
    )(x, hacc, hacc, W2, b2r, W3, b3r, W4, b4r)
    return out

# --- scband reference (transcript-rebuilt; emitter-appended) ---
"""Pipeline reference for scband-peconv-72181220376644 (READ-ONLY COPY).

The authoritative reference and input builder live on the scoring server;
editing this copy changes nothing except your own understanding.
"""

import jax, jax.numpy as jnp
import numpy as np

N_NODES = 10000
N_EDGES = 320000
INPUT_DIM = 128
HIDDEN_DIM = 128
PE_DIM = 16


def _linear_init(key, fan_in, fan_out):
    # mimic torch nn.Linear default init (kaiming uniform-ish bound)
    bound = 1.0 / np.sqrt(fan_in)
    kw, kb = jax.random.split(key)
    W = jax.random.uniform(kw, (fan_in, fan_out), minval=-bound, maxval=bound, dtype=jnp.float32)
    b = jax.random.uniform(kb, (fan_out,), minval=-bound, maxval=bound, dtype=jnp.float32)
    return W, b


def setup_inputs(seed: int = 0) -> dict:
    key = jax.random.key(seed)
    k_x, k_ei, k_pe, k1, k2, k3, k4 = jax.random.split(key, 7)
    x = jax.random.normal(k_x, (N_NODES, INPUT_DIM), dtype=jnp.float32)
    edge_index = jax.random.randint(k_ei, (2, N_EDGES), 0, N_NODES, dtype=jnp.int64)
    edge_pe = jax.random.normal(k_pe, (N_EDGES, PE_DIM), dtype=jnp.float32)
    # message_net: Linear(input_dim+pe_dim, hidden) -> ReLU -> Linear(hidden, hidden)
    W1, b1 = _linear_init(k1, INPUT_DIM + PE_DIM, HIDDEN_DIM)
    W2, b2 = _linear_init(k2, HIDDEN_DIM, HIDDEN_DIM)
    # update_net: Linear(input_dim+hidden, hidden) -> ReLU -> Linear(hidden, input_dim)
    W3, b3 = _linear_init(k3, INPUT_DIM + HIDDEN_DIM, HIDDEN_DIM)
    W4, b4 = _linear_init(k4, HIDDEN_DIM, INPUT_DIM)
    return {"x": x, "edge_index": edge_index, "edge_pe": edge_pe,
            "W1": W1, "b1": b1, "W2": W2, "b2": b2,
            "W3": W3, "b3": b3, "W4": W4, "b4": b4}


def reference(x, edge_index, edge_pe, W1, b1, W2, b2, W3, b3, W4, b4):
    src = edge_index[0]
    dst = edge_index[1]
    # gather source node features
    src_features = jnp.take(x, src, axis=0)  # [E, input_dim]
    messages_input = jnp.concatenate([src_features, edge_pe], axis=-1)  # [E, input_dim+pe_dim]
    h = jnp.maximum(messages_input @ W1 + b1, 0.0)
    messages = h @ W2 + b2  # [E, hidden_dim]
    # scatter-add aggregation by destination node
    aggregated = jnp.zeros((x.shape[0], HIDDEN_DIM), dtype=x.dtype).at[dst].add(messages)
    update_input = jnp.concatenate([x, aggregated], axis=-1)  # [N, input_dim+hidden_dim]
    u = jnp.maximum(update_input @ W3 + b3, 0.0)
    updated_x = u @ W4 + b4  # [N, input_dim]
    return updated_x

if __name__ == "__main__":
    import jax
    _d = setup_inputs()
    print(jax.jit(kernel)(*tuple(_d.values())))

</pallas_src>

<mosaic_0001>
#map = affine_map<(d0, d1) -> (0, 0, 0)>
#map1 = affine_map<(d0, d1) -> (0, 0)>
module attributes {stable_mosaic.version = 14 : i64} {
  func.func @_edge_kernel(%arg0: i32, %arg1: i32, %arg2: memref<2x10000x64xf32, #tpu.memory_space<hbm>>, %arg3: memref<2x327680x64xf32, #tpu.memory_space<hbm>>, %arg4: memref<5120x64xi32, #tpu.memory_space<hbm>>, %arg5: memref<5120x64xi32, #tpu.memory_space<hbm>>, %arg6: memref<2x10112x80xf32, #tpu.memory_space<hbm>>, %arg7: memref<320x64xi32, #tpu.memory_space<vmem>>, %arg8: memref<320x64xi32, #tpu.memory_space<vmem>>, %arg9: memref<2x64x64xf32, #tpu.memory_space<vmem>>, %arg10: memref<2x64x64xf32, #tpu.memory_space<vmem>>, %arg11: memref<2x64x80xf32, #tpu.memory_space<vmem>>, %arg12: memref<10112x80xf32, #tpu.memory_space<vmem_shared>>, %arg13: memref<!tpu.dma_semaphore, #tpu.memory_space<semaphore_mem>>, %arg14: memref<!tpu.dma_semaphore, #tpu.memory_space<semaphore_mem>>, %arg15: memref<!tpu.dma_semaphore, #tpu.memory_space<semaphore_mem>>, %arg16: memref<!tpu.dma_semaphore, #tpu.memory_space<semaphore_mem>>, %arg17: memref<!tpu.dma_semaphore, #tpu.memory_space<semaphore_mem>>, %arg18: memref<!tpu.dma_semaphore, #tpu.memory_space<semaphore_mem>>) attributes {dimension_semantics = [#tpu.dimension_semantics<core_parallel>, #tpu.dimension_semantics<subcore_parallel>], iteration_bounds = array<i64: 2, 16>, scalar_prefetch = 0 : i64, scratch_operands = 12 : i64, tpu.core_type = #tpu.core_type<sc_vector_subcore>, window_params = [{transform_indices = #map}, {transform_indices = #map}, {transform_indices = #map1}, {transform_indices = #map1}, {transform_indices = #map}]} {
    %iota3A = tpu.iota {dimensions = array<i32: 0>} : vector<16xi32>
    %eq3A = arith.constant 0 : i32
    %eq3A_0 = vector.broadcast %eq3A : i32 to vector<16xi32>
    %eq3A_1 = arith.cmpi eq, %iota3A, %eq3A_0 : vector<16xi32>
    %jit3A = arith.constant 1.000000e+00 : f32
    %jit3A_2 = arith.constant 0.000000e+00 : f32
    %broadcast_in_dim3A = vector.broadcast %jit3A : f32 to vector<16xf32>
    %broadcast_in_dim3A_3 = vector.broadcast %jit3A_2 : f32 to vector<16xf32>
    %select_n3A = arith.select %eq3A_1, %broadcast_in_dim3A, %broadcast_in_dim3A_3 : vector<16xi1>, vector<16xf32>
    %broadcast_in_dim3A_4 = arith.constant 0.000000e+00 : f32
    %broadcast_in_dim3A_5 = vector.broadcast %broadcast_in_dim3A_4 : f32 to vector<16xf32>
    %scan3A = arith.constant 0 : i32
    %scan3A_6 = arith.constant 0 : i32
    %scan3A_7 = arith.constant 64 : i32
    %scan3A_8 = arith.addi %scan3A_6, %scan3A_7 : i32
    %scan3A_9 = arith.constant 1 : i32
    scf.for %scan3A_176 = %scan3A_6 to %scan3A_8 step %scan3A_9  : i32 {
      %swap3A = arith.constant 0 : i32
      %swap3A_177 = arith.index_cast %swap3A : i32 to index
      %swap3A_178 = arith.index_cast %scan3A_176 : i32 to index
      %swap3A_179 = arith.constant 0 : index
      %swap3A_180 = tpu.vector_load %arg11[%swap3A_177, %swap3A_178, %swap3A_179] {strides = array<i32>} : memref<2x64x80xf32, #tpu.memory_space<vmem>>, vector<1x1x16xf32>,
      %swap3A_181 = vector.shape_cast %swap3A_180 : vector<1x1x16xf32> to vector<16xf32>
      %swap3A_182 = vector.shape_cast %broadcast_in_dim3A_5 : vector<16xf32> to vector<1x1x16xf32>
      tpu.vector_store %arg11[%swap3A_177, %swap3A_178, %swap3A_179], %swap3A_182 {strides = array<i32>} : memref<2x64x80xf32, #tpu.memory_space<vmem>>, vector<1x1x16xf32>,
      %swap3A_183 = arith.constant 0 : i32
      %swap3A_184 = arith.index_cast %swap3A_183 : i32 to index
      %swap3A_185 = arith.index_cast %scan3A_176 : i32 to index
      %swap3A_186 = arith.constant 16 : index
      %swap3A_187 = tpu.vector_load %arg11[%swap3A_184, %swap3A_185, %swap3A_186] {strides = array<i32>} : memref<2x64x80xf32, #tpu.memory_space<vmem>>, vector<1x1x16xf32>,
      %swap3A_188 = vector.shape_cast %swap3A_187 : vector<1x1x16xf32> to vector<16xf32>
      %swap3A_189 = vector.shape_cast %broadcast_in_dim3A_5 : vector<16xf32> to vector<1x1x16xf32>
      tpu.vector_store %arg11[%swap3A_184, %swap3A_185, %swap3A_186], %swap3A_189 {strides = array<i32>} : memref<2x64x80xf32, #tpu.memory_space<vmem>>, vector<1x1x16xf32>,
      %swap3A_190 = arith.constant 0 : i32
      %swap3A_191 = arith.index_cast %swap3A_190 : i32 to index
      %swap3A_192 = arith.index_cast %scan3A_176 : i32 to index
      %swap3A_193 = arith.constant 32 : index
      %swap3A_194 = tpu.vector_load %arg11[%swap3A_191, %swap3A_192, %swap3A_193] {strides = array<i32>} : memref<2x64x80xf32, #tpu.memory_space<vmem>>, vector<1x1x16xf32>,
      %swap3A_195 = vector.shape_cast %swap3A_194 : vector<1x1x16xf32> to vector<16xf32>
      %swap3A_196 = vector.shape_cast %broadcast_in_dim3A_5 : vector<16xf32> to vector<1x1x16xf32>
      tpu.vector_store %arg11[%swap3A_191, %swap3A_192, %swap3A_193], %swap3A_196 {strides = array<i32>} : memref<2x64x80xf32, #tpu.memory_space<vmem>>, vector<1x1x16xf32>,
      %swap3A_197 = arith.constant 0 : i32
      %swap3A_198 = arith.index_cast %swap3A_197 : i32 to index
      %swap3A_199 = arith.index_cast %scan3A_176 : i32 to index
      %swap3A_200 = arith.constant 48 : index
      %swap3A_201 = tpu.vector_load %arg11[%swap3A_198, %swap3A_199, %swap3A_200] {strides = array<i32>} : memref<2x64x80xf32, #tpu.memory_space<vmem>>, vector<1x1x16xf32>,
      %swap3A_202 = vector.shape_cast %swap3A_201 : vector<1x1x16xf32> to vector<16xf32>
      %swap3A_203 = vector.shape_cast %broadcast_in_dim3A_5 : vector<16xf32> to vector<1x1x16xf32>
      tpu.vector_store %arg11[%swap3A_198, %swap3A_199, %swap3A_200], %swap3A_203 {strides = array<i32>} : memref<2x64x80xf32, #tpu.memory_space<vmem>>, vector<1x1x16xf32>,
      %swap3A_204 = arith.constant 0 : i32
      %swap3A_205 = arith.index_cast %swap3A_204 : i32 to index
      %swap3A_206 = arith.index_cast %scan3A_176 : i32 to index
      %swap3A_207 = arith.constant 64 : index
      %swap3A_208 = tpu.vector_load %arg11[%swap3A_205, %swap3A_206, %swap3A_207] {strides = array<i32>} : memref<2x64x80xf32, #tpu.memory_space<vmem>>, vector<1x1x16xf32>,
      %swap3A_209 = vector.shape_cast %swap3A_208 : vector<1x1x16xf32> to vector<16xf32>
      %swap3A_210 = vector.shape_cast %broadcast_in_dim3A_5 : vector<16xf32> to vector<1x1x16xf32>
      tpu.vector_store %arg11[%swap3A_205, %swap3A_206, %swap3A_207], %swap3A_210 {strides = array<i32>} : memref<2x64x80xf32, #tpu.memory_space<vmem>>, vector<1x1x16xf32>,
      %swap3A_211 = arith.constant 1 : i32
      %swap3A_212 = arith.index_cast %swap3A_211 : i32 to index
      %swap3A_213 = arith.index_cast %scan3A_176 : i32 to index
      %swap3A_214 = arith.constant 0 : index
      %swap3A_215 = tpu.vector_load %arg11[%swap3A_212, %swap3A_213, %swap3A_214] {strides = array<i32>} : memref<2x64x80xf32, #tpu.memory_space<vmem>>, vector<1x1x16xf32>,
      %swap3A_216 = vector.shape_cast %swap3A_215 : vector<1x1x16xf32> to vector<16xf32>
      %swap3A_217 = vector.shape_cast %broadcast_in_dim3A_5 : vector<16xf32> to vector<1x1x16xf32>
      tpu.vector_store %arg11[%swap3A_212, %swap3A_213, %swap3A_214], %swap3A_217 {strides = array<i32>} : memref<2x64x80xf32, #tpu.memory_space<vmem>>, vector<1x1x16xf32>,
      %swap3A_218 = arith.constant 1 : i32
      %swap3A_219 = arith.index_cast %swap3A_218 : i32 to index
      %swap3A_220 = arith.index_cast %scan3A_176 : i32 to index
      %swap3A_221 = arith.constant 16 : index
      %swap3A_222 = tpu.vector_load %arg11[%swap3A_219, %swap3A_220, %swap3A_221] {strides = array<i32>} : memref<2x64x80xf32, #tpu.memory_space<vmem>>, vector<1x1x16xf32>,
      %swap3A_223 = vector.shape_cast %swap3A_222 : vector<1x1x16xf32> to vector<16xf32>
      %swap3A_224 = vector.shape_cast %broadcast_in_dim3A_5 : vector<16xf32> to vector<1x1x16xf32>
      tpu.vector_store %arg11[%swap3A_219, %swap3A_220, %swap3A_221], %swap3A_224 {strides = array<i32>} : memref<2x64x80xf32, #tpu.memory_space<vmem>>, vector<1x1x16xf32>,
      %swap3A_225 = arith.constant 1 : i32
      %swap3A_226 = arith.index_cast %swap3A_225 : i32 to index
      %swap3A_227 = arith.index_cast %scan3A_176 : i32 to index
      %swap3A_228 = arith.constant 32 : index
      %swap3A_229 = tpu.vector_load %arg11[%swap3A_226, %swap3A_227, %swap3A_228] {strides = array<i32>} : memref<2x64x80xf32, #tpu.memory_space<vmem>>, vector<1x1x16xf32>,
      %swap3A_230 = vector.shape_cast %swap3A_229 : vector<1x1x16xf32> to vector<16xf32>
      %swap3A_231 = vector.shape_cast %broadcast_in_dim3A_5 : vector<16xf32> to vector<1x1x16xf32>
      tpu.vector_store %arg11[%swap3A_226, %swap3A_227, %swap3A_228], %swap3A_231 {strides = array<i32>} : memref<2x64x80xf32, #tpu.memory_space<vmem>>, vector<1x1x16xf32>,
      %swap3A_232 = arith.constant 1 : i32
      %swap3A_233 = arith.index_cast %swap3A_232 : i32 to index
      %swap3A_234 = arith.index_cast %scan3A_176 : i32 to index
      %swap3A_235 = arith.constant 48 : index
      %swap3A_236 = tpu.vector_load %arg11[%swap3A_233, %swap3A_234, %swap3A_235] {strides = array<i32>} : memref<2x64x80xf32, #tpu.memory_space<vmem>>, vector<1x1x16xf32>,
      %swap3A_237 = vector.shape_cast %swap3A_236 : vector<1x1x16xf32> to vector<16xf32>
      %swap3A_238 = vector.shape_cast %broadcast_in_dim3A_5 : vector<16xf32> to vector<1x1x16xf32>
      tpu.vector_store %arg11[%swap3A_233, %swap3A_234, %swap3A_235], %swap3A_238 {strides = array<i32>} : memref<2x64x80xf32, #tpu.memory_space<vmem>>, vector<1x1x16xf32>,
      %swap3A_239 = arith.constant 1 : i32
      %swap3A_240 = arith.index_cast %swap3A_239 : i32 to index
      %swap3A_241 = arith.index_cast %scan3A_176 : i32 to index
      %swap3A_242 = arith.constant 64 : index
      %swap3A_243 = tpu.vector_load %arg11[%swap3A_240, %swap3A_241, %swap3A_242] {strides = array<i32>} : memref<2x64x80xf32, #tpu.memory_space<vmem>>, vector<1x1x16xf32>,
      %swap3A_244 = vector.shape_cast %swap3A_243 : vector<1x1x16xf32> to vector<16xf32>
      %swap3A_245 = vector.shape_cast %broadcast_in_dim3A_5 : vector<16xf32> to vector<1x1x16xf32>
      tpu.vector_store %arg11[%swap3A_240, %swap3A_241, %swap3A_242], %swap3A_245 {strides = array<i32>} : memref<2x64x80xf32, #tpu.memory_space<vmem>>, vector<1x1x16xf32>,
    }
    %scan3A_10 = arith.constant 64 : i32
    %mul3A = arith.constant 632 : i32
    %mul3A_11 = arith.muli %arg1, %mul3A : i32
    %add3A = arith.constant 0 : i32
    %add3A_12 = arith.addi %mul3A_11, %add3A : i32
    %run_scoped3A = arith.constant 0 : i32
    "tpu.region"() ({
      %run_scoped3A_176 = tpu.sem_alloc : memref<!tpu.dma_semaphore, #tpu.memory_space<semaphore_mem>>
      %dma_start3A_177 = arith.constant 0 : i32
      %dma_start3A_178 = arith.constant 0 : i32
      %dma_start3A_179 = tpu.memref_slice %arg11[%run_scoped3A, %dma_start3A_177, %dma_start3A_178] : memref<2x64x80xf32, #tpu.memory_space<vmem>> -> memref<1x64x80xf32, #tpu.memory_space<vmem>>
      %dma_start3A_180 = tpu.memref_squeeze %dma_start3A_179 : memref<1x64x80xf32, #tpu.memory_space<vmem>> -> memref<64x80xf32, #tpu.memory_space<vmem>>
      %dma_start3A_181 = arith.constant 0 : i32
      %dma_start3A_182 = tpu.memref_slice %arg12[%add3A_12, %dma_start3A_181] : memref<10112x80xf32, #tpu.memory_space<vmem_shared>> -> memref<64x80xf32, #tpu.memory_space<vmem_shared>>
      %dma_start3A_183 = arith.constant 0 : i32
      %dma_start3A_184 = tpu.memref_slice %arg12[%add3A_12, %dma_start3A_183] : memref<10112x80xf32, #tpu.memory_space<vmem_shared>> -> memref<64x80xf32, #tpu.memory_space<vmem_shared>>
      %dma_start3A_185 = arith.constant 0 : i32
      %dma_start3A_186 = arith.constant 0 : i32
      %dma_start3A_187 = tpu.memref_slice %arg11[%run_scoped3A, %dma_start3A_185, %dma_start3A_186] : memref<2x64x80xf32, #tpu.memory_space<vmem>> -> memref<1x64x80xf32, #tpu.memory_space<vmem>>
      %dma_start3A_188 = tpu.memref_squeeze %dma_start3A_187 : memref<1x64x80xf32, #tpu.memory_space<vmem>> -> memref<64x80xf32, #tpu.memory_space<vmem>>
      tpu.enqueue_dma source(%dma_start3A_188 : memref<64x80xf32, #tpu.memory_space<vmem>>) target(%dma_start3A_184 : memref<64x80xf32, #tpu.memory_space<vmem_shared>>) target_semaphore(%run_scoped3A_176 : memref<!tpu.dma_semaphore, #tpu.memory_space<semaphore_mem>>)
      %dma_wait3A_189 = arith.constant 0 : i32
      %dma_wait3A_190 = arith.constant 0 : i32
      %dma_wait3A_191 = tpu.memref_slice %arg11[%run_scoped3A, %dma_wait3A_189, %dma_wait3A_190] : memref<2x64x80xf32, #tpu.memory_space<vmem>> -> memref<1x64x80xf32, #tpu.memory_space<vmem>>
      %dma_wait3A_192 = tpu.memref_squeeze %dma_wait3A_191 : memref<1x64x80xf32, #tpu.memory_space<vmem>> -> memref<64x80xf32, #tpu.memory_space<vmem>>
      %dma_wait3A_193 = arith.constant 0 : i32
      %dma_wait3A_194 = tpu.memref_slice %arg12[%add3A_12, %dma_wait3A_193] : memref<10112x80xf32, #tpu.memory_space<vmem_shared>> -> memref<64x80xf32, #tpu.memory_space<vmem_shared>>
      %dma_wait3A_195 = arith.constant 0 : i32
      %dma_wait3A_196 = tpu.memref_slice %arg12[%add3A_12, %dma_wait3A_195] : memref<10112x80xf32, #tpu.memory_space<vmem_shared>> -> memref<64x80xf32, #tpu.memory_space<vmem_shared>>
      %dma_wait3A_197 = arith.constant 0 : i32
      %dma_wait3A_198 = arith.constant 0 : i32
      %dma_wait3A_199 = tpu.memref_slice %arg11[%run_scoped3A, %dma_wait3A_197, %dma_wait3A_198] : memref<2x64x80xf32, #tpu.memory_space<vmem>> -> memref<1x64x80xf32, #tpu.memory_space<vmem>>
      %dma_wait3A_200 = tpu.memref_squeeze %dma_wait3A_199 : memref<1x64x80xf32, #tpu.memory_space<vmem>> -> memref<64x80xf32, #tpu.memory_space<vmem>>
      tpu.wait_dma2 semaphore(%run_scoped3A_176 : memref<!tpu.dma_semaphore, #tpu.memory_space<semaphore_mem>>) src(%dma_wait3A_200 : memref<64x80xf32, #tpu.memory_space<vmem>>) dst(%dma_wait3A_196 : memref<64x80xf32, #tpu.memory_space<vmem_shared>>)
      tpu.yield
    }) : () -> ()
    %add3A_13 = arith.constant 64 : i32
    %add3A_14 = arith.addi %mul3A_11, %add3A_13 : i32
    %run_scoped3A_15 = arith.constant 0 : i32
    "tpu.region"() ({
      %run_scoped3A_176 = tpu.sem_alloc : memref<!tpu.dma_semaphore, #tpu.memory_space<semaphore_mem>>
      %dma_start3A_177 = arith.constant 0 : i32
      %dma_start3A_178 = arith.constant 0 : i32
      %dma_start3A_179 = tpu.memref_slice %arg11[%run_scoped3A_15, %dma_start3A_177, %dma_start3A_178] : memref<2x64x80xf32, #tpu.memory_space<vmem>> -> memref<1x64x80xf32, #tpu.memory_space<vmem>>
      %dma_start3A_180 = tpu.memref_squeeze %dma_start3A_179 : memref<1x64x80xf32, #tpu.memory_space<vmem>> -> memref<64x80xf32, #tpu.memory_space<vmem>>
      %dma_start3A_181 = arith.constant 0 : i32
      %dma_start3A_182 = tpu.memref_slice %arg12[%add3A_14, %dma_start3A_181] : memref<10112x80xf32, #tpu.memory_space<vmem_shared>> -> memref<64x80xf32, #tpu.memory_space<vmem_shared>>
      %dma_start3A_183 = arith.constant 0 : i32
      %dma_start3A_184 = tpu.memref_slice %arg12[%add3A_14, %dma_start3A_183] : memref<10112x80xf32, #tpu.memory_space<vmem_shared>> -> memref<64x80xf32, #tpu.memory_space<vmem_shared>>
      %dma_start3A_185 = arith.constant 0 : i32
      %dma_start3A_186 = arith.constant 0 : i32
      %dma_start3A_187 = tpu.memref_slice %arg11[%run_scoped3A_15, %dma_start3A_185, %dma_start3A_186] : memref<2x64x80xf32, #tpu.memory_space<vmem>> -> memref<1x64x80xf32, #tpu.memory_space<vmem>>
      %dma_start3A_188 = tpu.memref_squeeze %dma_start3A_187 : memref<1x64x80xf32, #tpu.memory_space<vmem>> -> memref<64x80xf32, #tpu.memory_space<vmem>>
      tpu.enqueue_dma source(%dma_start3A_188 : memref<64x80xf32, #tpu.memory_space<vmem>>) target(%dma_start3A_184 : memref<64x80xf32, #tpu.memory_space<vmem_shared>>) target_semaphore(%run_scoped3A_176 : memref<!tpu.dma_semaphore, #tpu.memory_space<semaphore_mem>>)
      %dma_wait3A_189 = arith.constant 0 : i32
      %dma_wait3A_190 = arith.constant 0 : i32
      %dma_wait3A_191 = tpu.memref_slice %arg11[%run_scoped3A_15, %dma_wait3A_189, %dma_wait3A_190] : memref<2x64x80xf32, #tpu.memory_space<vmem>> -> memref<1x64x80xf32, #tpu.memory_space<vmem>>
      %dma_wait3A_192 = tpu.memref_squeeze %dma_wait3A_191 : memref<1x64x80xf32, #tpu.memory_space<vmem>> -> memref<64x80xf32, #tpu.memory_space<vmem>>
      %dma_wait3A_193 = arith.constant 0 : i32
      %dma_wait3A_194 = tpu.memref_slice %arg12[%add3A_14, %dma_wait3A_193] : memref<10112x80xf32, #tpu.memory_space<vmem_shared>> -> memref<64x80xf32, #tpu.memory_space<vmem_shared>>
      %dma_wait3A_195 = arith.constant 0 : i32
      %dma_wait3A_196 = tpu.memref_slice %arg12[%add3A_14, %dma_wait3A_195] : memref<10112x80xf32, #tpu.memory_space<vmem_shared>> -> memref<64x80xf32, #tpu.memory_space<vmem_shared>>
      %dma_wait3A_197 = arith.constant 0 : i32
      %dma_wait3A_198 = arith.constant 0 : i32
      %dma_wait3A_199 = tpu.memref_slice %arg11[%run_scoped3A_15, %dma_wait3A_197, %dma_wait3A_198] : memref<2x64x80xf32, #tpu.memory_space<vmem>> -> memref<1x64x80xf32, #tpu.memory_space<vmem>>
      %dma_wait3A_200 = tpu.memref_squeeze %dma_wait3A_199 : memref<1x64x80xf32, #tpu.memory_space<vmem>> -> memref<64x80xf32, #tpu.memory_space<vmem>>
      tpu.wait_dma2 semaphore(%run_scoped3A_176 : memref<!tpu.dma_semaphore, #tpu.memory_space<semaphore_mem>>) src(%dma_wait3A_200 : memref<64x80xf32, #tpu.memory_space<vmem>>) dst(%dma_wait3A_196 : memref<64x80xf32, #tpu.memory_space<vmem_shared>>)
      tpu.yield
    }) : () -> ()
    %add3A_16 = arith.constant 128 : i32
    %add3A_17 = arith.addi %mul3A_11, %add3A_16 : i32
    %run_scoped3A_18 = arith.constant 0 : i32
    "tpu.region"() ({
      %run_scoped3A_176 = tpu.sem_alloc : memref<!tpu.dma_semaphore, #tpu.memory_space<semaphore_mem>>
      %dma_start3A_177 = arith.constant 0 : i32
      %dma_start3A_178 = arith.constant 0 : i32
      %dma_start3A_179 = tpu.memref_slice %arg11[%run_scoped3A_18, %dma_start3A_177, %dma_start3A_178] : memref<2x64x80xf32, #tpu.memory_space<vmem>> -> memref<1x64x80xf32, #tpu.memory_space<vmem>>
      %dma_start3A_180 = tpu.memref_squeeze %dma_start3A_179 : memref<1x64x80xf32, #tpu.memory_space<vmem>> -> memref<64x80xf32, #tpu.memory_space<vmem>>
      %dma_start3A_181 = arith.constant 0 : i32
      %dma_start3A_182 = tpu.memref_slice %arg12[%add3A_17, %dma_start3A_181] : memref<10112x80xf32, #tpu.memory_space<vmem_shared>> -> memref<64x80xf32, #tpu.memory_space<vmem_shared>>
      %dma_start3A_183 = arith.constant 0 : i32
      %dma_start3A_184 = tpu.memref_slice %arg12[%add3A_17, %dma_start3A_183] : memref<10112x80xf32, #tpu.memory_space<vmem_shared>> -> memref<64x80xf32, #tpu.memory_space<vmem_shared>>
      %dma_start3A_185 = arith.constant 0 : i32
      %dma_start3A_186 = arith.constant 0 : i32
      %dma_start3A_187 = tpu.memref_slice %arg11[%run_scoped3A_18, %dma_start3A_185, %dma_start3A_186] : memref<2x64x80xf32, #tpu.memory_space<vmem>> -> memref<1x64x80xf32, #tpu.memory_space<vmem>>
      %dma_start3A_188 = tpu.memref_squeeze %dma_start3A_187 : memref<1x64x80xf32, #tpu.memory_space<vmem>> -> memref<64x80xf32, #tpu.memory_space<vmem>>
      tpu.enqueue_dma source(%dma_start3A_188 : memref<64x80xf32, #tpu.memory_space<vmem>>) target(%dma_start3A_184 : memref<64x80xf32, #tpu.memory_space<vmem_shared>>) target_semaphore(%run_scoped3A_176 : memref<!tpu.dma_semaphore, #tpu.memory_space<semaphore_mem>>)
      %dma_wait3A_189 = arith.constant 0 : i32
      %dma_wait3A_190 = arith.constant 0 : i32
      %dma_wait3A_191 = tpu.memref_slice %arg11[%run_scoped3A_18, %dma_wait3A_189, %dma_wait3A_190] : memref<2x64x80xf32, #tpu.memory_space<vmem>> -> memref<1x64x80xf32, #tpu.memory_space<vmem>>
      %dma_wait3A_192 = tpu.memref_squeeze %dma_wait3A_191 : memref<1x64x80xf32, #tpu.memory_space<vmem>> -> memref<64x80xf32, #tpu.memory_space<vmem>>
      %dma_wait3A_193 = arith.constant 0 : i32
      %dma_wait3A_194 = tpu.memref_slice %arg12[%add3A_17, %dma_wait3A_193] : memref<10112x80xf32, #tpu.memory_space<vmem_shared>> -> memref<64x80xf32, #tpu.memory_space<vmem_shared>>
      %dma_wait3A_195 = arith.constant 0 : i32
      %dma_wait3A_196 = tpu.memref_slice %arg12[%add3A_17, %dma_wait3A_195] : memref<10112x80xf32, #tpu.memory_space<vmem_shared>> -> memref<64x80xf32, #tpu.memory_space<vmem_shared>>
      %dma_wait3A_197 = arith.constant 0 : i32
      %dma_wait3A_198 = arith.constant 0 : i32
      %dma_wait3A_199 = tpu.memref_slice %arg11[%run_scoped3A_18, %dma_wait3A_197, %dma_wait3A_198] : memref<2x64x80xf32, #tpu.memory_space<vmem>> -> memref<1x64x80xf32, #tpu.memory_space<vmem>>
      %dma_wait3A_200 = tpu.memref_squeeze %dma_wait3A_199 : memref<1x64x80xf32, #tpu.memory_space<vmem>> -> memref<64x80xf32, #tpu.memory_space<vmem>>
      tpu.wait_dma2 semaphore(%run_scoped3A_176 : memref<!tpu.dma_semaphore, #tpu.memory_space<semaphore_mem>>) src(%dma_wait3A_200 : memref<64x80xf32, #tpu.memory_space<vmem>>) dst(%dma_wait3A_196 : memref<64x80xf32, #tpu.memory_space<vmem_shared>>)
      tpu.yield
    }) : () -> ()
    %add3A_19 = arith.constant 192 : i32
    %add3A_20 = arith.addi %mul3A_11, %add3A_19 : i32
    %run_scoped3A_21 = arith.constant 0 : i32
    "tpu.region"() ({
      %run_scoped3A_176 = tpu.sem_alloc : memref<!tpu.dma_semaphore, #tpu.memory_space<semaphore_mem>>
      %dma_start3A_177 = arith.constant 0 : i32
      %dma_start3A_178 = arith.constant 0 : i32
      %dma_start3A_179 = tpu.memref_slice %arg11[%run_scoped3A_21, %dma_start3A_177, %dma_start3A_178] : memref<2x64x80xf32, #tpu.memory_space<vmem>> -> memref<1x64x80xf32, #tpu.memory_space<vmem>>
      %dma_start3A_180 = tpu.memref_squeeze %dma_start3A_179 : memref<1x64x80xf32, #tpu.memory_space<vmem>> -> memref<64x80xf32, #tpu.memory_space<vmem>>
      %dma_start3A_181 = arith.constant 0 : i32
      %dma_start3A_182 = tpu.memref_slice %arg12[%add3A_20, %dma_start3A_181] : memref<10112x80xf32, #tpu.memory_space<vmem_shared>> -> memref<64x80xf32, #tpu.memory_space<vmem_shared>>
      %dma_start3A_183 = arith.constant 0 : i32
      %dma_start3A_184 = tpu.memref_slice %arg12[%add3A_20, %dma_start3A_183] : memref<10112x80xf32, #tpu.memory_space<vmem_shared>> -> memref<64x80xf32, #tpu.memory_space<vmem_shared>>
      %dma_start3A_185 = arith.constant 0 : i32
      %dma_start3A_186 = arith.constant 0 : i32
      %dma_start3A_187 = tpu.memref_slice %arg11[%run_scoped3A_21, %dma_start3A_185, %dma_start3A_186] : memref<2x64x80xf32, #tpu.memory_space<vmem>> -> memref<1x64x80xf32, #tpu.memory_space<vmem>>
      %dma_start3A_188 = tpu.memref_squeeze %dma_start3A_187 : memref<1x64x80xf32, #tpu.memory_space<vmem>> -> memref<64x80xf32, #tpu.memory_space<vmem>>
      tpu.enqueue_dma source(%dma_start3A_188 : memref<64x80xf32, #tpu.memory_space<vmem>>) target(%dma_start3A_184 : memref<64x80xf32, #tpu.memory_space<vmem_shared>>) target_semaphore(%run_scoped3A_176 : memref<!tpu.dma_semaphore, #tpu.memory_space<semaphore_mem>>)
      %dma_wait3A_189 = arith.constant 0 : i32
      %dma_wait3A_190 = arith.constant 0 : i32
      %dma_wait3A_191 = tpu.memref_slice %arg11[%run_scoped3A_21, %dma_wait3A_189, %dma_wait3A_190] : memref<2x64x80xf32, #tpu.memory_space<vmem>> -> memref<1x64x80xf32, #tpu.memory_space<vmem>>
      %dma_wait3A_192 = tpu.memref_squeeze %dma_wait3A_191 : memref<1x64x80xf32, #tpu.memory_space<vmem>> -> memref<64x80xf32, #tpu.memory_space<vmem>>
      %dma_wait3A_193 = arith.constant 0 : i32
      %dma_wait3A_194 = tpu.memref_slice %arg12[%add3A_20, %dma_wait3A_193] : memref<10112x80xf32, #tpu.memory_space<vmem_shared>> -> memref<64x80xf32, #tpu.memory_space<vmem_shared>>
      %dma_wait3A_195 = arith.constant 0 : i32
      %dma_wait3A_196 = tpu.memref_slice %arg12[%add3A_20, %dma_wait3A_195] : memref<10112x80xf32, #tpu.memory_space<vmem_shared>> -> memref<64x80xf32, #tpu.memory_space<vmem_shared>>
      %dma_wait3A_197 = arith.constant 0 : i32
      %dma_wait3A_198 = arith.constant 0 : i32
      %dma_wait3A_199 = tpu.memref_slice %arg11[%run_scoped3A_21, %dma_wait3A_197, %dma_wait3A_198] : memref<2x64x80xf32, #tpu.memory_space<vmem>> -> memref<1x64x80xf32, #tpu.memory_space<vmem>>
      %dma_wait3A_200 = tpu.memref_squeeze %dma_wait3A_199 : memref<1x64x80xf32, #tpu.memory_space<vmem>> -> memref<64x80xf32, #tpu.memory_space<vmem>>
      tpu.wait_dma2 semaphore(%run_scoped3A_176 : memref<!tpu.dma_semaphore, #tpu.memory_space<semaphore_mem>>) src(%dma_wait3A_200 : memref<64x80xf32, #tpu.memory_space<vmem>>) dst(%dma_wait3A_196 : memref<64x80xf32, #tpu.memory_space<vmem_shared>>)
      tpu.yield
    }) : () -> ()
    %add3A_22 = arith.constant 256 : i32
    %add3A_23 = arith.addi %mul3A_11, %add3A_22 : i32
    %run_scoped3A_24 = arith.constant 0 : i32
    "tpu.region"() ({
      %run_scoped3A_176 = tpu.sem_alloc : memref<!tpu.dma_semaphore, #tpu.memory_space<semaphore_mem>>
      %dma_start3A_177 = arith.constant 0 : i32
      %dma_start3A_178 = arith.constant 0 : i32
      %dma_start3A_179 = tpu.memref_slice %arg11[%run_scoped3A_24, %dma_start3A_177, %dma_start3A_178] : memref<2x64x80xf32, #tpu.memory_space<vmem>> -> memref<1x64x80xf32, #tpu.memory_space<vmem>>
      %dma_start3A_180 = tpu.memref_squeeze %dma_start3A_179 : memref<1x64x80xf32, #tpu.memory_space<vmem>> -> memref<64x80xf32, #tpu.memory_space<vmem>>
      %dma_start3A_181 = arith.constant 0 : i32
      %dma_start3A_182 = tpu.memref_slice %arg12[%add3A_23, %dma_start3A_181] : memref<10112x80xf32, #tpu.memory_space<vmem_shared>> -> memref<64x80xf32, #tpu.memory_space<vmem_shared>>
      %dma_start3A_183 = arith.constant 0 : i32
      %dma_start3A_184 = tpu.memref_slice %arg12[%add3A_23, %dma_start3A_183] : memref<10112x80xf32, #tpu.memory_space<vmem_shared>> -> memref<64x80xf32, #tpu.memory_space<vmem_shared>>
      %dma_start3A_185 = arith.constant 0 : i32
      %dma_start3A_186 = arith.constant 0 : i32
      %dma_start3A_187 = tpu.memref_slice %arg11[%run_scoped3A_24, %dma_start3A_185, %dma_start3A_186] : memref<2x64x80xf32, #tpu.memory_space<vmem>> -> memref<1x64x80xf32, #tpu.memory_space<vmem>>
      %dma_start3A_188 = tpu.memref_squeeze %dma_start3A_187 : memref<1x64x80xf32, #tpu.memory_space<vmem>> -> memref<64x80xf32, #tpu.memory_space<vmem>>
      tpu.enqueue_dma source(%dma_start3A_188 : memref<64x80xf32, #tpu.memory_space<vmem>>) target(%dma_start3A_184 : memref<64x80xf32, #tpu.memory_space<vmem_shared>>) target_semaphore(%run_scoped3A_176 : memref<!tpu.dma_semaphore, #tpu.memory_space<semaphore_mem>>)
      %dma_wait3A_189 = arith.constant 0 : i32
      %dma_wait3A_190 = arith.constant 0 : i32
      %dma_wait3A_191 = tpu.memref_slice %arg11[%run_scoped3A_24, %dma_wait3A_189, %dma_wait3A_190] : memref<2x64x80xf32, #tpu.memory_space<vmem>> -> memref<1x64x80xf32, #tpu.memory_space<vmem>>
      %dma_wait3A_192 = tpu.memref_squeeze %dma_wait3A_191 : memref<1x64x80xf32, #tpu.memory_space<vmem>> -> memref<64x80xf32, #tpu.memory_space<vmem>>
      %dma_wait3A_193 = arith.constant 0 : i32
      %dma_wait3A_194 = tpu.memref_slice %arg12[%add3A_23, %dma_wait3A_193] : memref<10112x80xf32, #tpu.memory_space<vmem_shared>> -> memref<64x80xf32, #tpu.memory_space<vmem_shared>>
      %dma_wait3A_195 = arith.constant 0 : i32
      %dma_wait3A_196 = tpu.memref_slice %arg12[%add3A_23, %dma_wait3A_195] : memref<10112x80xf32, #tpu.memory_space<vmem_shared>> -> memref<64x80xf32, #tpu.memory_space<vmem_shared>>
      %dma_wait3A_197 = arith.constant 0 : i32
      %dma_wait3A_198 = arith.constant 0 : i32
      %dma_wait3A_199 = tpu.memref_slice %arg11[%run_scoped3A_24, %dma_wait3A_197, %dma_wait3A_198] : memref<2x64x80xf32, #tpu.memory_space<vmem>> -> memref<1x64x80xf32, #tpu.memory_space<vmem>>
      %dma_wait3A_200 = tpu.memref_squeeze %dma_wait3A_199 : memref<1x64x80xf32, #tpu.memory_space<vmem>> -> memref<64x80xf32, #tpu.memory_space<vmem>>
      tpu.wait_dma2 semaphore(%run_scoped3A_176 : memref<!tpu.dma_semaphore, #tpu.memory_space<semaphore_mem>>) src(%dma_wait3A_200 : memref<64x80xf32, #tpu.memory_space<vmem>>) dst(%dma_wait3A_196 : memref<64x80xf32, #tpu.memory_space<vmem_shared>>)
      tpu.yield
    }) : () -> ()
    %add3A_25 = arith.constant 320 : i32
    %add3A_26 = arith.addi %mul3A_11, %add3A_25 : i32
    %run_scoped3A_27 = arith.constant 0 : i32
    "tpu.region"() ({
      %run_scoped3A_176 = tpu.sem_alloc : memref<!tpu.dma_semaphore, #tpu.memory_space<semaphore_mem>>
      %dma_start3A_177 = arith.constant 0 : i32
      %dma_start3A_178 = arith.constant 0 : i32
      %dma_start3A_179 = tpu.memref_slice %arg11[%run_scoped3A_27, %dma_start3A_177, %dma_start3A_178] : memref<2x64x80xf32, #tpu.memory_space<vmem>> -> memref<1x64x80xf32, #tpu.memory_space<vmem>>
      %dma_start3A_180 = tpu.memref_squeeze %dma_start3A_179 : memref<1x64x80xf32, #tpu.memory_space<vmem>> -> memref<64x80xf32, #tpu.memory_space<vmem>>
      %dma_start3A_181 = arith.constant 0 : i32
      %dma_start3A_182 = tpu.memref_slice %arg12[%add3A_26, %dma_start3A_181] : memref<10112x80xf32, #tpu.memory_space<vmem_shared>> -> memref<64x80xf32, #tpu.memory_space<vmem_shared>>
      %dma_start3A_183 = arith.constant 0 : i32
      %dma_start3A_184 = tpu.memref_slice %arg12[%add3A_26, %dma_start3A_183] : memref<10112x80xf32, #tpu.memory_space<vmem_shared>> -> memref<64x80xf32, #tpu.memory_space<vmem_shared>>
      %dma_start3A_185 = arith.constant 0 : i32
      %dma_start3A_186 = arith.constant 0 : i32
      %dma_start3A_187 = tpu.memref_slice %arg11[%run_scoped3A_27, %dma_start3A_185, %dma_start3A_186] : memref<2x64x80xf32, #tpu.memory_space<vmem>> -> memref<1x64x80xf32, #tpu.memory_space<vmem>>
      %dma_start3A_188 = tpu.memref_squeeze %dma_start3A_187 : memref<1x64x80xf32, #tpu.memory_space<vmem>> -> memref<64x80xf32, #tpu.memory_space<vmem>>
      tpu.enqueue_dma source(%dma_start3A_188 : memref<64x80xf32, #tpu.memory_space<vmem>>) target(%dma_start3A_184 : memref<64x80xf32, #tpu.memory_space<vmem_shared>>) target_semaphore(%run_scoped3A_176 : memref<!tpu.dma_semaphore, #tpu.memory_space<semaphore_mem>>)
      %dma_wait3A_189 = arith.constant 0 : i32
      %dma_wait3A_190 = arith.constant 0 : i32
      %dma_wait3A_191 = tpu.memref_slice %arg11[%run_scoped3A_27, %dma_wait3A_189, %dma_wait3A_190] : memref<2x64x80xf32, #tpu.memory_space<vmem>> -> memref<1x64x80xf32, #tpu.memory_space<vmem>>
      %dma_wait3A_192 = tpu.memref_squeeze %dma_wait3A_191 : memref<1x64x80xf32, #tpu.memory_space<vmem>> -> memref<64x80xf32, #tpu.memory_space<vmem>>
      %dma_wait3A_193 = arith.constant 0 : i32
      %dma_wait3A_194 = tpu.memref_slice %arg12[%add3A_26, %dma_wait3A_193] : memref<10112x80xf32, #tpu.memory_space<vmem_shared>> -> memref<64x80xf32, #tpu.memory_space<vmem_shared>>
      %dma_wait3A_195 = arith.constant 0 : i32
      %dma_wait3A_196 = tpu.memref_slice %arg12[%add3A_26, %dma_wait3A_195] : memref<10112x80xf32, #tpu.memory_space<vmem_shared>> -> memref<64x80xf32, #tpu.memory_space<vmem_shared>>
      %dma_wait3A_197 = arith.constant 0 : i32
      %dma_wait3A_198 = arith.constant 0 : i32
      %dma_wait3A_199 = tpu.memref_slice %arg11[%run_scoped3A_27, %dma_wait3A_197, %dma_wait3A_198] : memref<2x64x80xf32, #tpu.memory_space<vmem>> -> memref<1x64x80xf32, #tpu.memory_space<vmem>>
      %dma_wait3A_200 = tpu.memref_squeeze %dma_wait3A_199 : memref<1x64x80xf32, #tpu.memory_space<vmem>> -> memref<64x80xf32, #tpu.memory_space<vmem>>
      tpu.wait_dma2 semaphore(%run_scoped3A_176 : memref<!tpu.dma_semaphore, #tpu.memory_space<semaphore_mem>>) src(%dma_wait3A_200 : memref<64x80xf32, #tpu.memory_space<vmem>>) dst(%dma_wait3A_196 : memref<64x80xf32, #tpu.memory_space<vmem_shared>>)
      tpu.yield
    }) : () -> ()
    %add3A_28 = arith.constant 384 : i32
    %add3A_29 = arith.addi %mul3A_11, %add3A_28 : i32
    %run_scoped3A_30 = arith.constant 0 : i32
    "tpu.region"() ({
      %run_scoped3A_176 = tpu.sem_alloc : memref<!tpu.dma_semaphore, #tpu.memory_space<semaphore_mem>>
      %dma_start3A_177 = arith.constant 0 : i32
      %dma_start3A_178 = arith.constant 0 : i32
      %dma_start3A_179 = tpu.memref_slice %arg11[%run_scoped3A_30, %dma_start3A_177, %dma_start3A_178] : memref<2x64x80xf32, #tpu.memory_space<vmem>> -> memref<1x64x80xf32, #tpu.memory_space<vmem>>
      %dma_start3A_180 = tpu.memref_squeeze %dma_start3A_179 : memref<1x64x80xf32, #tpu.memory_space<vmem>> -> memref<64x80xf32, #tpu.memory_space<vmem>>
      %dma_start3A_181 = arith.constant 0 : i32
      %dma_start3A_182 = tpu.memref_slice %arg12[%add3A_29, %dma_start3A_181] : memref<10112x80xf32, #tpu.memory_space<vmem_shared>> -> memref<64x80xf32, #tpu.memory_space<vmem_shared>>
      %dma_start3A_183 = arith.constant 0 : i32
      %dma_start3A_184 = tpu.memref_slice %arg12[%add3A_29, %dma_start3A_183] : memref<10112x80xf32, #tpu.memory_space<vmem_shared>> -> memref<64x80xf32, #tpu.memory_space<vmem_shared>>
      %dma_start3A_185 = arith.constant 0 : i32
      %dma_start3A_186 = arith.constant 0 : i32
      %dma_start3A_187 = tpu.memref_slice %arg11[%run_scoped3A_30, %dma_start3A_185, %dma_start3A_186] : memref<2x64x80xf32, #tpu.memory_space<vmem>> -> memref<1x64x80xf32, #tpu.memory_space<vmem>>
      %dma_start3A_188 = tpu.memref_squeeze %dma_start3A_187 : memref<1x64x80xf32, #tpu.memory_space<vmem>> -> memref<64x80xf32, #tpu.memory_space<vmem>>
      tpu.enqueue_dma source(%dma_start3A_188 : memref<64x80xf32, #tpu.memory_space<vmem>>) target(%dma_start3A_184 : memref<64x80xf32, #tpu.memory_space<vmem_shared>>) target_semaphore(%run_scoped3A_176 : memref<!tpu.dma_semaphore, #tpu.memory_space<semaphore_mem>>)
      %dma_wait3A_189 = arith.constant 0 : i32
      %dma_wait3A_190 = arith.constant 0 : i32
      %dma_wait3A_191 = tpu.memref_slice %arg11[%run_scoped3A_30, %dma_wait3A_189, %dma_wait3A_190] : memref<2x64x80xf32, #tpu.memory_space<vmem>> -> memref<1x64x80xf32, #tpu.memory_space<vmem>>
      %dma_wait3A_192 = tpu.memref_squeeze %dma_wait3A_191 : memref<1x64x80xf32, #tpu.memory_space<vmem>> -> memref<64x80xf32, #tpu.memory_space<vmem>>
      %dma_wait3A_193 = arith.constant 0 : i32
      %dma_wait3A_194 = tpu.memref_slice %arg12[%add3A_29, %dma_wait3A_193] : memref<10112x80xf32, #tpu.memory_space<vmem_shared>> -> memref<64x80xf32, #tpu.memory_space<vmem_shared>>
      %dma_wait3A_195 = arith.constant 0 : i32
      %dma_wait3A_196 = tpu.memref_slice %arg12[%add3A_29, %dma_wait3A_195] : memref<10112x80xf32, #tpu.memory_space<vmem_shared>> -> memref<64x80xf32, #tpu.memory_space<vmem_shared>>
      %dma_wait3A_197 = arith.constant 0 : i32
      %dma_wait3A_198 = arith.constant 0 : i32
      %dma_wait3A_199 = tpu.memref_slice %arg11[%run_scoped3A_30, %dma_wait3A_197, %dma_wait3A_198] : memref<2x64x80xf32, #tpu.memory_space<vmem>> -> memref<1x64x80xf32, #tpu.memory_space<vmem>>
      %dma_wait3A_200 = tpu.memref_squeeze %dma_wait3A_199 : memref<1x64x80xf32, #tpu.memory_space<vmem>> -> memref<64x80xf32, #tpu.memory_space<vmem>>
      tpu.wait_dma2 semaphore(%run_scoped3A_176 : memref<!tpu.dma_semaphore, #tpu.memory_space<semaphore_mem>>) src(%dma_wait3A_200 : memref<64x80xf32, #tpu.memory_space<vmem>>) dst(%dma_wait3A_196 : memref<64x80xf32, #tpu.memory_space<vmem_shared>>)
      tpu.yield
    }) : () -> ()
    %add3A_31 = arith.constant 448 : i32
    %add3A_32 = arith.addi %mul3A_11, %add3A_31 : i32
    %run_scoped3A_33 = arith.constant 0 : i32
    "tpu.region"() ({
      %run_scoped3A_176 = tpu.sem_alloc : memref<!tpu.dma_semaphore, #tpu.memory_space<semaphore_mem>>
      %dma_start3A_177 = arith.constant 0 : i32
      %dma_start3A_178 = arith.constant 0 : i32
      %dma_start3A_179 = tpu.memref_slice %arg11[%run_scoped3A_33, %dma_start3A_177, %dma_start3A_178] : memref<2x64x80xf32, #tpu.memory_space<vmem>> -> memref<1x64x80xf32, #tpu.memory_space<vmem>>
      %dma_start3A_180 = tpu.memref_squeeze %dma_start3A_179 : memref<1x64x80xf32, #tpu.memory_space<vmem>> -> memref<64x80xf32, #tpu.memory_space<vmem>>
      %dma_start3A_181 = arith.constant 0 : i32
      %dma_start3A_182 = tpu.memref_slice %arg12[%add3A_32, %dma_start3A_181] : memref<10112x80xf32, #tpu.memory_space<vmem_shared>> -> memref<64x80xf32, #tpu.memory_space<vmem_shared>>
      %dma_start3A_183 = arith.constant 0 : i32
      %dma_start3A_184 = tpu.memref_slice %arg12[%add3A_32, %dma_start3A_183] : memref<10112x80xf32, #tpu.memory_space<vmem_shared>> -> memref<64x80xf32, #tpu.memory_space<vmem_shared>>
      %dma_start3A_185 = arith.constant 0 : i32
      %dma_start3A_186 = arith.constant 0 : i32
      %dma_start3A_187 = tpu.memref_slice %arg11[%run_scoped3A_33, %dma_start3A_185, %dma_start3A_186] : memref<2x64x80xf32, #tpu.memory_space<vmem>> -> memref<1x64x80xf32, #tpu.memory_space<vmem>>
      %dma_start3A_188 = tpu.memref_squeeze %dma_start3A_187 : memref<1x64x80xf32, #tpu.memory_space<vmem>> -> memref<64x80xf32, #tpu.memory_space<vmem>>
      tpu.enqueue_dma source(%dma_start3A_188 : memref<64x80xf32, #tpu.memory_space<vmem>>) target(%dma_start3A_184 : memref<64x80xf32, #tpu.memory_space<vmem_shared>>) target_semaphore(%run_scoped3A_176 : memref<!tpu.dma_semaphore, #tpu.memory_space<semaphore_mem>>)
      %dma_wait3A_189 = arith.constant 0 : i32
      %dma_wait3A_190 = arith.constant 0 : i32
      %dma_wait3A_191 = tpu.memref_slice %arg11[%run_scoped3A_33, %dma_wait3A_189, %dma_wait3A_190] : memref<2x64x80xf32, #tpu.memory_space<vmem>> -> memref<1x64x80xf32, #tpu.memory_space<vmem>>
      %dma_wait3A_192 = tpu.memref_squeeze %dma_wait3A_191 : memref<1x64x80xf32, #tpu.memory_space<vmem>> -> memref<64x80xf32, #tpu.memory_space<vmem>>
      %dma_wait3A_193 = arith.constant 0 : i32
      %dma_wait3A_194 = tpu.memref_slice %arg12[%add3A_32, %dma_wait3A_193] : memref<10112x80xf32, #tpu.memory_space<vmem_shared>> -> memref<64x80xf32, #tpu.memory_space<vmem_shared>>
      %dma_wait3A_195 = arith.constant 0 : i32
      %dma_wait3A_196 = tpu.memref_slice %arg12[%add3A_32, %dma_wait3A_195] : memref<10112x80xf32, #tpu.memory_space<vmem_shared>> -> memref<64x80xf32, #tpu.memory_space<vmem_shared>>
      %dma_wait3A_197 = arith.constant 0 : i32
      %dma_wait3A_198 = arith.constant 0 : i32
      %dma_wait3A_199 = tpu.memref_slice %arg11[%run_scoped3A_33, %dma_wait3A_197, %dma_wait3A_198] : memref<2x64x80xf32, #tpu.memory_space<vmem>> -> memref<1x64x80xf32, #tpu.memory_space<vmem>>
      %dma_wait3A_200 = tpu.memref_squeeze %dma_wait3A_199 : memref<1x64x80xf32, #tpu.memory_space<vmem>> -> memref<64x80xf32, #tpu.memory_space<vmem>>
      tpu.wait_dma2 semaphore(%run_scoped3A_176 : memref<!tpu.dma_semaphore, #tpu.memory_space<semaphore_mem>>) src(%dma_wait3A_200 : memref<64x80xf32, #tpu.memory_space<vmem>>) dst(%dma_wait3A_196 : memref<64x80xf32, #tpu.memory_space<vmem_shared>>)
      tpu.yield
    }) : () -> ()
    %add3A_34 = arith.constant 512 : i32
    %add3A_35 = arith.addi %mul3A_11, %add3A_34 : i32
    %run_scoped3A_36 = arith.constant 0 : i32
    "tpu.region"() ({
      %run_scoped3A_176 = tpu.sem_alloc : memref<!tpu.dma_semaphore, #tpu.memory_space<semaphore_mem>>
      %dma_start3A_177 = arith.constant 0 : i32
      %dma_start3A_178 = arith.constant 0 : i32
      %dma_start3A_179 = tpu.memref_slice %arg11[%run_scoped3A_36, %dma_start3A_177, %dma_start3A_178] : memref<2x64x80xf32, #tpu.memory_space<vmem>> -> memref<1x64x80xf32, #tpu.memory_space<vmem>>
      %dma_start3A_180 = tpu.memref_squeeze %dma_start3A_179 : memref<1x64x80xf32, #tpu.memory_space<vmem>> -> memref<64x80xf32, #tpu.memory_space<vmem>>
      %dma_start3A_181 = arith.constant 0 : i32
      %dma_start3A_182 = tpu.memref_slice %arg12[%add3A_35, %dma_start3A_181] : memref<10112x80xf32, #tpu.memory_space<vmem_shared>> -> memref<64x80xf32, #tpu.memory_space<vmem_shared>>
      %dma_start3A_183 = arith.constant 0 : i32
      %dma_start3A_184 = tpu.memref_slice %arg12[%add3A_35, %dma_start3A_183] : memref<10112x80xf32, #tpu.memory_space<vmem_shared>> -> memref<64x80xf32, #tpu.memory_space<vmem_shared>>
      %dma_start3A_185 = arith.constant 0 : i32
      %dma_start3A_186 = arith.constant 0 : i32
      %dma_start3A_187 = tpu.memref_slice %arg11[%run_scoped3A_36, %dma_start3A_185, %dma_start3A_186] : memref<2x64x80xf32, #tpu.memory_space<vmem>> -> memref<1x64x80xf32, #tpu.memory_space<vmem>>
      %dma_start3A_188 = tpu.memref_squeeze %dma_start3A_187 : memref<1x64x80xf32, #tpu.memory_space<vmem>> -> memref<64x80xf32, #tpu.memory_space<vmem>>
      tpu.enqueue_dma source(%dma_start3A_188 : memref<64x80xf32, #tpu.memory_space<vmem>>) target(%dma_start3A_184 : memref<64x80xf32, #tpu.memory_space<vmem_shared>>) target_semaphore(%run_scoped3A_176 : memref<!tpu.dma_semaphore, #tpu.memory_space<semaphore_mem>>)
      %dma_wait3A_189 = arith.constant 0 : i32
      %dma_wait3A_190 = arith.constant 0 : i32
      %dma_wait3A_191 = tpu.memref_slice %arg11[%run_scoped3A_36, %dma_wait3A_189, %dma_wait3A_190] : memref<2x64x80xf32, #tpu.memory_space<vmem>> -> memref<1x64x80xf32, #tpu.memory_space<vmem>>
      %dma_wait3A_192 = tpu.memref_squeeze %dma_wait3A_191 : memref<1x64x80xf32, #tpu.memory_space<vmem>> -> memref<64x80xf32, #tpu.memory_space<vmem>>
      %dma_wait3A_193 = arith.constant 0 : i32
      %dma_wait3A_194 = tpu.memref_slice %arg12[%add3A_35, %dma_wait3A_193] : memref<10112x80xf32, #tpu.memory_space<vmem_shared>> -> memref<64x80xf32, #tpu.memory_space<vmem_shared>>
      %dma_wait3A_195 = arith.constant 0 : i32
      %dma_wait3A_196 = tpu.memref_slice %arg12[%add3A_35, %dma_wait3A_195] : memref<10112x80xf32, #tpu.memory_space<vmem_shared>> -> memref<64x80xf32, #tpu.memory_space<vmem_shared>>
      %dma_wait3A_197 = arith.constant 0 : i32
      %dma_wait3A_198 = arith.constant 0 : i32
      %dma_wait3A_199 = tpu.memref_slice %arg11[%run_scoped3A_36, %dma_wait3A_197, %dma_wait3A_198] : memref<2x64x80xf32, #tpu.memory_space<vmem>> -> memref<1x64x80xf32, #tpu.memory_space<vmem>>
      %dma_wait3A_200 = tpu.memref_squeeze %dma_wait3A_199 : memref<1x64x80xf32, #tpu.memory_space<vmem>> -> memref<64x80xf32, #tpu.memory_space<vmem>>
      tpu.wait_dma2 semaphore(%run_scoped3A_176 : memref<!tpu.dma_semaphore, #tpu.memory_space<semaphore_mem>>) src(%dma_wait3A_200 : memref<64x80xf32, #tpu.memory_space<vmem>>) dst(%dma_wait3A_196 : memref<64x80xf32, #tpu.memory_space<vmem_shared>>)
      tpu.yield
    }) : () -> ()
    %add3A_37 = arith.constant 576 : i32
    %add3A_38 = arith.addi %mul3A_11, %add3A_37 : i32
    %run_scoped3A_39 = arith.constant 0 : i32
    "tpu.region"() ({
      %run_scoped3A_176 = tpu.sem_alloc : memref<!tpu.dma_semaphore, #tpu.memory_space<semaphore_mem>>
      %dma_start3A_177 = arith.constant 0 : i32
      %dma_start3A_178 = arith.constant 0 : i32
      %dma_start3A_179 = tpu.memref_slice %arg11[%run_scoped3A_39, %dma_start3A_177, %dma_start3A_178] : memref<2x64x80xf32, #tpu.memory_space<vmem>> -> memref<1x56x80xf32, #tpu.memory_space<vmem>>
      %dma_start3A_180 = tpu.memref_squeeze %dma_start3A_179 : memref<1x56x80xf32, #tpu.memory_space<vmem>> -> memref<56x80xf32, #tpu.memory_space<vmem>>
      %dma_start3A_181 = arith.constant 0 : i32
      %dma_start3A_182 = tpu.memref_slice %arg12[%add3A_38, %dma_start3A_181] : memref<10112x80xf32, #tpu.memory_space<vmem_shared>> -> memref<56x80xf32, #tpu.memory_space<vmem_shared>>
      %dma_start3A_183 = arith.constant 0 : i32
      %dma_start3A_184 = tpu.memref_slice %arg12[%add3A_38, %dma_start3A_183] : memref<10112x80xf32, #tpu.memory_space<vmem_shared>> -> memref<56x80xf32, #tpu.memory_space<vmem_shared>>
      %dma_start3A_185 = arith.constant 0 : i32
      %dma_start3A_186 = arith.constant 0 : i32
      %dma_start3A_187 = tpu.memref_slice %arg11[%run_scoped3A_39, %dma_start3A_185, %dma_start3A_186] : memref<2x64x80xf32, #tpu.memory_space<vmem>> -> memref<1x56x80xf32, #tpu.memory_space<vmem>>
      %dma_start3A_188 = tpu.memref_squeeze %dma_start3A_187 : memref<1x56x80xf32, #tpu.memory_space<vmem>> -> memref<56x80xf32, #tpu.memory_space<vmem>>
      tpu.enqueue_dma source(%dma_start3A_188 : memref<56x80xf32, #tpu.memory_space<vmem>>) target(%dma_start3A_184 : memref<56x80xf32, #tpu.memory_space<vmem_shared>>) target_semaphore(%run_scoped3A_176 : memref<!tpu.dma_semaphore, #tpu.memory_space<semaphore_mem>>)
      %dma_wait3A_189 = arith.constant 0 : i32
      %dma_wait3A_190 = arith.constant 0 : i32
      %dma_wait3A_191 = tpu.memref_slice %arg11[%run_scoped3A_39, %dma_wait3A_189, %dma_wait3A_190] : memref<2x64x80xf32, #tpu.memory_space<vmem>> -> memref<1x56x80xf32, #tpu.memory_space<vmem>>
      %dma_wait3A_192 = tpu.memref_squeeze %dma_wait3A_191 : memref<1x56x80xf32, #tpu.memory_space<vmem>> -> memref<56x80xf32, #tpu.memory_space<vmem>>
      %dma_wait3A_193 = arith.constant 0 : i32
      %dma_wait3A_194 = tpu.memref_slice %arg12[%add3A_38, %dma_wait3A_193] : memref<10112x80xf32, #tpu.memory_space<vmem_shared>> -> memref<56x80xf32, #tpu.memory_space<vmem_shared>>
      %dma_wait3A_195 = arith.constant 0 : i32
      %dma_wait3A_196 = tpu.memref_slice %arg12[%add3A_38, %dma_wait3A_195] : memref<10112x80xf32, #tpu.memory_space<vmem_shared>> -> memref<56x80xf32, #tpu.memory_space<vmem_shared>>
      %dma_wait3A_197 = arith.constant 0 : i32
      %dma_wait3A_198 = arith.constant 0 : i32
      %dma_wait3A_199 = tpu.memref_slice %arg11[%run_scoped3A_39, %dma_wait3A_197, %dma_wait3A_198] : memref<2x64x80xf32, #tpu.memory_space<vmem>> -> memref<1x56x80xf32, #tpu.memory_space<vmem>>
      %dma_wait3A_200 = tpu.memref_squeeze %dma_wait3A_199 : memref<1x56x80xf32, #tpu.memory_space<vmem>> -> memref<56x80xf32, #tpu.memory_space<vmem>>
      tpu.wait_dma2 semaphore(%run_scoped3A_176 : memref<!tpu.dma_semaphore, #tpu.memory_space<semaphore_mem>>) src(%dma_wait3A_200 : memref<56x80xf32, #tpu.memory_space<vmem>>) dst(%dma_wait3A_196 : memref<56x80xf32, #tpu.memory_space<vmem_shared>>)
      tpu.yield
    }) : () -> ()
    %scan3A_40 = arith.constant 0 : i32
    %scan3A_41 = arith.constant 0 : i32
    %scan3A_42 = arith.constant 64 : i32
    %scan3A_43 = arith.addi %scan3A_41, %scan3A_42 : i32
    %scan3A_44 = arith.constant 1 : i32
    scf.for %scan3A_176 = %scan3A_41 to %scan3A_43 step %scan3A_44  : i32 {
      %swap3A = arith.constant 0 : i32
      %swap3A_177 = arith.index_cast %swap3A : i32 to index
      %swap3A_178 = arith.index_cast %scan3A_176 : i32 to index
      %swap3A_179 = arith.constant 64 : index
      %swap3A_180 = tpu.vector_load %arg11[%swap3A_177, %swap3A_178, %swap3A_179] {strides = array<i32>} : memref<2x64x80xf32, #tpu.memory_space<vmem>>, vector<1x1x16xf32>,
      %swap3A_181 = vector.shape_cast %swap3A_180 : vector<1x1x16xf32> to vector<16xf32>
      %swap3A_182 = vector.shape_cast %select_n3A : vector<16xf32> to vector<1x1x16xf32>
      tpu.vector_store %arg11[%swap3A_177, %swap3A_178, %swap3A_179], %swap3A_182 {strides = array<i32>} : memref<2x64x80xf32, #tpu.memory_space<vmem>>, vector<1x1x16xf32>,
      %swap3A_183 = arith.constant 1 : i32
      %swap3A_184 = arith.index_cast %swap3A_183 : i32 to index
      %swap3A_185 = arith.index_cast %scan3A_176 : i32 to index
      %swap3A_186 = arith.constant 64 : index
      %swap3A_187 = tpu.vector_load %arg11[%swap3A_184, %swap3A_185, %swap3A_186] {strides = array<i32>} : memref<2x64x80xf32, #tpu.memory_space<vmem>>, vector<1x1x16xf32>,
      %swap3A_188 = vector.shape_cast %swap3A_187 : vector<1x1x16xf32> to vector<16xf32>
      %swap3A_189 = vector.shape_cast %select_n3A : vector<16xf32> to vector<1x1x16xf32>
      tpu.vector_store %arg11[%swap3A_184, %swap3A_185, %swap3A_186], %swap3A_189 {strides = array<i32>} : memref<2x64x80xf32, #tpu.memory_space<vmem>>, vector<1x1x16xf32>,
    }
    %scan3A_45 = arith.constant 64 : i32
    %barrier3A = arith.constant 0 : index
    tpu.barrier barrier_id(%barrier3A)
    %mul3A_46 = arith.constant 320 : i32
    %mul3A_47 = arith.muli %arg1, %mul3A_46 : i32
    "tpu.region"() ({
      %run_scoped3A_176 = tpu.sem_alloc : memref<!tpu.dma_semaphore, #tpu.memory_space<semaphore_mem>>
      %dma_start3A_177 = arith.constant 0 : i32
      %dma_start3A_178 = tpu.memref_slice %arg4[%mul3A_47, %dma_start3A_177] : memref<5120x64xi32, #tpu.memory_space<hbm>> -> memref<320x64xi32, #tpu.memory_space<hbm>>
      %dma_start3A_179 = arith.constant 0 : i32
      %dma_start3A_180 = tpu.memref_slice %arg4[%mul3A_47, %dma_start3A_179] : memref<5120x64xi32, #tpu.memory_space<hbm>> -> memref<320x64xi32, #tpu.memory_space<hbm>>
      tpu.enqueue_dma source(%dma_start3A_180 : memref<320x64xi32, #tpu.memory_space<hbm>>) target(%arg7 : memref<320x64xi32, #tpu.memory_space<vmem>>) target_semaphore(%run_scoped3A_176 : memref<!tpu.dma_semaphore, #tpu.memory_space<semaphore_mem>>)
      %dma_wait3A_181 = arith.constant 0 : i32
      %dma_wait3A_182 = tpu.memref_slice %arg4[%mul3A_47, %dma_wait3A_181] : memref<5120x64xi32, #tpu.memory_space<hbm>> -> memref<320x64xi32, #tpu.memory_space<hbm>>
      %dma_wait3A_183 = arith.constant 0 : i32
      %dma_wait3A_184 = tpu.memref_slice %arg4[%mul3A_47, %dma_wait3A_183] : memref<5120x64xi32, #tpu.memory_space<hbm>> -> memref<320x64xi32, #tpu.memory_space<hbm>>
      tpu.wait_dma2 semaphore(%run_scoped3A_176 : memref<!tpu.dma_semaphore, #tpu.memory_space<semaphore_mem>>) src(%dma_wait3A_184 : memref<320x64xi32, #tpu.memory_space<hbm>>) dst(%arg7 : memref<320x64xi32, #tpu.memory_space<vmem>>)
      tpu.yield
    }) : () -> ()
    %mul3A_48 = arith.constant 320 : i32
    %mul3A_49 = arith.muli %arg1, %mul3A_48 : i32
    "tpu.region"() ({
      %run_scoped3A_176 = tpu.sem_alloc : memref<!tpu.dma_semaphore, #tpu.memory_space<semaphore_mem>>
      %dma_start3A_177 = arith.constant 0 : i32
      %dma_start3A_178 = tpu.memref_slice %arg5[%mul3A_49, %dma_start3A_177] : memref<5120x64xi32, #tpu.memory_space<hbm>> -> memref<320x64xi32, #tpu.memory_space<hbm>>
      %dma_start3A_179 = arith.constant 0 : i32
      %dma_start3A_180 = tpu.memref_slice %arg5[%mul3A_49, %dma_start3A_179] : memref<5120x64xi32, #tpu.memory_space<hbm>> -> memref<320x64xi32, #tpu.memory_space<hbm>>
      tpu.enqueue_dma source(%dma_start3A_180 : memref<320x64xi32, #tpu.memory_space<hbm>>) target(%arg8 : memref<320x64xi32, #tpu.memory_space<vmem>>) target_semaphore(%run_scoped3A_176 : memref<!tpu.dma_semaphore, #tpu.memory_space<semaphore_mem>>)
      %dma_wait3A_181 = arith.constant 0 : i32
      %dma_wait3A_182 = tpu.memref_slice %arg5[%mul3A_49, %dma_wait3A_181] : memref<5120x64xi32, #tpu.memory_space<hbm>> -> memref<320x64xi32, #tpu.memory_space<hbm>>
      %dma_wait3A_183 = arith.constant 0 : i32
      %dma_wait3A_184 = tpu.memref_slice %arg5[%mul3A_49, %dma_wait3A_183] : memref<5120x64xi32, #tpu.memory_space<hbm>> -> memref<320x64xi32, #tpu.memory_space<hbm>>
      tpu.wait_dma2 semaphore(%run_scoped3A_176 : memref<!tpu.dma_semaphore, #tpu.memory_space<semaphore_mem>>) src(%dma_wait3A_184 : memref<320x64xi32, #tpu.memory_space<hbm>>) dst(%arg8 : memref<320x64xi32, #tpu.memory_space<vmem>>)
      tpu.yield
    }) : () -> ()
    %mul3A_50 = arith.constant 320 : i32
    %mul3A_51 = arith.muli %arg1, %mul3A_50 : i32
    %add3A_52 = arith.constant 0 : i32
    %add3A_53 = arith.addi %mul3A_51, %add3A_52 : i32
    %mul3A_54 = arith.constant 64 : i32
    %mul3A_55 = arith.muli %add3A_53, %mul3A_54 : i32
    %dma_start3A = arith.constant 0 : i32
    %dma_start3A_56 = arith.constant 0 : i32
    %dma_start3A_57 = arith.constant 0 : i32
    %dma_start3A_58 = arith.constant 0 : i32
    %dma_start3A_59 = tpu.memref_slice %arg9[%dma_start3A_56, %dma_start3A_57, %dma_start3A_58] : memref<2x64x64xf32, #tpu.memory_space<vmem>> -> memref<1x64x64xf32, #tpu.memory_space<vmem>>
    %dma_start3A_60 = tpu.memref_squeeze %dma_start3A_59 : memref<1x64x64xf32, #tpu.memory_space<vmem>> -> memref<64x64xf32, #tpu.memory_space<vmem>>
    %dma_start3A_61 = arith.constant 0 : i32
    %dma_start3A_62 = tpu.memref_slice %arg7[%dma_start3A, %dma_start3A_61] : memref<320x64xi32, #tpu.memory_space<vmem>> -> memref<1x64xi32, #tpu.memory_space<vmem>>
    %dma_start3A_63 = tpu.memref_squeeze %dma_start3A_62 : memref<1x64xi32, #tpu.memory_space<vmem>> -> memref<64xi32, #tpu.memory_space<vmem>>
    %dma_start3A_64 = arith.constant 0 : i32
    %dma_start3A_65 = arith.constant 0 : i32
    %dma_start3A_66 = tpu.memref_slice %arg2[%arg0, %dma_start3A_64, %dma_start3A_65] : memref<2x10000x64xf32, #tpu.memory_space<hbm>> -> memref<1x10000x64xf32, #tpu.memory_space<hbm>>
    %dma_start3A_67 = tpu.memref_squeeze %dma_start3A_66 : memref<1x10000x64xf32, #tpu.memory_space<hbm>> -> memref<10000x64xf32, #tpu.memory_space<hbm>>
    %dma_start3A_68 = arith.constant 0 : i32
    %dma_start3A_69 = arith.constant 0 : i32
    %dma_start3A_70 = tpu.memref_slice %dma_start3A_67[%dma_start3A_68, %dma_start3A_69] : memref<10000x64xf32, #tpu.memory_space<hbm>> -> memref<10000x64xf32, #tpu.memory_space<hbm>>
    tpu.enqueue_indirect_dma source(%dma_start3A_70 : memref<10000x64xf32, #tpu.memory_space<hbm>>) target(%dma_start3A_60 : memref<64x64xf32, #tpu.memory_space<vmem>>) offsets(%dma_start3A_63 : memref<64xi32, #tpu.memory_space<vmem>>) semaphore(%arg13 : memref<!tpu.dma_semaphore, #tpu.memory_space<semaphore_mem>>)
    %dma_start3A_71 = arith.constant 0 : i32
    %dma_start3A_72 = arith.constant 0 : i32
    %dma_start3A_73 = arith.constant 0 : i32
    %dma_start3A_74 = tpu.memref_slice %arg10[%dma_start3A_71, %dma_start3A_72, %dma_start3A_73] : memref<2x64x64xf32, #tpu.memory_space<vmem>> -> memref<1x64x64xf32, #tpu.memory_space<vmem>>
    %dma_start3A_75 = tpu.memref_squeeze %dma_start3A_74 : memref<1x64x64xf32, #tpu.memory_space<vmem>> -> memref<64x64xf32, #tpu.memory_space<vmem>>
    %dma_start3A_76 = arith.constant 0 : i32
    %dma_start3A_77 = tpu.memref_slice %arg3[%arg0, %mul3A_55, %dma_start3A_76] : memref<2x327680x64xf32, #tpu.memory_space<hbm>> -> memref<1x64x64xf32, #tpu.memory_space<hbm>>
    %dma_start3A_78 = tpu.memref_squeeze %dma_start3A_77 : memref<1x64x64xf32, #tpu.memory_space<hbm>> -> memref<64x64xf32, #tpu.memory_space<hbm>>
    %dma_start3A_79 = arith.constant 0 : i32
    %dma_start3A_80 = arith.constant 0 : i32
    %dma_start3A_81 = tpu.memref_slice %arg10[%dma_start3A_71, %dma_start3A_79, %dma_start3A_80] : memref<2x64x64xf32, #tpu.memory_space<vmem>> -> memref<1x64x64xf32, #tpu.memory_space<vmem>>
    %dma_start3A_82 = tpu.memref_squeeze %dma_start3A_81 : memref<1x64x64xf32, #tpu.memory_space<vmem>> -> memref<64x64xf32, #tpu.memory_space<vmem>>
    %dma_start3A_83 = arith.constant 0 : i32
    %dma_start3A_84 = tpu.memref_slice %arg3[%arg0, %mul3A_55, %dma_start3A_83] : memref<2x327680x64xf32, #tpu.memory_space<hbm>> -> memref<1x64x64xf32, #tpu.memory_space<hbm>>
    %dma_start3A_85 = tpu.memref_squeeze %dma_start3A_84 : memref<1x64x64xf32, #tpu.memory_space<hbm>> -> memref<64x64xf32, #tpu.memory_space<hbm>>
    tpu.enqueue_dma source(%dma_start3A_85 : memref<64x64xf32, #tpu.memory_space<hbm>>) target(%dma_start3A_82 : memref<64x64xf32, #tpu.memory_space<vmem>>) target_semaphore(%arg15 : memref<!tpu.dma_semaphore, #tpu.memory_space<semaphore_mem>>)
    %scan3A_86 = arith.constant 0 : i32
    %scan3A_87 = arith.constant 0 : i32
    %scan3A_88 = arith.constant 160 : i32
    %scan3A_89 = arith.addi %scan3A_87, %scan3A_88 : i32
    %scan3A_90 = arith.constant 1 : i32
    scf.for %scan3A_176 = %scan3A_87 to %scan3A_89 step %scan3A_90  : i32 {
      %mul3A_177 = arith.constant 2 : i32
      %mul3A_178 = arith.muli %mul3A_177, %scan3A_176 : i32
      %mul3A_179 = arith.constant 320 : i32
      %mul3A_180 = arith.muli %arg1, %mul3A_179 : i32
      %add3A_181 = arith.addi %mul3A_180, %mul3A_178 : i32
      %mul3A_182 = arith.constant 64 : i32
      %mul3A_183 = arith.muli %add3A_181, %mul3A_182 : i32
      %dma_wait3A_184 = arith.constant 0 : i32
      %dma_wait3A_185 = arith.constant 0 : i32
      %dma_wait3A_186 = arith.constant 0 : i32
      %dma_wait3A_187 = tpu.memref_slice %arg9[%dma_wait3A_184, %dma_wait3A_185, %dma_wait3A_186] : memref<2x64x64xf32, #tpu.memory_space<vmem>> -> memref<1x64x64xf32, #tpu.memory_space<vmem>>
      %dma_wait3A_188 = tpu.memref_squeeze %dma_wait3A_187 : memref<1x64x64xf32, #tpu.memory_space<vmem>> -> memref<64x64xf32, #tpu.memory_space<vmem>>
      %dma_wait3A_189 = arith.constant 0 : i32
      %dma_wait3A_190 = tpu.memref_slice %arg7[%mul3A_178, %dma_wait3A_189] : memref<320x64xi32, #tpu.memory_space<vmem>> -> memref<1x64xi32, #tpu.memory_space<vmem>>
      %dma_wait3A_191 = tpu.memref_squeeze %dma_wait3A_190 : memref<1x64xi32, #tpu.memory_space<vmem>> -> memref<64xi32, #tpu.memory_space<vmem>>
      %dma_wait3A_192 = arith.constant 0 : i32
      %dma_wait3A_193 = arith.constant 0 : i32
      %dma_wait3A_194 = tpu.memref_slice %arg2[%arg0, %dma_wait3A_192, %dma_wait3A_193] : memref<2x10000x64xf32, #tpu.memory_space<hbm>> -> memref<1x10000x64xf32, #tpu.memory_space<hbm>>
      %dma_wait3A_195 = tpu.memref_squeeze %dma_wait3A_194 : memref<1x10000x64xf32, #tpu.memory_space<hbm>> -> memref<10000x64xf32, #tpu.memory_space<hbm>>
      %dma_wait3A_196 = arith.constant 0 : i32
      %dma_wait3A_197 = arith.constant 0 : i32
      %dma_wait3A_198 = tpu.memref_slice %dma_wait3A_195[%dma_wait3A_196, %dma_wait3A_197] : memref<10000x64xf32, #tpu.memory_space<hbm>> -> memref<10000x64xf32, #tpu.memory_space<hbm>>
      tpu.wait_indirect_dma semaphore(%arg13 : memref<!tpu.dma_semaphore, #tpu.memory_space<semaphore_mem>>) src(%dma_wait3A_198 : memref<10000x64xf32, #tpu.memory_space<hbm>>) dst(%dma_wait3A_188 : memref<64x64xf32, #tpu.memory_space<vmem>>)
      %dma_wait3A_199 = arith.constant 0 : i32
      %dma_wait3A_200 = arith.constant 0 : i32
      %dma_wait3A_201 = arith.constant 0 : i32
      %dma_wait3A_202 = tpu.memref_slice %arg10[%dma_wait3A_199, %dma_wait3A_200, %dma_wait3A_201] : memref<2x64x64xf32, #tpu.memory_space<vmem>> -> memref<1x64x64xf32, #tpu.memory_space<vmem>>
      %dma_wait3A_203 = tpu.memref_squeeze %dma_wait3A_202 : memref<1x64x64xf32, #tpu.memory_space<vmem>> -> memref<64x64xf32, #tpu.memory_space<vmem>>
      %dma_wait3A_204 = arith.constant 0 : i32
      %dma_wait3A_205 = tpu.memref_slice %arg3[%arg0, %mul3A_183, %dma_wait3A_204] : memref<2x327680x64xf32, #tpu.memory_space<hbm>> -> memref<1x64x64xf32, #tpu.memory_space<hbm>>
      %dma_wait3A_206 = tpu.memref_squeeze %dma_wait3A_205 : memref<1x64x64xf32, #tpu.memory_space<hbm>> -> memref<64x64xf32, #tpu.memory_space<hbm>>
      %dma_wait3A_207 = arith.constant 0 : i32
      %dma_wait3A_208 = arith.constant 0 : i32
      %dma_wait3A_209 = tpu.memref_slice %arg10[%dma_wait3A_199, %dma_wait3A_207, %dma_wait3A_208] : memref<2x64x64xf32, #tpu.memory_space<vmem>> -> memref<1x64x64xf32, #tpu.memory_space<vmem>>
      %dma_wait3A_210 = tpu.memref_squeeze %dma_wait3A_209 : memref<1x64x64xf32, #tpu.memory_space<vmem>> -> memref<64x64xf32, #tpu.memory_space<vmem>>
      %dma_wait3A_211 = arith.constant 0 : i32
      %dma_wait3A_212 = tpu.memref_slice %arg3[%arg0, %mul3A_183, %dma_wait3A_211] : memref<2x327680x64xf32, #tpu.memory_space<hbm>> -> memref<1x64x64xf32, #tpu.memory_space<hbm>>
      %dma_wait3A_213 = tpu.memref_squeeze %dma_wait3A_212 : memref<1x64x64xf32, #tpu.memory_space<hbm>> -> memref<64x64xf32, #tpu.memory_space<hbm>>
      tpu.wait_dma2 semaphore(%arg15 : memref<!tpu.dma_semaphore, #tpu.memory_space<semaphore_mem>>) src(%dma_wait3A_213 : memref<64x64xf32, #tpu.memory_space<hbm>>) dst(%dma_wait3A_210 : memref<64x64xf32, #tpu.memory_space<vmem>>)
      %add3A_214 = arith.constant 1 : i32
      %add3A_215 = arith.addi %mul3A_178, %add3A_214 : i32
      %lt3A = arith.constant 320 : i32
      %lt3A_216 = arith.cmpi slt, %add3A_215, %lt3A : i32
      %convert_element_type3A = arith.extui %lt3A_216 : i1 to i32
      %cond3A = arith.constant 0 : i32
      %cond3A_217 = arith.cmpi ne, %convert_element_type3A, %cond3A : i32
      scf.if %cond3A_217 {
        %add3A_307 = arith.constant 1 : i32
        %add3A_308 = arith.addi %mul3A_178, %add3A_307 : i32
        %mul3A_309 = arith.constant 320 : i32
        %mul3A_310 = arith.muli %arg1, %mul3A_309 : i32
        %add3A_311 = arith.addi %mul3A_310, %add3A_308 : i32
        %mul3A_312 = arith.constant 64 : i32
        %mul3A_313 = arith.muli %add3A_311, %mul3A_312 : i32
        %dma_start3A_314 = arith.constant 1 : i32
        %dma_start3A_315 = arith.constant 0 : i32
        %dma_start3A_316 = arith.constant 0 : i32
        %dma_start3A_317 = tpu.memref_slice %arg9[%dma_start3A_314, %dma_start3A_315, %dma_start3A_316] : memref<2x64x64xf32, #tpu.memory_space<vmem>> -> memref<1x64x64xf32, #tpu.memory_space<vmem>>
        %dma_start3A_318 = tpu.memref_squeeze %dma_start3A_317 : memref<1x64x64xf32, #tpu.memory_space<vmem>> -> memref<64x64xf32, #tpu.memory_space<vmem>>
        %dma_start3A_319 = arith.constant 0 : i32
        %dma_start3A_320 = tpu.memref_slice %arg7[%add3A_308, %dma_start3A_319] : memref<320x64xi32, #tpu.memory_space<vmem>> -> memref<1x64xi32, #tpu.memory_space<vmem>>
        %dma_start3A_321 = tpu.memref_squeeze %dma_start3A_320 : memref<1x64xi32, #tpu.memory_space<vmem>> -> memref<64xi32, #tpu.memory_space<vmem>>
        %dma_start3A_322 = arith.constant 0 : i32
        %dma_start3A_323 = arith.constant 0 : i32
        %dma_start3A_324 = tpu.memref_slice %arg2[%arg0, %dma_start3A_322, %dma_start3A_323] : memref<2x10000x64xf32, #tpu.memory_space<hbm>> -> memref<1x10000x64xf32, #tpu.memory_space<hbm>>
        %dma_start3A_325 = tpu.memref_squeeze %dma_start3A_324 : memref<1x10000x64xf32, #tpu.memory_space<hbm>> -> memref<10000x64xf32, #tpu.memory_space<hbm>>
        %dma_start3A_326 = arith.constant 0 : i32
        %dma_start3A_327 = arith.constant 0 : i32
        %dma_start3A_328 = tpu.memref_slice %dma_start3A_325[%dma_start3A_326, %dma_start3A_327] : memref<10000x64xf32, #tpu.memory_space<hbm>> -> memref<10000x64xf32, #tpu.memory_space<hbm>>
        tpu.enqueue_indirect_dma source(%dma_start3A_328 : memref<10000x64xf32, #tpu.memory_space<hbm>>) target(%dma_start3A_318 : memref<64x64xf32, #tpu.memory_space<vmem>>) offsets(%dma_start3A_321 : memref<64xi32, #tpu.memory_space<vmem>>) semaphore(%arg14 : memref<!tpu.dma_semaphore, #tpu.memory_space<semaphore_mem>>)
        %dma_start3A_329 = arith.constant 1 : i32
        %dma_start3A_330 = arith.constant 0 : i32
        %dma_start3A_331 = arith.constant 0 : i32
        %dma_start3A_332 = tpu.memref_slice %arg10[%dma_start3A_329, %dma_start3A_330, %dma_start3A_331] : memref<2x64x64xf32, #tpu.memory_space<vmem>> -> memref<1x64x64xf32, #tpu.memory_space<vmem>>
        %dma_start3A_333 = tpu.memref_squeeze %dma_start3A_332 : memref<1x64x64xf32, #tpu.memory_space<vmem>> -> memref<64x64xf32, #tpu.memory_space<vmem>>
        %dma_start3A_334 = arith.constant 0 : i32
        %dma_start3A_335 = tpu.memref_slice %arg3[%arg0, %mul3A_313, %dma_start3A_334] : memref<2x327680x64xf32, #tpu.memory_space<hbm>> -> memref<1x64x64xf32, #tpu.memory_space<hbm>>
        %dma_start3A_336 = tpu.memref_squeeze %dma_start3A_335 : memref<1x64x64xf32, #tpu.memory_space<hbm>> -> memref<64x64xf32, #tpu.memory_space<hbm>>
        %dma_start3A_337 = arith.constant 0 : i32
        %dma_start3A_338 = arith.constant 0 : i32
        %dma_start3A_339 = tpu.memref_slice %arg10[%dma_start3A_329, %dma_start3A_337, %dma_start3A_338] : memref<2x64x64xf32, #tpu.memory_space<vmem>> -> memref<1x64x64xf32, #tpu.memory_space<vmem>>
        %dma_start3A_340 = tpu.memref_squeeze %dma_start3A_339 : memref<1x64x64xf32, #tpu.memory_space<vmem>> -> memref<64x64xf32, #tpu.memory_space<vmem>>
        %dma_start3A_341 = arith.constant 0 : i32
        %dma_start3A_342 = tpu.memref_slice %arg3[%arg0, %mul3A_313, %dma_start3A_341] : memref<2x327680x64xf32, #tpu.memory_space<hbm>> -> memref<1x64x64xf32, #tpu.memory_space<hbm>>
        %dma_start3A_343 = tpu.memref_squeeze %dma_start3A_342 : memref<1x64x64xf32, #tpu.memory_space<hbm>> -> memref<64x64xf32, #tpu.memory_space<hbm>>
        tpu.enqueue_dma source(%dma_start3A_343 : memref<64x64xf32, #tpu.memory_space<hbm>>) target(%dma_start3A_340 : memref<64x64xf32, #tpu.memory_space<vmem>>) target_semaphore(%arg16 : memref<!tpu.dma_semaphore, #tpu.memory_space<semaphore_mem>>)
      } else {
      }
      %ge3A = arith.constant 2 : i32
      %ge3A_218 = arith.cmpi sge, %mul3A_178, %ge3A : i32
      %convert_element_type3A_219 = arith.extui %ge3A_218 : i1 to i32
      %cond3A_220 = arith.constant 0 : i32
      %cond3A_221 = arith.cmpi ne, %convert_element_type3A_219, %cond3A_220 : i32
      scf.if %cond3A_221 {
        %sub3A = arith.constant 2 : i32
        %sub3A_307 = arith.subi %mul3A_178, %sub3A : i32
        %dma_wait3A_308 = arith.constant 0 : i32
        %dma_wait3A_309 = arith.constant 0 : i32
        %dma_wait3A_310 = arith.constant 0 : i32
        %dma_wait3A_311 = tpu.memref_slice %arg11[%dma_wait3A_308, %dma_wait3A_309, %dma_wait3A_310] : memref<2x64x80xf32, #tpu.memory_space<vmem>> -> memref<1x64x80xf32, #tpu.memory_space<vmem>>
        %dma_wait3A_312 = tpu.memref_squeeze %dma_wait3A_311 : memref<1x64x80xf32, #tpu.memory_space<vmem>> -> memref<64x80xf32, #tpu.memory_space<vmem>>
        %dma_wait3A_313 = arith.constant 0 : i32
        %dma_wait3A_314 = tpu.memref_slice %arg8[%sub3A_307, %dma_wait3A_313] : memref<320x64xi32, #tpu.memory_space<vmem>> -> memref<1x64xi32, #tpu.memory_space<vmem>>
        %dma_wait3A_315 = tpu.memref_squeeze %dma_wait3A_314 : memref<1x64xi32, #tpu.memory_space<vmem>> -> memref<64xi32, #tpu.memory_space<vmem>>
        %dma_wait3A_316 = arith.constant 0 : i32
        %dma_wait3A_317 = arith.constant 0 : i32
        %dma_wait3A_318 = tpu.memref_slice %arg12[%dma_wait3A_316, %dma_wait3A_317] : memref<10112x80xf32, #tpu.memory_space<vmem_shared>> -> memref<10112x80xf32, #tpu.memory_space<vmem_shared>>
        tpu.wait_indirect_dma semaphore(%arg17 : memref<!tpu.dma_semaphore, #tpu.memory_space<semaphore_mem>>) src(%dma_wait3A_312 : memref<64x80xf32, #tpu.memory_space<vmem>>) dst(%dma_wait3A_318 : memref<10112x80xf32, #tpu.memory_space<vmem_shared>>)
      } else {
      }
      %scan3A_222 = arith.constant 0 : i32
      %scan3A_223 = arith.constant 0 : i32
      %scan3A_224 = arith.constant 64 : i32
      %scan3A_225 = arith.addi %scan3A_223, %scan3A_224 : i32
      %scan3A_226 = arith.constant 2 : i32
      scf.for %scan3A_307 = %scan3A_223 to %scan3A_225 step %scan3A_226  : i32 {
        %get3A = arith.constant 0 : i32
        %get3A_308 = arith.index_cast %get3A : i32 to index
        %get3A_309 = arith.index_cast %scan3A_307 : i32 to index
        %get3A_310 = arith.constant 0 : index
        %get3A_311 = tpu.vector_load %arg9[%get3A_308, %get3A_309, %get3A_310] {strides = array<i32>} : memref<2x64x64xf32, #tpu.memory_space<vmem>>, vector<1x1x16xf32>,
        %get3A_312 = vector.shape_cast %get3A_311 : vector<1x1x16xf32> to vector<16xf32>
        %get3A_313 = arith.constant 0 : i32
        %get3A_314 = arith.index_cast %get3A_313 : i32 to index
        %get3A_315 = arith.index_cast %scan3A_307 : i32 to index
        %get3A_316 = arith.constant 0 : index
        %get3A_317 = tpu.vector_load %arg10[%get3A_314, %get3A_315, %get3A_316] {strides = array<i32>} : memref<2x64x64xf32, #tpu.memory_space<vmem>>, vector<1x1x16xf32>,
        %get3A_318 = vector.shape_cast %get3A_317 : vector<1x1x16xf32> to vector<16xf32>
        %add3A_319 = arith.addf %get3A_312, %get3A_318 : vector<16xf32>
        %max3A = arith.constant 0.000000e+00 : f32
        %max3A_320 = vector.broadcast %max3A : f32 to vector<16xf32>
        %max3A_321 = arith.maximumf %add3A_319, %max3A_320 : vector<16xf32>
        %swap3A = arith.constant 0 : i32
        %swap3A_322 = arith.index_cast %swap3A : i32 to index
        %swap3A_323 = arith.index_cast %scan3A_307 : i32 to index
        %swap3A_324 = arith.constant 0 : index
        %swap3A_325 = tpu.vector_load %arg11[%swap3A_322, %swap3A_323, %swap3A_324] {strides = array<i32>} : memref<2x64x80xf32, #tpu.memory_space<vmem>>, vector<1x1x16xf32>,
        %swap3A_326 = vector.shape_cast %swap3A_325 : vector<1x1x16xf32> to vector<16xf32>
        %swap3A_327 = vector.shape_cast %max3A_321 : vector<16xf32> to vector<1x1x16xf32>
        tpu.vector_store %arg11[%swap3A_322, %swap3A_323, %swap3A_324], %swap3A_327 {strides = array<i32>} : memref<2x64x80xf32, #tpu.memory_space<vmem>>, vector<1x1x16xf32>,
        %get3A_328 = arith.constant 0 : i32
        %get3A_329 = arith.index_cast %get3A_328 : i32 to index
        %get3A_330 = arith.index_cast %scan3A_307 : i32 to index
        %get3A_331 = arith.constant 16 : index
        %get3A_332 = tpu.vector_load %arg9[%get3A_329, %get3A_330, %get3A_331] {strides = array<i32>} : memref<2x64x64xf32, #tpu.memory_space<vmem>>, vector<1x1x16xf32>,
        %get3A_333 = vector.shape_cast %get3A_332 : vector<1x1x16xf32> to vector<16xf32>
        %get3A_334 = arith.constant 0 : i32
        %get3A_335 = arith.index_cast %get3A_334 : i32 to index
        %get3A_336 = arith.index_cast %scan3A_307 : i32 to index
        %get3A_337 = arith.constant 16 : index
        %get3A_338 = tpu.vector_load %arg10[%get3A_335, %get3A_336, %get3A_337] {strides = array<i32>} : memref<2x64x64xf32, #tpu.memory_space<vmem>>, vector<1x1x16xf32>,
        %get3A_339 = vector.shape_cast %get3A_338 : vector<1x1x16xf32> to vector<16xf32>
        %add3A_340 = arith.addf %get3A_333, %get3A_339 : vector<16xf32>
        %max3A_341 = arith.constant 0.000000e+00 : f32
        %max3A_342 = vector.broadcast %max3A_341 : f32 to vector<16xf32>
        %max3A_343 = arith.maximumf %add3A_340, %max3A_342 : vector<16xf32>
        %swap3A_344 = arith.constant 0 : i32
        %swap3A_345 = arith.index_cast %swap3A_344 : i32 to index
        %swap3A_346 = arith.index_cast %scan3A_307 : i32 to index
        %swap3A_347 = arith.constant 16 : index
        %swap3A_348 = tpu.vector_load %arg11[%swap3A_345, %swap3A_346, %swap3A_347] {strides = array<i32>} : memref<2x64x80xf32, #tpu.memory_space<vmem>>, vector<1x1x16xf32>,
        %swap3A_349 = vector.shape_cast %swap3A_348 : vector<1x1x16xf32> to vector<16xf32>
        %swap3A_350 = vector.shape_cast %max3A_343 : vector<16xf32> to vector<1x1x16xf32>
        tpu.vector_store %arg11[%swap3A_345, %swap3A_346, %swap3A_347], %swap3A_350 {strides = array<i32>} : memref<2x64x80xf32, #tpu.memory_space<vmem>>, vector<1x1x16xf32>,
        %get3A_351 = arith.constant 0 : i32
        %get3A_352 = arith.index_cast %get3A_351 : i32 to index
        %get3A_353 = arith.index_cast %scan3A_307 : i32 to index
        %get3A_354 = arith.constant 32 : index
        %get3A_355 = tpu.vector_load %arg9[%get3A_352, %get3A_353, %get3A_354] {strides = array<i32>} : memref<2x64x64xf32, #tpu.memory_space<vmem>>, vector<1x1x16xf32>,
        %get3A_356 = vector.shape_cast %get3A_355 : vector<1x1x16xf32> to vector<16xf32>
        %get3A_357 = arith.constant 0 : i32
        %get3A_358 = arith.index_cast %get3A_357 : i32 to index
        %get3A_359 = arith.index_cast %scan3A_307 : i32 to index
        %get3A_360 = arith.constant 32 : index
        %get3A_361 = tpu.vector_load %arg10[%get3A_358, %get3A_359, %get3A_360] {strides = array<i32>} : memref<2x64x64xf32, #tpu.memory_space<vmem>>, vector<1x1x16xf32>,
        %get3A_362 = vector.shape_cast %get3A_361 : vector<1x1x16xf32> to vector<16xf32>
        %add3A_363 = arith.addf %get3A_356, %get3A_362 : vector<16xf32>
        %max3A_364 = arith.constant 0.000000e+00 : f32
        %max3A_365 = vector.broadcast %max3A_364 : f32 to vector<16xf32>
        %max3A_366 = arith.maximumf %add3A_363, %max3A_365 : vector<16xf32>
        %swap3A_367 = arith.constant 0 : i32
        %swap3A_368 = arith.index_cast %swap3A_367 : i32 to index
        %swap3A_369 = arith.index_cast %scan3A_307 : i32 to index
        %swap3A_370 = arith.constant 32 : index
        %swap3A_371 = tpu.vector_load %arg11[%swap3A_368, %swap3A_369, %swap3A_370] {strides = array<i32>} : memref<2x64x80xf32, #tpu.memory_space<vmem>>, vector<1x1x16xf32>,
        %swap3A_372 = vector.shape_cast %swap3A_371 : vector<1x1x16xf32> to vector<16xf32>
        %swap3A_373 = vector.shape_cast %max3A_366 : vector<16xf32> to vector<1x1x16xf32>
        tpu.vector_store %arg11[%swap3A_368, %swap3A_369, %swap3A_370], %swap3A_373 {strides = array<i32>} : memref<2x64x80xf32, #tpu.memory_space<vmem>>, vector<1x1x16xf32>,
        %get3A_374 = arith.constant 0 : i32
        %get3A_375 = arith.index_cast %get3A_374 : i32 to index
        %get3A_376 = arith.index_cast %scan3A_307 : i32 to index
        %get3A_377 = arith.constant 48 : index
        %get3A_378 = tpu.vector_load %arg9[%get3A_375, %get3A_376, %get3A_377] {strides = array<i32>} : memref<2x64x64xf32, #tpu.memory_space<vmem>>, vector<1x1x16xf32>,
        %get3A_379 = vector.shape_cast %get3A_378 : vector<1x1x16xf32> to vector<16xf32>
        %get3A_380 = arith.constant 0 : i32
        %get3A_381 = arith.index_cast %get3A_380 : i32 to index
        %get3A_382 = arith.index_cast %scan3A_307 : i32 to index
        %get3A_383 = arith.constant 48 : index
        %get3A_384 = tpu.vector_load %arg10[%get3A_381, %get3A_382, %get3A_383] {strides = array<i32>} : memref<2x64x64xf32, #tpu.memory_space<vmem>>, vector<1x1x16xf32>,
        %get3A_385 = vector.shape_cast %get3A_384 : vector<1x1x16xf32> to vector<16xf32>
        %add3A_386 = arith.addf %get3A_379, %get3A_385 : vector<16xf32>
        %max3A_387 = arith.constant 0.000000e+00 : f32
        %max3A_388 = vector.broadcast %max3A_387 : f32 to vector<16xf32>
        %max3A_389 = arith.maximumf %add3A_386, %max3A_388 : vector<16xf32>
        %swap3A_390 = arith.constant 0 : i32
        %swap3A_391 = arith.index_cast %swap3A_390 : i32 to index
        %swap3A_392 = arith.index_cast %scan3A_307 : i32 to index
        %swap3A_393 = arith.constant 48 : index
        %swap3A_394 = tpu.vector_load %arg11[%swap3A_391, %swap3A_392, %swap3A_393] {strides = array<i32>} : memref<2x64x80xf32, #tpu.memory_space<vmem>>, vector<1x1x16xf32>,
        %swap3A_395 = vector.shape_cast %swap3A_394 : vector<1x1x16xf32> to vector<16xf32>
        %swap3A_396 = vector.shape_cast %max3A_389 : vector<16xf32> to vector<1x1x16xf32>
        tpu.vector_store %arg11[%swap3A_391, %swap3A_392, %swap3A_393], %swap3A_396 {strides = array<i32>} : memref<2x64x80xf32, #tpu.memory_space<vmem>>, vector<1x1x16xf32>,
        %scan3A_397 = arith.constant 1 : i32
        %scan3A_398 = arith.addi %scan3A_307, %scan3A_397 : i32
        %get3A_399 = arith.constant 0 : i32
        %get3A_400 = arith.index_cast %get3A_399 : i32 to index
        %get3A_401 = arith.index_cast %scan3A_398 : i32 to index
        %get3A_402 = arith.constant 0 : index
        %get3A_403 = tpu.vector_load %arg9[%get3A_400, %get3A_401, %get3A_402] {strides = array<i32>} : memref<2x64x64xf32, #tpu.memory_space<vmem>>, vector<1x1x16xf32>,
        %get3A_404 = vector.shape_cast %get3A_403 : vector<1x1x16xf32> to vector<16xf32>
        %get3A_405 = arith.constant 0 : i32
        %get3A_406 = arith.index_cast %get3A_405 : i32 to index
        %get3A_407 = arith.index_cast %scan3A_398 : i32 to index
        %get3A_408 = arith.constant 0 : index
        %get3A_409 = tpu.vector_load %arg10[%get3A_406, %get3A_407, %get3A_408] {strides = array<i32>} : memref<2x64x64xf32, #tpu.memory_space<vmem>>, vector<1x1x16xf32>,
        %get3A_410 = vector.shape_cast %get3A_409 : vector<1x1x16xf32> to vector<16xf32>
        %add3A_411 = arith.addf %get3A_404, %get3A_410 : vector<16xf32>
        %max3A_412 = arith.constant 0.000000e+00 : f32
        %max3A_413 = vector.broadcast %max3A_412 : f32 to vector<16xf32>
        %max3A_414 = arith.maximumf %add3A_411, %max3A_413 : vector<16xf32>
        %swap3A_415 = arith.constant 0 : i32
        %swap3A_416 = arith.index_cast %swap3A_415 : i32 to index
        %swap3A_417 = arith.index_cast %scan3A_398 : i32 to index
        %swap3A_418 = arith.constant 0 : index
        %swap3A_419 = tpu.vector_load %arg11[%swap3A_416, %swap3A_417, %swap3A_418] {strides = array<i32>} : memref<2x64x80xf32, #tpu.memory_space<vmem>>, vector<1x1x16xf32>,
        %swap3A_420 = vector.shape_cast %swap3A_419 : vector<1x1x16xf32> to vector<16xf32>
        %swap3A_421 = vector.shape_cast %max3A_414 : vector<16xf32> to vector<1x1x16xf32>
        tpu.vector_store %arg11[%swap3A_416, %swap3A_417, %swap3A_418], %swap3A_421 {strides = array<i32>} : memref<2x64x80xf32, #tpu.memory_space<vmem>>, vector<1x1x16xf32>,
        %get3A_422 = arith.constant 0 : i32
        %get3A_423 = arith.index_cast %get3A_422 : i32 to index
        %get3A_424 = arith.index_cast %scan3A_398 : i32 to index
        %get3A_425 = arith.constant 16 : index
        %get3A_426 = tpu.vector_load %arg9[%get3A_423, %get3A_424, %get3A_425] {strides = array<i32>} : memref<2x64x64xf32, #tpu.memory_space<vmem>>, vector<1x1x16xf32>,
        %get3A_427 = vector.shape_cast %get3A_426 : vector<1x1x16xf32> to vector<16xf32>
        %get3A_428 = arith.constant 0 : i32
        %get3A_429 = arith.index_cast %get3A_428 : i32 to index
        %get3A_430 = arith.index_cast %scan3A_398 : i32 to index
        %get3A_431 = arith.constant 16 : index
        %get3A_432 = tpu.vector_load %arg10[%get3A_429, %get3A_430, %get3A_431] {strides = array<i32>} : memref<2x64x64xf32, #tpu.memory_space<vmem>>, vector<1x1x16xf32>,
        %get3A_433 = vector.shape_cast %get3A_432 : vector<1x1x16xf32> to vector<16xf32>
        %add3A_434 = arith.addf %get3A_427, %get3A_433 : vector<16xf32>
        %max3A_435 = arith.constant 0.000000e+00 : f32
        %max3A_436 = vector.broadcast %max3A_435 : f32 to vector<16xf32>
        %max3A_437 = arith.maximumf %add3A_434, %max3A_436 : vector<16xf32>
        %swap3A_438 = arith.constant 0 : i32
        %swap3A_439 = arith.index_cast %swap3A_438 : i32 to index
        %swap3A_440 = arith.index_cast %scan3A_398 : i32 to index
        %swap3A_441 = arith.constant 16 : index
        %swap3A_442 = tpu.vector_load %arg11[%swap3A_439, %swap3A_440, %swap3A_441] {strides = array<i32>} : memref<2x64x80xf32, #tpu.memory_space<vmem>>, vector<1x1x16xf32>,
        %swap3A_443 = vector.shape_cast %swap3A_442 : vector<1x1x16xf32> to vector<16xf32>
        %swap3A_444 = vector.shape_cast %max3A_437 : vector<16xf32> to vector<1x1x16xf32>
        tpu.vector_store %arg11[%swap3A_439, %swap3A_440, %swap3A_441], %swap3A_444 {strides = array<i32>} : memref<2x64x80xf32, #tpu.memory_space<vmem>>, vector<1x1x16xf32>,
        %get3A_445 = arith.constant 0 : i32
        %get3A_446 = arith.index_cast %get3A_445 : i32 to index
        %get3A_447 = arith.index_cast %scan3A_398 : i32 to index
        %get3A_448 = arith.constant 32 : index
        %get3A_449 = tpu.vector_load %arg9[%get3A_446, %get3A_447, %get3A_448] {strides = array<i32>} : memref<2x64x64xf32, #tpu.memory_space<vmem>>, vector<1x1x16xf32>,
        %get3A_450 = vector.shape_cast %get3A_449 : vector<1x1x16xf32> to vector<16xf32>
        %get3A_451 = arith.constant 0 : i32
        %get3A_452 = arith.index_cast %get3A_451 : i32 to index
        %get3A_453 = arith.index_cast %scan3A_398 : i32 to index
        %get3A_454 = arith.constant 32 : index
        %get3A_455 = tpu.vector_load %arg10[%get3A_452, %get3A_453, %get3A_454] {strides = array<i32>} : memref<2x64x64xf32, #tpu.memory_space<vmem>>, vector<1x1x16xf32>,
        %get3A_456 = vector.shape_cast %get3A_455 : vector<1x1x16xf32> to vector<16xf32>
        %add3A_457 = arith.addf %get3A_450, %get3A_456 : vector<16xf32>
        %max3A_458 = arith.constant 0.000000e+00 : f32
        %max3A_459 = vector.broadcast %max3A_458 : f32 to vector<16xf32>
        %max3A_460 = arith.maximumf %add3A_457, %max3A_459 : vector<16xf32>
        %swap3A_461 = arith.constant 0 : i32
        %swap3A_462 = arith.index_cast %swap3A_461 : i32 to index
        %swap3A_463 = arith.index_cast %scan3A_398 : i32 to index
        %swap3A_464 = arith.constant 32 : index
        %swap3A_465 = tpu.vector_load %arg11[%swap3A_462, %swap3A_463, %swap3A_464] {strides = array<i32>} : memref<2x64x80xf32, #tpu.memory_space<vmem>>, vector<1x1x16xf32>,
        %swap3A_466 = vector.shape_cast %swap3A_465 : vector<1x1x16xf32> to vector<16xf32>
        %swap3A_467 = vector.shape_cast %max3A_460 : vector<16xf32> to vector<1x1x16xf32>
        tpu.vector_store %arg11[%swap3A_462, %swap3A_463, %swap3A_464], %swap3A_467 {strides = array<i32>} : memref<2x64x80xf32, #tpu.memory_space<vmem>>, vector<1x1x16xf32>,
        %get3A_468 = arith.constant 0 : i32
        %get3A_469 = arith.index_cast %get3A_468 : i32 to index
        %get3A_470 = arith.index_cast %scan3A_398 : i32 to index
        %get3A_471 = arith.constant 48 : index
        %get3A_472 = tpu.vector_load %arg9[%get3A_469, %get3A_470, %get3A_471] {strides = array<i32>} : memref<2x64x64xf32, #tpu.memory_space<vmem>>, vector<1x1x16xf32>,
        %get3A_473 = vector.shape_cast %get3A_472 : vector<1x1x16xf32> to vector<16xf32>
        %get3A_474 = arith.constant 0 : i32
        %get3A_475 = arith.index_cast %get3A_474 : i32 to index
        %get3A_476 = arith.index_cast %scan3A_398 : i32 to index
        %get3A_477 = arith.constant 48 : index
        %get3A_478 = tpu.vector_load %arg10[%get3A_475, %get3A_476, %get3A_477] {strides = array<i32>} : memref<2x64x64xf32, #tpu.memory_space<vmem>>, vector<1x1x16xf32>,
        %get3A_479 = vector.shape_cast %get3A_478 : vector<1x1x16xf32> to vector<16xf32>
        %add3A_480 = arith.addf %get3A_473, %get3A_479 : vector<16xf32>
        %max3A_481 = arith.constant 0.000000e+00 : f32
        %max3A_482 = vector.broadcast %max3A_481 : f32 to vector<16xf32>
        %max3A_483 = arith.maximumf %add3A_480, %max3A_482 : vector<16xf32>
        %swap3A_484 = arith.constant 0 : i32
        %swap3A_485 = arith.index_cast %swap3A_484 : i32 to index
        %swap3A_486 = arith.index_cast %scan3A_398 : i32 to index
        %swap3A_487 = arith.constant 48 : index
        %swap3A_488 = tpu.vector_load %arg11[%swap3A_485, %swap3A_486, %swap3A_487] {strides = array<i32>} : memref<2x64x80xf32, #tpu.memory_space<vmem>>, vector<1x1x16xf32>,
        %swap3A_489 = vector.shape_cast %swap3A_488 : vector<1x1x16xf32> to vector<16xf32>
        %swap3A_490 = vector.shape_cast %max3A_483 : vector<16xf32> to vector<1x1x16xf32>
        tpu.vector_store %arg11[%swap3A_485, %swap3A_486, %swap3A_487], %swap3A_490 {strides = array<i32>} : memref<2x64x80xf32, #tpu.memory_space<vmem>>, vector<1x1x16xf32>,
      }
      %scan3A_227 = arith.constant 64 : i32
      %dma_start3A_228 = arith.constant 0 : i32
      %dma_start3A_229 = arith.constant 0 : i32
      %dma_start3A_230 = arith.constant 0 : i32
      %dma_start3A_231 = tpu.memref_slice %arg11[%dma_start3A_228, %dma_start3A_229, %dma_start3A_230] : memref<2x64x80xf32, #tpu.memory_space<vmem>> -> memref<1x64x80xf32, #tpu.memory_space<vmem>>
      %dma_start3A_232 = tpu.memref_squeeze %dma_start3A_231 : memref<1x64x80xf32, #tpu.memory_space<vmem>> -> memref<64x80xf32, #tpu.memory_space<vmem>>
      %dma_start3A_233 = arith.constant 0 : i32
      %dma_start3A_234 = tpu.memref_slice %arg8[%mul3A_178, %dma_start3A_233] : memref<320x64xi32, #tpu.memory_space<vmem>> -> memref<1x64xi32, #tpu.memory_space<vmem>>
      %dma_start3A_235 = tpu.memref_squeeze %dma_start3A_234 : memref<1x64xi32, #tpu.memory_space<vmem>> -> memref<64xi32, #tpu.memory_space<vmem>>
      %dma_start3A_236 = arith.constant 0 : i32
      %dma_start3A_237 = arith.constant 0 : i32
      %dma_start3A_238 = tpu.memref_slice %arg12[%dma_start3A_236, %dma_start3A_237] : memref<10112x80xf32, #tpu.memory_space<vmem_shared>> -> memref<10112x80xf32, #tpu.memory_space<vmem_shared>>
      tpu.enqueue_indirect_dma source(%dma_start3A_232 : memref<64x80xf32, #tpu.memory_space<vmem>>) target(%dma_start3A_238 : memref<10112x80xf32, #tpu.memory_space<vmem_shared>>) offsets(%dma_start3A_235 : memref<64xi32, #tpu.memory_space<vmem>>) semaphore(%arg17 : memref<!tpu.dma_semaphore, #tpu.memory_space<semaphore_mem>>) {add = true}
      %mul3A_239 = arith.constant 2 : i32
      %mul3A_240 = arith.muli %mul3A_239, %scan3A_176 : i32
      %add3A_241 = arith.constant 1 : i32
      %add3A_242 = arith.addi %mul3A_240, %add3A_241 : i32
      %mul3A_243 = arith.constant 320 : i32
      %mul3A_244 = arith.muli %arg1, %mul3A_243 : i32
      %add3A_245 = arith.addi %mul3A_244, %add3A_242 : i32
      %mul3A_246 = arith.constant 64 : i32
      %mul3A_247 = arith.muli %add3A_245, %mul3A_246 : i32
      %dma_wait3A_248 = arith.constant 1 : i32
      %dma_wait3A_249 = arith.constant 0 : i32
      %dma_wait3A_250 = arith.constant 0 : i32
      %dma_wait3A_251 = tpu.memref_slice %arg9[%dma_wait3A_248, %dma_wait3A_249, %dma_wait3A_250] : memref<2x64x64xf32, #tpu.memory_space<vmem>> -> memref<1x64x64xf32, #tpu.memory_space<vmem>>
      %dma_wait3A_252 = tpu.memref_squeeze %dma_wait3A_251 : memref<1x64x64xf32, #tpu.memory_space<vmem>> -> memref<64x64xf32, #tpu.memory_space<vmem>>
      %dma_wait3A_253 = arith.constant 0 : i32
      %dma_wait3A_254 = tpu.memref_slice %arg7[%add3A_242, %dma_wait3A_253] : memref<320x64xi32, #tpu.memory_space<vmem>> -> memref<1x64xi32, #tpu.memory_space<vmem>>
      %dma_wait3A_255 = tpu.memref_squeeze %dma_wait3A_254 : memref<1x64xi32, #tpu.memory_space<vmem>> -> memref<64xi32, #tpu.memory_space<vmem>>
      %dma_wait3A_256 = arith.constant 0 : i32
      %dma_wait3A_257 = arith.constant 0 : i32
      %dma_wait3A_258 = tpu.memref_slice %arg2[%arg0, %dma_wait3A_256, %dma_wait3A_257] : memref<2x10000x64xf32, #tpu.memory_space<hbm>> -> memref<1x10000x64xf32, #tpu.memory_space<hbm>>
      %dma_wait3A_259 = tpu.memref_squeeze %dma_wait3A_258 : memref<1x10000x64xf32, #tpu.memory_space<hbm>> -> memref<10000x64xf32, #tpu.memory_space<hbm>>
      %dma_wait3A_260 = arith.constant 0 : i32
      %dma_wait3A_261 = arith.constant 0 : i32
      %dma_wait3A_262 = tpu.memref_slice %dma_wait3A_259[%dma_wait3A_260, %dma_wait3A_261] : memref<10000x64xf32, #tpu.memory_space<hbm>> -> memref<10000x64xf32, #tpu.memory_space<hbm>>
      tpu.wait_indirect_dma semaphore(%arg14 : memref<!tpu.dma_semaphore, #tpu.memory_space<semaphore_mem>>) src(%dma_wait3A_262 : memref<10000x64xf32, #tpu.memory_space<hbm>>) dst(%dma_wait3A_252 : memref<64x64xf32, #tpu.memory_space<vmem>>)
      %dma_wait3A_263 = arith.constant 1 : i32
      %dma_wait3A_264 = arith.constant 0 : i32
      %dma_wait3A_265 = arith.constant 0 : i32
      %dma_wait3A_266 = tpu.memref_slice %arg10[%dma_wait3A_263, %dma_wait3A_264, %dma_wait3A_265] : memref<2x64x64xf32, #tpu.memory_space<vmem>> -> memref<1x64x64xf32, #tpu.memory_space<vmem>>
      %dma_wait3A_267 = tpu.memref_squeeze %dma_wait3A_266 : memref<1x64x64xf32, #tpu.memory_space<vmem>> -> memref<64x64xf32, #tpu.memory_space<vmem>>
      %dma_wait3A_268 = arith.constant 0 : i32
      %dma_wait3A_269 = tpu.memref_slice %arg3[%arg0, %mul3A_247, %dma_wait3A_268] : memref<2x327680x64xf32, #tpu.memory_space<hbm>> -> memref<1x64x64xf32, #tpu.memory_space<hbm>>
      %dma_wait3A_270 = tpu.memref_squeeze %dma_wait3A_269 : memref<1x64x64xf32, #tpu.memory_space<hbm>> -> memref<64x64xf32, #tpu.memory_space<hbm>>
      %dma_wait3A_271 = arith.constant 0 : i32
      %dma_wait3A_272 = arith.constant 0 : i32
      %dma_wait3A_273 = tpu.memref_slice %arg10[%dma_wait3A_263, %dma_wait3A_271, %dma_wait3A_272] : memref<2x64x64xf32, #tpu.memory_space<vmem>> -> memref<1x64x64xf32, #tpu.memory_space<vmem>>
      %dma_wait3A_274 = tpu.memref_squeeze %dma_wait3A_273 : memref<1x64x64xf32, #tpu.memory_space<vmem>> -> memref<64x64xf32, #tpu.memory_space<vmem>>
      %dma_wait3A_275 = arith.constant 0 : i32
      %dma_wait3A_276 = tpu.memref_slice %arg3[%arg0, %mul3A_247, %dma_wait3A_275] : memref<2x327680x64xf32, #tpu.memory_space<hbm>> -> memref<1x64x64xf32, #tpu.memory_space<hbm>>
      %dma_wait3A_277 = tpu.memref_squeeze %dma_wait3A_276 : memref<1x64x64xf32, #tpu.memory_space<hbm>> -> memref<64x64xf32, #tpu.memory_space<hbm>>
      tpu.wait_dma2 semaphore(%arg16 : memref<!tpu.dma_semaphore, #tpu.memory_space<semaphore_mem>>) src(%dma_wait3A_277 : memref<64x64xf32, #tpu.memory_space<hbm>>) dst(%dma_wait3A_274 : memref<64x64xf32, #tpu.memory_space<vmem>>)
      %add3A_278 = arith.constant 1 : i32
      %add3A_279 = arith.addi %add3A_242, %add3A_278 : i32
      %lt3A_280 = arith.constant 320 : i32
      %lt3A_281 = arith.cmpi slt, %add3A_279, %lt3A_280 : i32
      %convert_element_type3A_282 = arith.extui %lt3A_281 : i1 to i32
      %cond3A_283 = arith.constant 0 : i32
      %cond3A_284 = arith.cmpi ne, %convert_element_type3A_282, %cond3A_283 : i32
      scf.if %cond3A_284 {
        %add3A_307 = arith.constant 1 : i32
        %add3A_308 = arith.addi %add3A_242, %add3A_307 : i32
        %mul3A_309 = arith.constant 320 : i32
        %mul3A_310 = arith.muli %arg1, %mul3A_309 : i32
        %add3A_311 = arith.addi %mul3A_310, %add3A_308 : i32
        %mul3A_312 = arith.constant 64 : i32
        %mul3A_313 = arith.muli %add3A_311, %mul3A_312 : i32
        %dma_start3A_314 = arith.constant 0 : i32
        %dma_start3A_315 = arith.constant 0 : i32
        %dma_start3A_316 = arith.constant 0 : i32
        %dma_start3A_317 = tpu.memref_slice %arg9[%dma_start3A_314, %dma_start3A_315, %dma_start3A_316] : memref<2x64x64xf32, #tpu.memory_space<vmem>> -> memref<1x64x64xf32, #tpu.memory_space<vmem>>
        %dma_start3A_318 = tpu.memref_squeeze %dma_start3A_317 : memref<1x64x64xf32, #tpu.memory_space<vmem>> -> memref<64x64xf32, #tpu.memory_space<vmem>>
        %dma_start3A_319 = arith.constant 0 : i32
        %dma_start3A_320 = tpu.memref_slice %arg7[%add3A_308, %dma_start3A_319] : memref<320x64xi32, #tpu.memory_space<vmem>> -> memref<1x64xi32, #tpu.memory_space<vmem>>
        %dma_start3A_321 = tpu.memref_squeeze %dma_start3A_320 : memref<1x64xi32, #tpu.memory_space<vmem>> -> memref<64xi32, #tpu.memory_space<vmem>>
        %dma_start3A_322 = arith.constant 0 : i32
        %dma_start3A_323 = arith.constant 0 : i32
        %dma_start3A_324 = tpu.memref_slice %arg2[%arg0, %dma_start3A_322, %dma_start3A_323] : memref<2x10000x64xf32, #tpu.memory_space<hbm>> -> memref<1x10000x64xf32, #tpu.memory_space<hbm>>
        %dma_start3A_325 = tpu.memref_squeeze %dma_start3A_324 : memref<1x10000x64xf32, #tpu.memory_space<hbm>> -> memref<10000x64xf32, #tpu.memory_space<hbm>>
        %dma_start3A_326 = arith.constant 0 : i32
        %dma_start3A_327 = arith.constant 0 : i32
        %dma_start3A_328 = tpu.memref_slice %dma_start3A_325[%dma_start3A_326, %dma_start3A_327] : memref<10000x64xf32, #tpu.memory_space<hbm>> -> memref<10000x64xf32, #tpu.memory_space<hbm>>
        tpu.enqueue_indirect_dma source(%dma_start3A_328 : memref<10000x64xf32, #tpu.memory_space<hbm>>) target(%dma_start3A_318 : memref<64x64xf32, #tpu.memory_space<vmem>>) offsets(%dma_start3A_321 : memref<64xi32, #tpu.memory_space<vmem>>) semaphore(%arg13 : memref<!tpu.dma_semaphore, #tpu.memory_space<semaphore_mem>>)
        %dma_start3A_329 = arith.constant 0 : i32
        %dma_start3A_330 = arith.constant 0 : i32
        %dma_start3A_331 = arith.constant 0 : i32
        %dma_start3A_332 = tpu.memref_slice %arg10[%dma_start3A_329, %dma_start3A_330, %dma_start3A_331] : memref<2x64x64xf32, #tpu.memory_space<vmem>> -> memref<1x64x64xf32, #tpu.memory_space<vmem>>
        %dma_start3A_333 = tpu.memref_squeeze %dma_start3A_332 : memref<1x64x64xf32, #tpu.memory_space<vmem>> -> memref<64x64xf32, #tpu.memory_space<vmem>>
        %dma_start3A_334 = arith.constant 0 : i32
        %dma_start3A_335 = tpu.memref_slice %arg3[%arg0, %mul3A_313, %dma_start3A_334] : memref<2x327680x64xf32, #tpu.memory_space<hbm>> -> memref<1x64x64xf32, #tpu.memory_space<hbm>>
        %dma_start3A_336 = tpu.memref_squeeze %dma_start3A_335 : memref<1x64x64xf32, #tpu.memory_space<hbm>> -> memref<64x64xf32, #tpu.memory_space<hbm>>
        %dma_start3A_337 = arith.constant 0 : i32
        %dma_start3A_338 = arith.constant 0 : i32
        %dma_start3A_339 = tpu.memref_slice %arg10[%dma_start3A_329, %dma_start3A_337, %dma_start3A_338] : memref<2x64x64xf32, #tpu.memory_space<vmem>> -> memref<1x64x64xf32, #tpu.memory_space<vmem>>
        %dma_start3A_340 = tpu.memref_squeeze %dma_start3A_339 : memref<1x64x64xf32, #tpu.memory_space<vmem>> -> memref<64x64xf32, #tpu.memory_space<vmem>>
        %dma_start3A_341 = arith.constant 0 : i32
        %dma_start3A_342 = tpu.memref_slice %arg3[%arg0, %mul3A_313, %dma_start3A_341] : memref<2x327680x64xf32, #tpu.memory_space<hbm>> -> memref<1x64x64xf32, #tpu.memory_space<hbm>>
        %dma_start3A_343 = tpu.memref_squeeze %dma_start3A_342 : memref<1x64x64xf32, #tpu.memory_space<hbm>> -> memref<64x64xf32, #tpu.memory_space<hbm>>
        tpu.enqueue_dma source(%dma_start3A_343 : memref<64x64xf32, #tpu.memory_space<hbm>>) target(%dma_start3A_340 : memref<64x64xf32, #tpu.memory_space<vmem>>) target_semaphore(%arg15 : memref<!tpu.dma_semaphore, #tpu.memory_space<semaphore_mem>>)
      } else {
      }
      %ge3A_285 = arith.constant 2 : i32
      %ge3A_286 = arith.cmpi sge, %add3A_242, %ge3A_285 : i32
      %convert_element_type3A_287 = arith.extui %ge3A_286 : i1 to i32
      %cond3A_288 = arith.constant 0 : i32
      %cond3A_289 = arith.cmpi ne, %convert_element_type3A_287, %cond3A_288 : i32
      scf.if %cond3A_289 {
        %sub3A = arith.constant 2 : i32
        %sub3A_307 = arith.subi %add3A_242, %sub3A : i32
        %dma_wait3A_308 = arith.constant 1 : i32
        %dma_wait3A_309 = arith.constant 0 : i32
        %dma_wait3A_310 = arith.constant 0 : i32
        %dma_wait3A_311 = tpu.memref_slice %arg11[%dma_wait3A_308, %dma_wait3A_309, %dma_wait3A_310] : memref<2x64x80xf32, #tpu.memory_space<vmem>> -> memref<1x64x80xf32, #tpu.memory_space<vmem>>
        %dma_wait3A_312 = tpu.memref_squeeze %dma_wait3A_311 : memref<1x64x80xf32, #tpu.memory_space<vmem>> -> memref<64x80xf32, #tpu.memory_space<vmem>>
        %dma_wait3A_313 = arith.constant 0 : i32
        %dma_wait3A_314 = tpu.memref_slice %arg8[%sub3A_307, %dma_wait3A_313] : memref<320x64xi32, #tpu.memory_space<vmem>> -> memref<1x64xi32, #tpu.memory_space<vmem>>
        %dma_wait3A_315 = tpu.memref_squeeze %dma_wait3A_314 : memref<1x64xi32, #tpu.memory_space<vmem>> -> memref<64xi32, #tpu.memory_space<vmem>>
        %dma_wait3A_316 = arith.constant 0 : i32
        %dma_wait3A_317 = arith.constant 0 : i32
        %dma_wait3A_318 = tpu.memref_slice %arg12[%dma_wait3A_316, %dma_wait3A_317] : memref<10112x80xf32, #tpu.memory_space<vmem_shared>> -> memref<10112x80xf32, #tpu.memory_space<vmem_shared>>
        tpu.wait_indirect_dma semaphore(%arg18 : memref<!tpu.dma_semaphore, #tpu.memory_space<semaphore_mem>>) src(%dma_wait3A_312 : memref<64x80xf32, #tpu.memory_space<vmem>>) dst(%dma_wait3A_318 : memref<10112x80xf32, #tpu.memory_space<vmem_shared>>)
      } else {
      }
      %scan3A_290 = arith.constant 0 : i32
      %scan3A_291 = arith.constant 0 : i32
      %scan3A_292 = arith.constant 64 : i32
      %scan3A_293 = arith.addi %scan3A_291, %scan3A_292 : i32
      %scan3A_294 = arith.constant 2 : i32
      scf.for %scan3A_307 = %scan3A_291 to %scan3A_293 step %scan3A_294  : i32 {
        %get3A = arith.constant 1 : i32
        %get3A_308 = arith.index_cast %get3A : i32 to index
        %get3A_309 = arith.index_cast %scan3A_307 : i32 to index
        %get3A_310 = arith.constant 0 : index
        %get3A_311 = tpu.vector_load %arg9[%get3A_308, %get3A_309, %get3A_310] {strides = array<i32>} : memref<2x64x64xf32, #tpu.memory_space<vmem>>, vector<1x1x16xf32>,
        %get3A_312 = vector.shape_cast %get3A_311 : vector<1x1x16xf32> to vector<16xf32>
        %get3A_313 = arith.constant 1 : i32
        %get3A_314 = arith.index_cast %get3A_313 : i32 to index
        %get3A_315 = arith.index_cast %scan3A_307 : i32 to index
        %get3A_316 = arith.constant 0 : index
        %get3A_317 = tpu.vector_load %arg10[%get3A_314, %get3A_315, %get3A_316] {strides = array<i32>} : memref<2x64x64xf32, #tpu.memory_space<vmem>>, vector<1x1x16xf32>,
        %get3A_318 = vector.shape_cast %get3A_317 : vector<1x1x16xf32> to vector<16xf32>
        %add3A_319 = arith.addf %get3A_312, %get3A_318 : vector<16xf32>
        %max3A = arith.constant 0.000000e+00 : f32
        %max3A_320 = vector.broadcast %max3A : f32 to vector<16xf32>
        %max3A_321 = arith.maximumf %add3A_319, %max3A_320 : vector<16xf32>
        %swap3A = arith.constant 1 : i32
        %swap3A_322 = arith.index_cast %swap3A : i32 to index
        %swap3A_323 = arith.index_cast %scan3A_307 : i32 to index
        %swap3A_324 = arith.constant 0 : index
        %swap3A_325 = tpu.vector_load %arg11[%swap3A_322, %swap3A_323, %swap3A_324] {strides = array<i32>} : memref<2x64x80xf32, #tpu.memory_space<vmem>>, vector<1x1x16xf32>,
        %swap3A_326 = vector.shape_cast %swap3A_325 : vector<1x1x16xf32> to vector<16xf32>
        %swap3A_327 = vector.shape_cast %max3A_321 : vector<16xf32> to vector<1x1x16xf32>
        tpu.vector_store %arg11[%swap3A_322, %swap3A_323, %swap3A_324], %swap3A_327 {strides = array<i32>} : memref<2x64x80xf32, #tpu.memory_space<vmem>>, vector<1x1x16xf32>,
        %get3A_328 = arith.constant 1 : i32
        %get3A_329 = arith.index_cast %get3A_328 : i32 to index
        %get3A_330 = arith.index_cast %scan3A_307 : i32 to index
        %get3A_331 = arith.constant 16 : index
        %get3A_332 = tpu.vector_load %arg9[%get3A_329, %get3A_330, %get3A_331] {strides = array<i32>} : memref<2x64x64xf32, #tpu.memory_space<vmem>>, vector<1x1x16xf32>,
        %get3A_333 = vector.shape_cast %get3A_332 : vector<1x1x16xf32> to vector<16xf32>
        %get3A_334 = arith.constant 1 : i32
        %get3A_335 = arith.index_cast %get3A_334 : i32 to index
        %get3A_336 = arith.index_cast %scan3A_307 : i32 to index
        %get3A_337 = arith.constant 16 : index
        %get3A_338 = tpu.vector_load %arg10[%get3A_335, %get3A_336, %get3A_337] {strides = array<i32>} : memref<2x64x64xf32, #tpu.memory_space<vmem>>, vector<1x1x16xf32>,
        %get3A_339 = vector.shape_cast %get3A_338 : vector<1x1x16xf32> to vector<16xf32>
        %add3A_340 = arith.addf %get3A_333, %get3A_339 : vector<16xf32>
        %max3A_341 = arith.constant 0.000000e+00 : f32
        %max3A_342 = vector.broadcast %max3A_341 : f32 to vector<16xf32>
        %max3A_343 = arith.maximumf %add3A_340, %max3A_342 : vector<16xf32>
        %swap3A_344 = arith.constant 1 : i32
        %swap3A_345 = arith.index_cast %swap3A_344 : i32 to index
        %swap3A_346 = arith.index_cast %scan3A_307 : i32 to index
        %swap3A_347 = arith.constant 16 : index
        %swap3A_348 = tpu.vector_load %arg11[%swap3A_345, %swap3A_346, %swap3A_347] {strides = array<i32>} : memref<2x64x80xf32, #tpu.memory_space<vmem>>, vector<1x1x16xf32>,
        %swap3A_349 = vector.shape_cast %swap3A_348 : vector<1x1x16xf32> to vector<16xf32>
        %swap3A_350 = vector.shape_cast %max3A_343 : vector<16xf32> to vector<1x1x16xf32>
        tpu.vector_store %arg11[%swap3A_345, %swap3A_346, %swap3A_347], %swap3A_350 {strides = array<i32>} : memref<2x64x80xf32, #tpu.memory_space<vmem>>, vector<1x1x16xf32>,
        %get3A_351 = arith.constant 1 : i32
        %get3A_352 = arith.index_cast %get3A_351 : i32 to index
        %get3A_353 = arith.index_cast %scan3A_307 : i32 to index
        %get3A_354 = arith.constant 32 : index
        %get3A_355 = tpu.vector_load %arg9[%get3A_352, %get3A_353, %get3A_354] {strides = array<i32>} : memref<2x64x64xf32, #tpu.memory_space<vmem>>, vector<1x1x16xf32>,
        %get3A_356 = vector.shape_cast %get3A_355 : vector<1x1x16xf32> to vector<16xf32>
        %get3A_357 = arith.constant 1 : i32
        %get3A_358 = arith.index_cast %get3A_357 : i32 to index
        %get3A_359 = arith.index_cast %scan3A_307 : i32 to index
        %get3A_360 = arith.constant 32 : index
        %get3A_361 = tpu.vector_load %arg10[%get3A_358, %get3A_359, %get3A_360] {strides = array<i32>} : memref<2x64x64xf32, #tpu.memory_space<vmem>>, vector<1x1x16xf32>,
        %get3A_362 = vector.shape_cast %get3A_361 : vector<1x1x16xf32> to vector<16xf32>
        %add3A_363 = arith.addf %get3A_356, %get3A_362 : vector<16xf32>
        %max3A_364 = arith.constant 0.000000e+00 : f32
        %max3A_365 = vector.broadcast %max3A_364 : f32 to vector<16xf32>
        %max3A_366 = arith.maximumf %add3A_363, %max3A_365 : vector<16xf32>
        %swap3A_367 = arith.constant 1 : i32
        %swap3A_368 = arith.index_cast %swap3A_367 : i32 to index
        %swap3A_369 = arith.index_cast %scan3A_307 : i32 to index
        %swap3A_370 = arith.constant 32 : index
        %swap3A_371 = tpu.vector_load %arg11[%swap3A_368, %swap3A_369, %swap3A_370] {strides = array<i32>} : memref<2x64x80xf32, #tpu.memory_space<vmem>>, vector<1x1x16xf32>,
        %swap3A_372 = vector.shape_cast %swap3A_371 : vector<1x1x16xf32> to vector<16xf32>
        %swap3A_373 = vector.shape_cast %max3A_366 : vector<16xf32> to vector<1x1x16xf32>
        tpu.vector_store %arg11[%swap3A_368, %swap3A_369, %swap3A_370], %swap3A_373 {strides = array<i32>} : memref<2x64x80xf32, #tpu.memory_space<vmem>>, vector<1x1x16xf32>,
        %get3A_374 = arith.constant 1 : i32
        %get3A_375 = arith.index_cast %get3A_374 : i32 to index
        %get3A_376 = arith.index_cast %scan3A_307 : i32 to index
        %get3A_377 = arith.constant 48 : index
        %get3A_378 = tpu.vector_load %arg9[%get3A_375, %get3A_376, %get3A_377] {strides = array<i32>} : memref<2x64x64xf32, #tpu.memory_space<vmem>>, vector<1x1x16xf32>,
        %get3A_379 = vector.shape_cast %get3A_378 : vector<1x1x16xf32> to vector<16xf32>
        %get3A_380 = arith.constant 1 : i32
        %get3A_381 = arith.index_cast %get3A_380 : i32 to index
        %get3A_382 = arith.index_cast %scan3A_307 : i32 to index
        %get3A_383 = arith.constant 48 : index
        %get3A_384 = tpu.vector_load %arg10[%get3A_381, %get3A_382, %get3A_383] {strides = array<i32>} : memref<2x64x64xf32, #tpu.memory_space<vmem>>, vector<1x1x16xf32>,
        %get3A_385 = vector.shape_cast %get3A_384 : vector<1x1x16xf32> to vector<16xf32>
        %add3A_386 = arith.addf %get3A_379, %get3A_385 : vector<16xf32>
        %max3A_387 = arith.constant 0.000000e+00 : f32
        %max3A_388 = vector.broadcast %max3A_387 : f32 to vector<16xf32>
        %max3A_389 = arith.maximumf %add3A_386, %max3A_388 : vector<16xf32>
        %swap3A_390 = arith.constant 1 : i32
        %swap3A_391 = arith.index_cast %swap3A_390 : i32 to index
        %swap3A_392 = arith.index_cast %scan3A_307 : i32 to index
        %swap3A_393 = arith.constant 48 : index
        %swap3A_394 = tpu.vector_load %arg11[%swap3A_391, %swap3A_392, %swap3A_393] {strides = array<i32>} : memref<2x64x80xf32, #tpu.memory_space<vmem>>, vector<1x1x16xf32>,
        %swap3A_395 = vector.shape_cast %swap3A_394 : vector<1x1x16xf32> to vector<16xf32>
        %swap3A_396 = vector.shape_cast %max3A_389 : vector<16xf32> to vector<1x1x16xf32>
        tpu.vector_store %arg11[%swap3A_391, %swap3A_392, %swap3A_393], %swap3A_396 {strides = array<i32>} : memref<2x64x80xf32, #tpu.memory_space<vmem>>, vector<1x1x16xf32>,
        %scan3A_397 = arith.constant 1 : i32
        %scan3A_398 = arith.addi %scan3A_307, %scan3A_397 : i32
        %get3A_399 = arith.constant 1 : i32
        %get3A_400 = arith.index_cast %get3A_399 : i32 to index
        %get3A_401 = arith.index_cast %scan3A_398 : i32 to index
        %get3A_402 = arith.constant 0 : index
        %get3A_403 = tpu.vector_load %arg9[%get3A_400, %get3A_401, %get3A_402] {strides = array<i32>} : memref<2x64x64xf32, #tpu.memory_space<vmem>>, vector<1x1x16xf32>,
        %get3A_404 = vector.shape_cast %get3A_403 : vector<1x1x16xf32> to vector<16xf32>
        %get3A_405 = arith.constant 1 : i32
        %get3A_406 = arith.index_cast %get3A_405 : i32 to index
        %get3A_407 = arith.index_cast %scan3A_398 : i32 to index
        %get3A_408 = arith.constant 0 : index
        %get3A_409 = tpu.vector_load %arg10[%get3A_406, %get3A_407, %get3A_408] {strides = array<i32>} : memref<2x64x64xf32, #tpu.memory_space<vmem>>, vector<1x1x16xf32>,
        %get3A_410 = vector.shape_cast %get3A_409 : vector<1x1x16xf32> to vector<16xf32>
        %add3A_411 = arith.addf %get3A_404, %get3A_410 : vector<16xf32>
        %max3A_412 = arith.constant 0.000000e+00 : f32
        %max3A_413 = vector.broadcast %max3A_412 : f32 to vector<16xf32>
        %max3A_414 = arith.maximumf %add3A_411, %max3A_413 : vector<16xf32>
        %swap3A_415 = arith.constant 1 : i32
        %swap3A_416 = arith.index_cast %swap3A_415 : i32 to index
        %swap3A_417 = arith.index_cast %scan3A_398 : i32 to index
        %swap3A_418 = arith.constant 0 : index
        %swap3A_419 = tpu.vector_load %arg11[%swap3A_416, %swap3A_417, %swap3A_418] {strides = array<i32>} : memref<2x64x80xf32, #tpu.memory_space<vmem>>, vector<1x1x16xf32>,
        %swap3A_420 = vector.shape_cast %swap3A_419 : vector<1x1x16xf32> to vector<16xf32>
        %swap3A_421 = vector.shape_cast %max3A_414 : vector<16xf32> to vector<1x1x16xf32>
        tpu.vector_store %arg11[%swap3A_416, %swap3A_417, %swap3A_418], %swap3A_421 {strides = array<i32>} : memref<2x64x80xf32, #tpu.memory_space<vmem>>, vector<1x1x16xf32>,
        %get3A_422 = arith.constant 1 : i32
        %get3A_423 = arith.index_cast %get3A_422 : i32 to index
        %get3A_424 = arith.index_cast %scan3A_398 : i32 to index
        %get3A_425 = arith.constant 16 : index
        %get3A_426 = tpu.vector_load %arg9[%get3A_423, %get3A_424, %get3A_425] {strides = array<i32>} : memref<2x64x64xf32, #tpu.memory_space<vmem>>, vector<1x1x16xf32>,
        %get3A_427 = vector.shape_cast %get3A_426 : vector<1x1x16xf32> to vector<16xf32>
        %get3A_428 = arith.constant 1 : i32
        %get3A_429 = arith.index_cast %get3A_428 : i32 to index
        %get3A_430 = arith.index_cast %scan3A_398 : i32 to index
        %get3A_431 = arith.constant 16 : index
        %get3A_432 = tpu.vector_load %arg10[%get3A_429, %get3A_430, %get3A_431] {strides = array<i32>} : memref<2x64x64xf32, #tpu.memory_space<vmem>>, vector<1x1x16xf32>,
        %get3A_433 = vector.shape_cast %get3A_432 : vector<1x1x16xf32> to vector<16xf32>
        %add3A_434 = arith.addf %get3A_427, %get3A_433 : vector<16xf32>
        %max3A_435 = arith.constant 0.000000e+00 : f32
        %max3A_436 = vector.broadcast %max3A_435 : f32 to vector<16xf32>
        %max3A_437 = arith.maximumf %add3A_434, %max3A_436 : vector<16xf32>
        %swap3A_438 = arith.constant 1 : i32
        %swap3A_439 = arith.index_cast %swap3A_438 : i32 to index
        %swap3A_440 = arith.index_cast %scan3A_398 : i32 to index
        %swap3A_441 = arith.constant 16 : index
        %swap3A_442 = tpu.vector_load %arg11[%swap3A_439, %swap3A_440, %swap3A_441] {strides = array<i32>} : memref<2x64x80xf32, #tpu.memory_space<vmem>>, vector<1x1x16xf32>,
        %swap3A_443 = vector.shape_cast %swap3A_442 : vector<1x1x16xf32> to vector<16xf32>
        %swap3A_444 = vector.shape_cast %max3A_437 : vector<16xf32> to vector<1x1x16xf32>
        tpu.vector_store %arg11[%swap3A_439, %swap3A_440, %swap3A_441], %swap3A_444 {strides = array<i32>} : memref<2x64x80xf32, #tpu.memory_space<vmem>>, vector<1x1x16xf32>,
        %get3A_445 = arith.constant 1 : i32
        %get3A_446 = arith.index_cast %get3A_445 : i32 to index
        %get3A_447 = arith.index_cast %scan3A_398 : i32 to index
        %get3A_448 = arith.constant 32 : index
        %get3A_449 = tpu.vector_load %arg9[%get3A_446, %get3A_447, %get3A_448] {strides = array<i32>} : memref<2x64x64xf32, #tpu.memory_space<vmem>>, vector<1x1x16xf32>,
        %get3A_450 = vector.shape_cast %get3A_449 : vector<1x1x16xf32> to vector<16xf32>
        %get3A_451 = arith.constant 1 : i32
        %get3A_452 = arith.index_cast %get3A_451 : i32 to index
        %get3A_453 = arith.index_cast %scan3A_398 : i32 to index
        %get3A_454 = arith.constant 32 : index
        %get3A_455 = tpu.vector_load %arg10[%get3A_452, %get3A_453, %get3A_454] {strides = array<i32>} : memref<2x64x64xf32, #tpu.memory_space<vmem>>, vector<1x1x16xf32>,
        %get3A_456 = vector.shape_cast %get3A_455 : vector<1x1x16xf32> to vector<16xf32>
        %add3A_457 = arith.addf %get3A_450, %get3A_456 : vector<16xf32>
        %max3A_458 = arith.constant 0.000000e+00 : f32
        %max3A_459 = vector.broadcast %max3A_458 : f32 to vector<16xf32>
        %max3A_460 = arith.maximumf %add3A_457, %max3A_459 : vector<16xf32>
        %swap3A_461 = arith.constant 1 : i32
        %swap3A_462 = arith.index_cast %swap3A_461 : i32 to index
        %swap3A_463 = arith.index_cast %scan3A_398 : i32 to index
        %swap3A_464 = arith.constant 32 : index
        %swap3A_465 = tpu.vector_load %arg11[%swap3A_462, %swap3A_463, %swap3A_464] {strides = array<i32>} : memref<2x64x80xf32, #tpu.memory_space<vmem>>, vector<1x1x16xf32>,
        %swap3A_466 = vector.shape_cast %swap3A_465 : vector<1x1x16xf32> to vector<16xf32>
        %swap3A_467 = vector.shape_cast %max3A_460 : vector<16xf32> to vector<1x1x16xf32>
        tpu.vector_store %arg11[%swap3A_462, %swap3A_463, %swap3A_464], %swap3A_467 {strides = array<i32>} : memref<2x64x80xf32, #tpu.memory_space<vmem>>, vector<1x1x16xf32>,
        %get3A_468 = arith.constant 1 : i32
        %get3A_469 = arith.index_cast %get3A_468 : i32 to index
        %get3A_470 = arith.index_cast %scan3A_398 : i32 to index
        %get3A_471 = arith.constant 48 : index
        %get3A_472 = tpu.vector_load %arg9[%get3A_469, %get3A_470, %get3A_471] {strides = array<i32>} : memref<2x64x64xf32, #tpu.memory_space<vmem>>, vector<1x1x16xf32>,
        %get3A_473 = vector.shape_cast %get3A_472 : vector<1x1x16xf32> to vector<16xf32>
        %get3A_474 = arith.constant 1 : i32
        %get3A_475 = arith.index_cast %get3A_474 : i32 to index
        %get3A_476 = arith.index_cast %scan3A_398 : i32 to index
        %get3A_477 = arith.constant 48 : index
        %get3A_478 = tpu.vector_load %arg10[%get3A_475, %get3A_476, %get3A_477] {strides = array<i32>} : memref<2x64x64xf32, #tpu.memory_space<vmem>>, vector<1x1x16xf32>,
        %get3A_479 = vector.shape_cast %get3A_478 : vector<1x1x16xf32> to vector<16xf32>
        %add3A_480 = arith.addf %get3A_473, %get3A_479 : vector<16xf32>
        %max3A_481 = arith.constant 0.000000e+00 : f32
        %max3A_482 = vector.broadcast %max3A_481 : f32 to vector<16xf32>
        %max3A_483 = arith.maximumf %add3A_480, %max3A_482 : vector<16xf32>
        %swap3A_484 = arith.constant 1 : i32
        %swap3A_485 = arith.index_cast %swap3A_484 : i32 to index
        %swap3A_486 = arith.index_cast %scan3A_398 : i32 to index
        %swap3A_487 = arith.constant 48 : index
        %swap3A_488 = tpu.vector_load %arg11[%swap3A_485, %swap3A_486, %swap3A_487] {strides = array<i32>} : memref<2x64x80xf32, #tpu.memory_space<vmem>>, vector<1x1x16xf32>,
        %swap3A_489 = vector.shape_cast %swap3A_488 : vector<1x1x16xf32> to vector<16xf32>
        %swap3A_490 = vector.shape_cast %max3A_483 : vector<16xf32> to vector<1x1x16xf32>
        tpu.vector_store %arg11[%swap3A_485, %swap3A_486, %swap3A_487], %swap3A_490 {strides = array<i32>} : memref<2x64x80xf32, #tpu.memory_space<vmem>>, vector<1x1x16xf32>,
      }
      %scan3A_295 = arith.constant 64 : i32
      %dma_start3A_296 = arith.constant 1 : i32
      %dma_start3A_297 = arith.constant 0 : i32
      %dma_start3A_298 = arith.constant 0 : i32
      %dma_start3A_299 = tpu.memref_slice %arg11[%dma_start3A_296, %dma_start3A_297, %dma_start3A_298] : memref<2x64x80xf32, #tpu.memory_space<vmem>> -> memref<1x64x80xf32, #tpu.memory_space<vmem>>
      %dma_start3A_300 = tpu.memref_squeeze %dma_start3A_299 : memref<1x64x80xf32, #tpu.memory_space<vmem>> -> memref<64x80xf32, #tpu.memory_space<vmem>>
      %dma_start3A_301 = arith.constant 0 : i32
      %dma_start3A_302 = tpu.memref_slice %arg8[%add3A_242, %dma_start3A_301] : memref<320x64xi32, #tpu.memory_space<vmem>> -> memref<1x64xi32, #tpu.memory_space<vmem>>
      %dma_start3A_303 = tpu.memref_squeeze %dma_start3A_302 : memref<1x64xi32, #tpu.memory_space<vmem>> -> memref<64xi32, #tpu.memory_space<vmem>>
      %dma_start3A_304 = arith.constant 0 : i32
      %dma_start3A_305 = arith.constant 0 : i32
      %dma_start3A_306 = tpu.memref_slice %arg12[%dma_start3A_304, %dma_start3A_305] : memref<10112x80xf32, #tpu.memory_space<vmem_shared>> -> memref<10112x80xf32, #tpu.memory_space<vmem_shared>>
      tpu.enqueue_indirect_dma source(%dma_start3A_300 : memref<64x80xf32, #tpu.memory_space<vmem>>) target(%dma_start3A_306 : memref<10112x80xf32, #tpu.memory_space<vmem_shared>>) offsets(%dma_start3A_303 : memref<64xi32, #tpu.memory_space<vmem>>) semaphore(%arg18 : memref<!tpu.dma_semaphore, #tpu.memory_space<semaphore_mem>>) {add = true}
    }
    %scan3A_91 = arith.constant 160 : i32
    %dma_wait3A = arith.constant 0 : i32
    %dma_wait3A_92 = arith.constant 318 : i32
    %dma_wait3A_93 = arith.constant 0 : i32
    %dma_wait3A_94 = arith.constant 0 : i32
    %dma_wait3A_95 = tpu.memref_slice %arg11[%dma_wait3A, %dma_wait3A_93, %dma_wait3A_94] : memref<2x64x80xf32, #tpu.memory_space<vmem>> -> memref<1x64x80xf32, #tpu.memory_space<vmem>>
    %dma_wait3A_96 = tpu.memref_squeeze %dma_wait3A_95 : memref<1x64x80xf32, #tpu.memory_space<vmem>> -> memref<64x80xf32, #tpu.memory_space<vmem>>
    %dma_wait3A_97 = arith.constant 0 : i32
    %dma_wait3A_98 = tpu.memref_slice %arg8[%dma_wait3A_92, %dma_wait3A_97] : memref<320x64xi32, #tpu.memory_space<vmem>> -> memref<1x64xi32, #tpu.memory_space<vmem>>
    %dma_wait3A_99 = tpu.memref_squeeze %dma_wait3A_98 : memref<1x64xi32, #tpu.memory_space<vmem>> -> memref<64xi32, #tpu.memory_space<vmem>>
    %dma_wait3A_100 = arith.constant 0 : i32
    %dma_wait3A_101 = arith.constant 0 : i32
    %dma_wait3A_102 = tpu.memref_slice %arg12[%dma_wait3A_100, %dma_wait3A_101] : memref<10112x80xf32, #tpu.memory_space<vmem_shared>> -> memref<10112x80xf32, #tpu.memory_space<vmem_shared>>
    tpu.wait_indirect_dma semaphore(%arg17 : memref<!tpu.dma_semaphore, #tpu.memory_space<semaphore_mem>>) src(%dma_wait3A_96 : memref<64x80xf32, #tpu.memory_space<vmem>>) dst(%dma_wait3A_102 : memref<10112x80xf32, #tpu.memory_space<vmem_shared>>)
    %dma_wait3A_103 = arith.constant 1 : i32
    %dma_wait3A_104 = arith.constant 319 : i32
    %dma_wait3A_105 = arith.constant 0 : i32
    %dma_wait3A_106 = arith.constant 0 : i32
    %dma_wait3A_107 = tpu.memref_slice %arg11[%dma_wait3A_103, %dma_wait3A_105, %dma_wait3A_106] : memref<2x64x80xf32, #tpu.memory_space<vmem>> -> memref<1x64x80xf32, #tpu.memory_space<vmem>>
    %dma_wait3A_108 = tpu.memref_squeeze %dma_wait3A_107 : memref<1x64x80xf32, #tpu.memory_space<vmem>> -> memref<64x80xf32, #tpu.memory_space<vmem>>
    %dma_wait3A_109 = arith.constant 0 : i32
    %dma_wait3A_110 = tpu.memref_slice %arg8[%dma_wait3A_104, %dma_wait3A_109] : memref<320x64xi32, #tpu.memory_space<vmem>> -> memref<1x64xi32, #tpu.memory_space<vmem>>
    %dma_wait3A_111 = tpu.memref_squeeze %dma_wait3A_110 : memref<1x64xi32, #tpu.memory_space<vmem>> -> memref<64xi32, #tpu.memory_space<vmem>>
    %dma_wait3A_112 = arith.constant 0 : i32
    %dma_wait3A_113 = arith.constant 0 : i32
    %dma_wait3A_114 = tpu.memref_slice %arg12[%dma_wait3A_112, %dma_wait3A_113] : memref<10112x80xf32, #tpu.memory_space<vmem_shared>> -> memref<10112x80xf32, #tpu.memory_space<vmem_shared>>
    tpu.wait_indirect_dma semaphore(%arg18 : memref<!tpu.dma_semaphore, #tpu.memory_space<semaphore_mem>>) src(%dma_wait3A_108 : memref<64x80xf32, #tpu.memory_space<vmem>>) dst(%dma_wait3A_114 : memref<10112x80xf32, #tpu.memory_space<vmem_shared>>)
    %barrier3A_115 = arith.constant 0 : index
    tpu.barrier barrier_id(%barrier3A_115)
    %add3A_116 = arith.constant 0 : i32
    %add3A_117 = arith.addi %mul3A_11, %add3A_116 : i32
    %run_scoped3A_118 = arith.constant 0 : i32
    "tpu.region"() ({
      %run_scoped3A_176 = tpu.sem_alloc : memref<!tpu.dma_semaphore, #tpu.memory_space<semaphore_mem>>
      %dma_start3A_177 = arith.constant 0 : i32
      %dma_start3A_178 = arith.constant 0 : i32
      %dma_start3A_179 = tpu.memref_slice %arg11[%run_scoped3A_118, %dma_start3A_177, %dma_start3A_178] : memref<2x64x80xf32, #tpu.memory_space<vmem>> -> memref<1x64x80xf32, #tpu.memory_space<vmem>>
      %dma_start3A_180 = tpu.memref_squeeze %dma_start3A_179 : memref<1x64x80xf32, #tpu.memory_space<vmem>> -> memref<64x80xf32, #tpu.memory_space<vmem>>
      %dma_start3A_181 = arith.constant 0 : i32
      %dma_start3A_182 = tpu.memref_slice %arg12[%add3A_117, %dma_start3A_181] : memref<10112x80xf32, #tpu.memory_space<vmem_shared>> -> memref<64x80xf32, #tpu.memory_space<vmem_shared>>
      %dma_start3A_183 = arith.constant 0 : i32
      %dma_start3A_184 = arith.constant 0 : i32
      %dma_start3A_185 = tpu.memref_slice %arg11[%run_scoped3A_118, %dma_start3A_183, %dma_start3A_184] : memref<2x64x80xf32, #tpu.memory_space<vmem>> -> memref<1x64x80xf32, #tpu.memory_space<vmem>>
      %dma_start3A_186 = tpu.memref_squeeze %dma_start3A_185 : memref<1x64x80xf32, #tpu.memory_space<vmem>> -> memref<64x80xf32, #tpu.memory_space<vmem>>
      %dma_start3A_187 = arith.constant 0 : i32
      %dma_start3A_188 = tpu.memref_slice %arg12[%add3A_117, %dma_start3A_187] : memref<10112x80xf32, #tpu.memory_space<vmem_shared>> -> memref<64x80xf32, #tpu.memory_space<vmem_shared>>
      tpu.enqueue_dma source(%dma_start3A_188 : memref<64x80xf32, #tpu.memory_space<vmem_shared>>) target(%dma_start3A_186 : memref<64x80xf32, #tpu.memory_space<vmem>>) target_semaphore(%run_scoped3A_176 : memref<!tpu.dma_semaphore, #tpu.memory_space<semaphore_mem>>)
      %dma_wait3A_189 = arith.constant 0 : i32
      %dma_wait3A_190 = arith.constant 0 : i32
      %dma_wait3A_191 = tpu.memref_slice %arg11[%run_scoped3A_118, %dma_wait3A_189, %dma_wait3A_190] : memref<2x64x80xf32, #tpu.memory_space<vmem>> -> memref<1x64x80xf32, #tpu.memory_space<vmem>>
      %dma_wait3A_192 = tpu.memref_squeeze %dma_wait3A_191 : memref<1x64x80xf32, #tpu.memory_space<vmem>> -> memref<64x80xf32, #tpu.memory_space<vmem>>
      %dma_wait3A_193 = arith.constant 0 : i32
      %dma_wait3A_194 = tpu.memref_slice %arg12[%add3A_117, %dma_wait3A_193] : memref<10112x80xf32, #tpu.memory_space<vmem_shared>> -> memref<64x80xf32, #tpu.memory_space<vmem_shared>>
      %dma_wait3A_195 = arith.constant 0 : i32
      %dma_wait3A_196 = arith.constant 0 : i32
      %dma_wait3A_197 = tpu.memref_slice %arg11[%run_scoped3A_118, %dma_wait3A_195, %dma_wait3A_196] : memref<2x64x80xf32, #tpu.memory_space<vmem>> -> memref<1x64x80xf32, #tpu.memory_space<vmem>>
      %dma_wait3A_198 = tpu.memref_squeeze %dma_wait3A_197 : memref<1x64x80xf32, #tpu.memory_space<vmem>> -> memref<64x80xf32, #tpu.memory_space<vmem>>
      %dma_wait3A_199 = arith.constant 0 : i32
      %dma_wait3A_200 = tpu.memref_slice %arg12[%add3A_117, %dma_wait3A_199] : memref<10112x80xf32, #tpu.memory_space<vmem_shared>> -> memref<64x80xf32, #tpu.memory_space<vmem_shared>>
      tpu.wait_dma2 semaphore(%run_scoped3A_176 : memref<!tpu.dma_semaphore, #tpu.memory_space<semaphore_mem>>) src(%dma_wait3A_200 : memref<64x80xf32, #tpu.memory_space<vmem_shared>>) dst(%dma_wait3A_198 : memref<64x80xf32, #tpu.memory_space<vmem>>)
      tpu.yield
    }) : () -> ()
    %add3A_119 = arith.constant 0 : i32
    %add3A_120 = arith.addi %mul3A_11, %add3A_119 : i32
    %run_scoped3A_121 = arith.constant 0 : i32
    "tpu.region"() ({
      %run_scoped3A_176 = tpu.sem_alloc : memref<!tpu.dma_semaphore, #tpu.memory_space<semaphore_mem>>
      %dma_start3A_177 = arith.constant 0 : i32
      %dma_start3A_178 = arith.constant 0 : i32
      %dma_start3A_179 = tpu.memref_slice %arg11[%run_scoped3A_121, %dma_start3A_177, %dma_start3A_178] : memref<2x64x80xf32, #tpu.memory_space<vmem>> -> memref<1x64x80xf32, #tpu.memory_space<vmem>>
      %dma_start3A_180 = tpu.memref_squeeze %dma_start3A_179 : memref<1x64x80xf32, #tpu.memory_space<vmem>> -> memref<64x80xf32, #tpu.memory_space<vmem>>
      %dma_start3A_181 = arith.constant 0 : i32
      %dma_start3A_182 = tpu.memref_slice %arg6[%arg0, %add3A_120, %dma_start3A_181] : memref<2x10112x80xf32, #tpu.memory_space<hbm>> -> memref<1x64x80xf32, #tpu.memory_space<hbm>>
      %dma_start3A_183 = tpu.memref_squeeze %dma_start3A_182 : memref<1x64x80xf32, #tpu.memory_space<hbm>> -> memref<64x80xf32, #tpu.memory_space<hbm>>
      %dma_start3A_184 = arith.constant 0 : i32
      %dma_start3A_185 = tpu.memref_slice %arg6[%arg0, %add3A_120, %dma_start3A_184] : memref<2x10112x80xf32, #tpu.memory_space<hbm>> -> memref<1x64x80xf32, #tpu.memory_space<hbm>>
      %dma_start3A_186 = tpu.memref_squeeze %dma_start3A_185 : memref<1x64x80xf32, #tpu.memory_space<hbm>> -> memref<64x80xf32, #tpu.memory_space<hbm>>
      %dma_start3A_187 = arith.constant 0 : i32
      %dma_start3A_188 = arith.constant 0 : i32
      %dma_start3A_189 = tpu.memref_slice %arg11[%run_scoped3A_121, %dma_start3A_187, %dma_start3A_188] : memref<2x64x80xf32, #tpu.memory_space<vmem>> -> memref<1x64x80xf32, #tpu.memory_space<vmem>>
      %dma_start3A_190 = tpu.memref_squeeze %dma_start3A_189 : memref<1x64x80xf32, #tpu.memory_space<vmem>> -> memref<64x80xf32, #tpu.memory_space<vmem>>
      tpu.enqueue_dma source(%dma_start3A_190 : memref<64x80xf32, #tpu.memory_space<vmem>>) target(%dma_start3A_186 : memref<64x80xf32, #tpu.memory_space<hbm>>) target_semaphore(%run_scoped3A_176 : memref<!tpu.dma_semaphore, #tpu.memory_space<semaphore_mem>>)
      %dma_wait3A_191 = arith.constant 0 : i32
      %dma_wait3A_192 = arith.constant 0 : i32
      %dma_wait3A_193 = tpu.memref_slice %arg11[%run_scoped3A_121, %dma_wait3A_191, %dma_wait3A_192] : memref<2x64x80xf32, #tpu.memory_space<vmem>> -> memref<1x64x80xf32, #tpu.memory_space<vmem>>
      %dma_wait3A_194 = tpu.memref_squeeze %dma_wait3A_193 : memref<1x64x80xf32, #tpu.memory_space<vmem>> -> memref<64x80xf32, #tpu.memory_space<vmem>>
      %dma_wait3A_195 = arith.constant 0 : i32
      %dma_wait3A_196 = tpu.memref_slice %arg6[%arg0, %add3A_120, %dma_wait3A_195] : memref<2x10112x80xf32, #tpu.memory_space<hbm>> -> memref<1x64x80xf32, #tpu.memory_space<hbm>>
      %dma_wait3A_197 = tpu.memref_squeeze %dma_wait3A_196 : memref<1x64x80xf32, #tpu.memory_space<hbm>> -> memref<64x80xf32, #tpu.memory_space<hbm>>
      %dma_wait3A_198 = arith.constant 0 : i32
      %dma_wait3A_199 = tpu.memref_slice %arg6[%arg0, %add3A_120, %dma_wait3A_198] : memref<2x10112x80xf32, #tpu.memory_space<hbm>> -> memref<1x64x80xf32, #tpu.memory_space<hbm>>
      %dma_wait3A_200 = tpu.memref_squeeze %dma_wait3A_199 : memref<1x64x80xf32, #tpu.memory_space<hbm>> -> memref<64x80xf32, #tpu.memory_space<hbm>>
      %dma_wait3A_201 = arith.constant 0 : i32
      %dma_wait3A_202 = arith.constant 0 : i32
      %dma_wait3A_203 = tpu.memref_slice %arg11[%run_scoped3A_121, %dma_wait3A_201, %dma_wait3A_202] : memref<2x64x80xf32, #tpu.memory_space<vmem>> -> memref<1x64x80xf32, #tpu.memory_space<vmem>>
      %dma_wait3A_204 = tpu.memref_squeeze %dma_wait3A_203 : memref<1x64x80xf32, #tpu.memory_space<vmem>> -> memref<64x80xf32, #tpu.memory_space<vmem>>
      tpu.wait_dma2 semaphore(%run_scoped3A_176 : memref<!tpu.dma_semaphore, #tpu.memory_space<semaphore_mem>>) src(%dma_wait3A_204 : memref<64x80xf32, #tpu.memory_space<vmem>>) dst(%dma_wait3A_200 : memref<64x80xf32, #tpu.memory_space<hbm>>)
      tpu.yield
    }) : () -> ()
    %add3A_122 = arith.constant 64 : i32
    %add3A_123 = arith.addi %mul3A_11, %add3A_122 : i32
    %run_scoped3A_124 = arith.constant 0 : i32
    "tpu.region"() ({
      %run_scoped3A_176 = tpu.sem_alloc : memref<!tpu.dma_semaphore, #tpu.memory_space<semaphore_mem>>
      %dma_start3A_177 = arith.constant 0 : i32
      %dma_start3A_178 = arith.constant 0 : i32
      %dma_start3A_179 = tpu.memref_slice %arg11[%run_scoped3A_124, %dma_start3A_177, %dma_start3A_178] : memref<2x64x80xf32, #tpu.memory_space<vmem>> -> memref<1x64x80xf32, #tpu.memory_space<vmem>>
      %dma_start3A_180 = tpu.memref_squeeze %dma_start3A_179 : memref<1x64x80xf32, #tpu.memory_space<vmem>> -> memref<64x80xf32, #tpu.memory_space<vmem>>
      %dma_start3A_181 = arith.constant 0 : i32
      %dma_start3A_182 = tpu.memref_slice %arg12[%add3A_123, %dma_start3A_181] : memref<10112x80xf32, #tpu.memory_space<vmem_shared>> -> memref<64x80xf32, #tpu.memory_space<vmem_shared>>
      %dma_start3A_183 = arith.constant 0 : i32
      %dma_start3A_184 = arith.constant 0 : i32
      %dma_start3A_185 = tpu.memref_slice %arg11[%run_scoped3A_124, %dma_start3A_183, %dma_start3A_184] : memref<2x64x80xf32, #tpu.memory_space<vmem>> -> memref<1x64x80xf32, #tpu.memory_space<vmem>>
      %dma_start3A_186 = tpu.memref_squeeze %dma_start3A_185 : memref<1x64x80xf32, #tpu.memory_space<vmem>> -> memref<64x80xf32, #tpu.memory_space<vmem>>
      %dma_start3A_187 = arith.constant 0 : i32
      %dma_start3A_188 = tpu.memref_slice %arg12[%add3A_123, %dma_start3A_187] : memref<10112x80xf32, #tpu.memory_space<vmem_shared>> -> memref<64x80xf32, #tpu.memory_space<vmem_shared>>
      tpu.enqueue_dma source(%dma_start3A_188 : memref<64x80xf32, #tpu.memory_space<vmem_shared>>) target(%dma_start3A_186 : memref<64x80xf32, #tpu.memory_space<vmem>>) target_semaphore(%run_scoped3A_176 : memref<!tpu.dma_semaphore, #tpu.memory_space<semaphore_mem>>)
      %dma_wait3A_189 = arith.constant 0 : i32
      %dma_wait3A_190 = arith.constant 0 : i32
      %dma_wait3A_191 = tpu.memref_slice %arg11[%run_scoped3A_124, %dma_wait3A_189, %dma_wait3A_190] : memref<2x64x80xf32, #tpu.memory_space<vmem>> -> memref<1x64x80xf32, #tpu.memory_space<vmem>>
      %dma_wait3A_192 = tpu.memref_squeeze %dma_wait3A_191 : memref<1x64x80xf32, #tpu.memory_space<vmem>> -> memref<64x80xf32, #tpu.memory_space<vmem>>
      %dma_wait3A_193 = arith.constant 0 : i32
      %dma_wait3A_194 = tpu.memref_slice %arg12[%add3A_123, %dma_wait3A_193] : memref<10112x80xf32, #tpu.memory_space<vmem_shared>> -> memref<64x80xf32, #tpu.memory_space<vmem_shared>>
      %dma_wait3A_195 = arith.constant 0 : i32
      %dma_wait3A_196 = arith.constant 0 : i32
      %dma_wait3A_197 = tpu.memref_slice %arg11[%run_scoped3A_124, %dma_wait3A_195, %dma_wait3A_196] : memref<2x64x80xf32, #tpu.memory_space<vmem>> -> memref<1x64x80xf32, #tpu.memory_space<vmem>>
      %dma_wait3A_198 = tpu.memref_squeeze %dma_wait3A_197 : memref<1x64x80xf32, #tpu.memory_space<vmem>> -> memref<64x80xf32, #tpu.memory_space<vmem>>
      %dma_wait3A_199 = arith.constant 0 : i32
      %dma_wait3A_200 = tpu.memref_slice %arg12[%add3A_123, %dma_wait3A_199] : memref<10112x80xf32, #tpu.memory_space<vmem_shared>> -> memref<64x80xf32, #tpu.memory_space<vmem_shared>>
      tpu.wait_dma2 semaphore(%run_scoped3A_176 : memref<!tpu.dma_semaphore, #tpu.memory_space<semaphore_mem>>) src(%dma_wait3A_200 : memref<64x80xf32, #tpu.memory_space<vmem_shared>>) dst(%dma_wait3A_198 : memref<64x80xf32, #tpu.memory_space<vmem>>)
      tpu.yield
    }) : () -> ()
    %add3A_125 = arith.constant 64 : i32
    %add3A_126 = arith.addi %mul3A_11, %add3A_125 : i32
    %run_scoped3A_127 = arith.constant 0 : i32
    "tpu.region"() ({
      %run_scoped3A_176 = tpu.sem_alloc : memref<!tpu.dma_semaphore, #tpu.memory_space<semaphore_mem>>
      %dma_start3A_177 = arith.constant 0 : i32
      %dma_start3A_178 = arith.constant 0 : i32
      %dma_start3A_179 = tpu.memref_slice %arg11[%run_scoped3A_127, %dma_start3A_177, %dma_start3A_178] : memref<2x64x80xf32, #tpu.memory_space<vmem>> -> memref<1x64x80xf32, #tpu.memory_space<vmem>>
      %dma_start3A_180 = tpu.memref_squeeze %dma_start3A_179 : memref<1x64x80xf32, #tpu.memory_space<vmem>> -> memref<64x80xf32, #tpu.memory_space<vmem>>
      %dma_start3A_181 = arith.constant 0 : i32
      %dma_start3A_182 = tpu.memref_slice %arg6[%arg0, %add3A_126, %dma_start3A_181] : memref<2x10112x80xf32, #tpu.memory_space<hbm>> -> memref<1x64x80xf32, #tpu.memory_space<hbm>>
      %dma_start3A_183 = tpu.memref_squeeze %dma_start3A_182 : memref<1x64x80xf32, #tpu.memory_space<hbm>> -> memref<64x80xf32, #tpu.memory_space<hbm>>
      %dma_start3A_184 = arith.constant 0 : i32
      %dma_start3A_185 = tpu.memref_slice %arg6[%arg0, %add3A_126, %dma_start3A_184] : memref<2x10112x80xf32, #tpu.memory_space<hbm>> -> memref<1x64x80xf32, #tpu.memory_space<hbm>>
      %dma_start3A_186 = tpu.memref_squeeze %dma_start3A_185 : memref<1x64x80xf32, #tpu.memory_space<hbm>> -> memref<64x80xf32, #tpu.memory_space<hbm>>
      %dma_start3A_187 = arith.constant 0 : i32
      %dma_start3A_188 = arith.constant 0 : i32
      %dma_start3A_189 = tpu.memref_slice %arg11[%run_scoped3A_127, %dma_start3A_187, %dma_start3A_188] : memref<2x64x80xf32, #tpu.memory_space<vmem>> -> memref<1x64x80xf32, #tpu.memory_space<vmem>>
      %dma_start3A_190 = tpu.memref_squeeze %dma_start3A_189 : memref<1x64x80xf32, #tpu.memory_space<vmem>> -> memref<64x80xf32, #tpu.memory_space<vmem>>
      tpu.enqueue_dma source(%dma_start3A_190 : memref<64x80xf32, #tpu.memory_space<vmem>>) target(%dma_start3A_186 : memref<64x80xf32, #tpu.memory_space<hbm>>) target_semaphore(%run_scoped3A_176 : memref<!tpu.dma_semaphore, #tpu.memory_space<semaphore_mem>>)
      %dma_wait3A_191 = arith.constant 0 : i32
      %dma_wait3A_192 = arith.constant 0 : i32
      %dma_wait3A_193 = tpu.memref_slice %arg11[%run_scoped3A_127, %dma_wait3A_191, %dma_wait3A_192] : memref<2x64x80xf32, #tpu.memory_space<vmem>> -> memref<1x64x80xf32, #tpu.memory_space<vmem>>
      %dma_wait3A_194 = tpu.memref_squeeze %dma_wait3A_193 : memref<1x64x80xf32, #tpu.memory_space<vmem>> -> memref<64x80xf32, #tpu.memory_space<vmem>>
      %dma_wait3A_195 = arith.constant 0 : i32
      %dma_wait3A_196 = tpu.memref_slice %arg6[%arg0, %add3A_126, %dma_wait3A_195] : memref<2x10112x80xf32, #tpu.memory_space<hbm>> -> memref<1x64x80xf32, #tpu.memory_space<hbm>>
      %dma_wait3A_197 = tpu.memref_squeeze %dma_wait3A_196 : memref<1x64x80xf32, #tpu.memory_space<hbm>> -> memref<64x80xf32, #tpu.memory_space<hbm>>
      %dma_wait3A_198 = arith.constant 0 : i32
      %dma_wait3A_199 = tpu.memref_slice %arg6[%arg0, %add3A_126, %dma_wait3A_198] : memref<2x10112x80xf32, #tpu.memory_space<hbm>> -> memref<1x64x80xf32, #tpu.memory_space<hbm>>
      %dma_wait3A_200 = tpu.memref_squeeze %dma_wait3A_199 : memref<1x64x80xf32, #tpu.memory_space<hbm>> -> memref<64x80xf32, #tpu.memory_space<hbm>>
      %dma_wait3A_201 = arith.constant 0 : i32
      %dma_wait3A_202 = arith.constant 0 : i32
      %dma_wait3A_203 = tpu.memref_slice %arg11[%run_scoped3A_127, %dma_wait3A_201, %dma_wait3A_202] : memref<2x64x80xf32, #tpu.memory_space<vmem>> -> memref<1x64x80xf32, #tpu.memory_space<vmem>>
      %dma_wait3A_204 = tpu.memref_squeeze %dma_wait3A_203 : memref<1x64x80xf32, #tpu.memory_space<vmem>> -> memref<64x80xf32, #tpu.memory_space<vmem>>
      tpu.wait_dma2 semaphore(%run_scoped3A_176 : memref<!tpu.dma_semaphore, #tpu.memory_space<semaphore_mem>>) src(%dma_wait3A_204 : memref<64x80xf32, #tpu.memory_space<vmem>>) dst(%dma_wait3A_200 : memref<64x80xf32, #tpu.memory_space<hbm>>)
      tpu.yield
    }) : () -> ()
    %add3A_128 = arith.constant 128 : i32
    %add3A_129 = arith.addi %mul3A_11, %add3A_128 : i32
    %run_scoped3A_130 = arith.constant 0 : i32
    "tpu.region"() ({
      %run_scoped3A_176 = tpu.sem_alloc : memref<!tpu.dma_semaphore, #tpu.memory_space<semaphore_mem>>
      %dma_start3A_177 = arith.constant 0 : i32
      %dma_start3A_178 = arith.constant 0 : i32
      %dma_start3A_179 = tpu.memref_slice %arg11[%run_scoped3A_130, %dma_start3A_177, %dma_start3A_178] : memref<2x64x80xf32, #tpu.memory_space<vmem>> -> memref<1x64x80xf32, #tpu.memory_space<vmem>>
      %dma_start3A_180 = tpu.memref_squeeze %dma_start3A_179 : memref<1x64x80xf32, #tpu.memory_space<vmem>> -> memref<64x80xf32, #tpu.memory_space<vmem>>
      %dma_start3A_181 = arith.constant 0 : i32
      %dma_start3A_182 = tpu.memref_slice %arg12[%add3A_129, %dma_start3A_181] : memref<10112x80xf32, #tpu.memory_space<vmem_shared>> -> memref<64x80xf32, #tpu.memory_space<vmem_shared>>
      %dma_start3A_183 = arith.constant 0 : i32
      %dma_start3A_184 = arith.constant 0 : i32
      %dma_start3A_185 = tpu.memref_slice %arg11[%run_scoped3A_130, %dma_start3A_183, %dma_start3A_184] : memref<2x64x80xf32, #tpu.memory_space<vmem>> -> memref<1x64x80xf32, #tpu.memory_space<vmem>>
      %dma_start3A_186 = tpu.memref_squeeze %dma_start3A_185 : memref<1x64x80xf32, #tpu.memory_space<vmem>> -> memref<64x80xf32, #tpu.memory_space<vmem>>
      %dma_start3A_187 = arith.constant 0 : i32
      %dma_start3A_188 = tpu.memref_slice %arg12[%add3A_129, %dma_start3A_187] : memref<10112x80xf32, #tpu.memory_space<vmem_shared>> -> memref<64x80xf32, #tpu.memory_space<vmem_shared>>
      tpu.enqueue_dma source(%dma_start3A_188 : memref<64x80xf32, #tpu.memory_space<vmem_shared>>) target(%dma_start3A_186 : memref<64x80xf32, #tpu.memory_space<vmem>>) target_semaphore(%run_scoped3A_176 : memref<!tpu.dma_semaphore, #tpu.memory_space<semaphore_mem>>)
      %dma_wait3A_189 = arith.constant 0 : i32
      %dma_wait3A_190 = arith.constant 0 : i32
      %dma_wait3A_191 = tpu.memref_slice %arg11[%run_scoped3A_130, %dma_wait3A_189, %dma_wait3A_190] : memref<2x64x80xf32, #tpu.memory_space<vmem>> -> memref<1x64x80xf32, #tpu.memory_space<vmem>>
      %dma_wait3A_192 = tpu.memref_squeeze %dma_wait3A_191 : memref<1x64x80xf32, #tpu.memory_space<vmem>> -> memref<64x80xf32, #tpu.memory_space<vmem>>
      %dma_wait3A_193 = arith.constant 0 : i32
      %dma_wait3A_194 = tpu.memref_slice %arg12[%add3A_129, %dma_wait3A_193] : memref<10112x80xf32, #tpu.memory_space<vmem_shared>> -> memref<64x80xf32, #tpu.memory_space<vmem_shared>>
      %dma_wait3A_195 = arith.constant 0 : i32
      %dma_wait3A_196 = arith.constant 0 : i32
      %dma_wait3A_197 = tpu.memref_slice %arg11[%run_scoped3A_130, %dma_wait3A_195, %dma_wait3A_196] : memref<2x64x80xf32, #tpu.memory_space<vmem>> -> memref<1x64x80xf32, #tpu.memory_space<vmem>>
      %dma_wait3A_198 = tpu.memref_squeeze %dma_wait3A_197 : memref<1x64x80xf32, #tpu.memory_space<vmem>> -> memref<64x80xf32, #tpu.memory_space<vmem>>
      %dma_wait3A_199 = arith.constant 0 : i32
      %dma_wait3A_200 = tpu.memref_slice %arg12[%add3A_129, %dma_wait3A_199] : memref<10112x80xf32, #tpu.memory_space<vmem_shared>> -> memref<64x80xf32, #tpu.memory_space<vmem_shared>>
      tpu.wait_dma2 semaphore(%run_scoped3A_176 : memref<!tpu.dma_semaphore, #tpu.memory_space<semaphore_mem>>) src(%dma_wait3A_200 : memref<64x80xf32, #tpu.memory_space<vmem_shared>>) dst(%dma_wait3A_198 : memref<64x80xf32, #tpu.memory_space<vmem>>)
      tpu.yield
    }) : () -> ()
    %add3A_131 = arith.constant 128 : i32
    %add3A_132 = arith.addi %mul3A_11, %add3A_131 : i32
    %run_scoped3A_133 = arith.constant 0 : i32
    "tpu.region"() ({
      %run_scoped3A_176 = tpu.sem_alloc : memref<!tpu.dma_semaphore, #tpu.memory_space<semaphore_mem>>
      %dma_start3A_177 = arith.constant 0 : i32
      %dma_start3A_178 = arith.constant 0 : i32
      %dma_start3A_179 = tpu.memref_slice %arg11[%run_scoped3A_133, %dma_start3A_177, %dma_start3A_178] : memref<2x64x80xf32, #tpu.memory_space<vmem>> -> memref<1x64x80xf32, #tpu.memory_space<vmem>>
      %dma_start3A_180 = tpu.memref_squeeze %dma_start3A_179 : memref<1x64x80xf32, #tpu.memory_space<vmem>> -> memref<64x80xf32, #tpu.memory_space<vmem>>
      %dma_start3A_181 = arith.constant 0 : i32
      %dma_start3A_182 = tpu.memref_slice %arg6[%arg0, %add3A_132, %dma_start3A_181] : memref<2x10112x80xf32, #tpu.memory_space<hbm>> -> memref<1x64x80xf32, #tpu.memory_space<hbm>>
      %dma_start3A_183 = tpu.memref_squeeze %dma_start3A_182 : memref<1x64x80xf32, #tpu.memory_space<hbm>> -> memref<64x80xf32, #tpu.memory_space<hbm>>
      %dma_start3A_184 = arith.constant 0 : i32
      %dma_start3A_185 = tpu.memref_slice %arg6[%arg0, %add3A_132, %dma_start3A_184] : memref<2x10112x80xf32, #tpu.memory_space<hbm>> -> memref<1x64x80xf32, #tpu.memory_space<hbm>>
      %dma_start3A_186 = tpu.memref_squeeze %dma_start3A_185 : memref<1x64x80xf32, #tpu.memory_space<hbm>> -> memref<64x80xf32, #tpu.memory_space<hbm>>
      %dma_start3A_187 = arith.constant 0 : i32
      %dma_start3A_188 = arith.constant 0 : i32
      %dma_start3A_189 = tpu.memref_slice %arg11[%run_scoped3A_133, %dma_start3A_187, %dma_start3A_188] : memref<2x64x80xf32, #tpu.memory_space<vmem>> -> memref<1x64x80xf32, #tpu.memory_space<vmem>>
      %dma_start3A_190 = tpu.memref_squeeze %dma_start3A_189 : memref<1x64x80xf32, #tpu.memory_space<vmem>> -> memref<64x80xf32, #tpu.memory_space<vmem>>
      tpu.enqueue_dma source(%dma_start3A_190 : memref<64x80xf32, #tpu.memory_space<vmem>>) target(%dma_start3A_186 : memref<64x80xf32, #tpu.memory_space<hbm>>) target_semaphore(%run_scoped3A_176 : memref<!tpu.dma_semaphore, #tpu.memory_space<semaphore_mem>>)
      %dma_wait3A_191 = arith.constant 0 : i32
      %dma_wait3A_192 = arith.constant 0 : i32
      %dma_wait3A_193 = tpu.memref_slice %arg11[%run_scoped3A_133, %dma_wait3A_191, %dma_wait3A_192] : memref<2x64x80xf32, #tpu.memory_space<vmem>> -> memref<1x64x80xf32, #tpu.memory_space<vmem>>
      %dma_wait3A_194 = tpu.memref_squeeze %dma_wait3A_193 : memref<1x64x80xf32, #tpu.memory_space<vmem>> -> memref<64x80xf32, #tpu.memory_space<vmem>>
      %dma_wait3A_195 = arith.constant 0 : i32
      %dma_wait3A_196 = tpu.memref_slice %arg6[%arg0, %add3A_132, %dma_wait3A_195] : memref<2x10112x80xf32, #tpu.memory_space<hbm>> -> memref<1x64x80xf32, #tpu.memory_space<hbm>>
      %dma_wait3A_197 = tpu.memref_squeeze %dma_wait3A_196 : memref<1x64x80xf32, #tpu.memory_space<hbm>> -> memref<64x80xf32, #tpu.memory_space<hbm>>
      %dma_wait3A_198 = arith.constant 0 : i32
      %dma_wait3A_199 = tpu.memref_slice %arg6[%arg0, %add3A_132, %dma_wait3A_198] : memref<2x10112x80xf32, #tpu.memory_space<hbm>> -> memref<1x64x80xf32, #tpu.memory_space<hbm>>
      %dma_wait3A_200 = tpu.memref_squeeze %dma_wait3A_199 : memref<1x64x80xf32, #tpu.memory_space<hbm>> -> memref<64x80xf32, #tpu.memory_space<hbm>>
      %dma_wait3A_201 = arith.constant 0 : i32
      %dma_wait3A_202 = arith.constant 0 : i32
      %dma_wait3A_203 = tpu.memref_slice %arg11[%run_scoped3A_133, %dma_wait3A_201, %dma_wait3A_202] : memref<2x64x80xf32, #tpu.memory_space<vmem>> -> memref<1x64x80xf32, #tpu.memory_space<vmem>>
      %dma_wait3A_204 = tpu.memref_squeeze %dma_wait3A_203 : memref<1x64x80xf32, #tpu.memory_space<vmem>> -> memref<64x80xf32, #tpu.memory_space<vmem>>
      tpu.wait_dma2 semaphore(%run_scoped3A_176 : memref<!tpu.dma_semaphore, #tpu.memory_space<semaphore_mem>>) src(%dma_wait3A_204 : memref<64x80xf32, #tpu.memory_space<vmem>>) dst(%dma_wait3A_200 : memref<64x80xf32, #tpu.memory_space<hbm>>)
      tpu.yield
    }) : () -> ()
    %add3A_134 = arith.constant 192 : i32
    %add3A_135 = arith.addi %mul3A_11, %add3A_134 : i32
    %run_scoped3A_136 = arith.constant 0 : i32
    "tpu.region"() ({
      %run_scoped3A_176 = tpu.sem_alloc : memref<!tpu.dma_semaphore, #tpu.memory_space<semaphore_mem>>
      %dma_start3A_177 = arith.constant 0 : i32
      %dma_start3A_178 = arith.constant 0 : i32
      %dma_start3A_179 = tpu.memref_slice %arg11[%run_scoped3A_136, %dma_start3A_177, %dma_start3A_178] : memref<2x64x80xf32, #tpu.memory_space<vmem>> -> memref<1x64x80xf32, #tpu.memory_space<vmem>>
      %dma_start3A_180 = tpu.memref_squeeze %dma_start3A_179 : memref<1x64x80xf32, #tpu.memory_space<vmem>> -> memref<64x80xf32, #tpu.memory_space<vmem>>
      %dma_start3A_181 = arith.constant 0 : i32
      %dma_start3A_182 = tpu.memref_slice %arg12[%add3A_135, %dma_start3A_181] : memref<10112x80xf32, #tpu.memory_space<vmem_shared>> -> memref<64x80xf32, #tpu.memory_space<vmem_shared>>
      %dma_start3A_183 = arith.constant 0 : i32
      %dma_start3A_184 = arith.constant 0 : i32
      %dma_start3A_185 = tpu.memref_slice %arg11[%run_scoped3A_136, %dma_start3A_183, %dma_start3A_184] : memref<2x64x80xf32, #tpu.memory_space<vmem>> -> memref<1x64x80xf32, #tpu.memory_space<vmem>>
      %dma_start3A_186 = tpu.memref_squeeze %dma_start3A_185 : memref<1x64x80xf32, #tpu.memory_space<vmem>> -> memref<64x80xf32, #tpu.memory_space<vmem>>
      %dma_start3A_187 = arith.constant 0 : i32
      %dma_start3A_188 = tpu.memref_slice %arg12[%add3A_135, %dma_start3A_187] : memref<10112x80xf32, #tpu.memory_space<vmem_shared>> -> memref<64x80xf32, #tpu.memory_space<vmem_shared>>
      tpu.enqueue_dma source(%dma_start3A_188 : memref<64x80xf32, #tpu.memory_space<vmem_shared>>) target(%dma_start3A_186 : memref<64x80xf32, #tpu.memory_space<vmem>>) target_semaphore(%run_scoped3A_176 : memref<!tpu.dma_semaphore, #tpu.memory_space<semaphore_mem>>)
      %dma_wait3A_189 = arith.constant 0 : i32
      %dma_wait3A_190 = arith.constant 0 : i32
      %dma_wait3A_191 = tpu.memref_slice %arg11[%run_scoped3A_136, %dma_wait3A_189, %dma_wait3A_190] : memref<2x64x80xf32, #tpu.memory_space<vmem>> -> memref<1x64x80xf32, #tpu.memory_space<vmem>>
      %dma_wait3A_192 = tpu.memref_squeeze %dma_wait3A_191 : memref<1x64x80xf32, #tpu.memory_space<vmem>> -> memref<64x80xf32, #tpu.memory_space<vmem>>
      %dma_wait3A_193 = arith.constant 0 : i32
      %dma_wait3A_194 = tpu.memref_slice %arg12[%add3A_135, %dma_wait3A_193] : memref<10112x80xf32, #tpu.memory_space<vmem_shared>> -> memref<64x80xf32, #tpu.memory_space<vmem_shared>>
      %dma_wait3A_195 = arith.constant 0 : i32
      %dma_wait3A_196 = arith.constant 0 : i32
      %dma_wait3A_197 = tpu.memref_slice %arg11[%run_scoped3A_136, %dma_wait3A_195, %dma_wait3A_196] : memref<2x64x80xf32, #tpu.memory_space<vmem>> -> memref<1x64x80xf32, #tpu.memory_space<vmem>>
      %dma_wait3A_198 = tpu.memref_squeeze %dma_wait3A_197 : memref<1x64x80xf32, #tpu.memory_space<vmem>> -> memref<64x80xf32, #tpu.memory_space<vmem>>
      %dma_wait3A_199 = arith.constant 0 : i32
      %dma_wait3A_200 = tpu.memref_slice %arg12[%add3A_135, %dma_wait3A_199] : memref<10112x80xf32, #tpu.memory_space<vmem_shared>> -> memref<64x80xf32, #tpu.memory_space<vmem_shared>>
      tpu.wait_dma2 semaphore(%run_scoped3A_176 : memref<!tpu.dma_semaphore, #tpu.memory_space<semaphore_mem>>) src(%dma_wait3A_200 : memref<64x80xf32, #tpu.memory_space<vmem_shared>>) dst(%dma_wait3A_198 : memref<64x80xf32, #tpu.memory_space<vmem>>)
      tpu.yield
    }) : () -> ()
    %add3A_137 = arith.constant 192 : i32
    %add3A_138 = arith.addi %mul3A_11, %add3A_137 : i32
    %run_scoped3A_139 = arith.constant 0 : i32
    "tpu.region"() ({
      %run_scoped3A_176 = tpu.sem_alloc : memref<!tpu.dma_semaphore, #tpu.memory_space<semaphore_mem>>
      %dma_start3A_177 = arith.constant 0 : i32
      %dma_start3A_178 = arith.constant 0 : i32
      %dma_start3A_179 = tpu.memref_slice %arg11[%run_scoped3A_139, %dma_start3A_177, %dma_start3A_178] : memref<2x64x80xf32, #tpu.memory_space<vmem>> -> memref<1x64x80xf32, #tpu.memory_space<vmem>>
      %dma_start3A_180 = tpu.memref_squeeze %dma_start3A_179 : memref<1x64x80xf32, #tpu.memory_space<vmem>> -> memref<64x80xf32, #tpu.memory_space<vmem>>
      %dma_start3A_181 = arith.constant 0 : i32
      %dma_start3A_182 = tpu.memref_slice %arg6[%arg0, %add3A_138, %dma_start3A_181] : memref<2x10112x80xf32, #tpu.memory_space<hbm>> -> memref<1x64x80xf32, #tpu.memory_space<hbm>>
      %dma_start3A_183 = tpu.memref_squeeze %dma_start3A_182 : memref<1x64x80xf32, #tpu.memory_space<hbm>> -> memref<64x80xf32, #tpu.memory_space<hbm>>
      %dma_start3A_184 = arith.constant 0 : i32
      %dma_start3A_185 = tpu.memref_slice %arg6[%arg0, %add3A_138, %dma_start3A_184] : memref<2x10112x80xf32, #tpu.memory_space<hbm>> -> memref<1x64x80xf32, #tpu.memory_space<hbm>>
      %dma_start3A_186 = tpu.memref_squeeze %dma_start3A_185 : memref<1x64x80xf32, #tpu.memory_space<hbm>> -> memref<64x80xf32, #tpu.memory_space<hbm>>
      %dma_start3A_187 = arith.constant 0 : i32
      %dma_start3A_188 = arith.constant 0 : i32
      %dma_start3A_189 = tpu.memref_slice %arg11[%run_scoped3A_139, %dma_start3A_187, %dma_start3A_188] : memref<2x64x80xf32, #tpu.memory_space<vmem>> -> memref<1x64x80xf32, #tpu.memory_space<vmem>>
      %dma_start3A_190 = tpu.memref_squeeze %dma_start3A_189 : memref<1x64x80xf32, #tpu.memory_space<vmem>> -> memref<64x80xf32, #tpu.memory_space<vmem>>
      tpu.enqueue_dma source(%dma_start3A_190 : memref<64x80xf32, #tpu.memory_space<vmem>>) target(%dma_start3A_186 : memref<64x80xf32, #tpu.memory_space<hbm>>) target_semaphore(%run_scoped3A_176 : memref<!tpu.dma_semaphore, #tpu.memory_space<semaphore_mem>>)
      %dma_wait3A_191 = arith.constant 0 : i32
      %dma_wait3A_192 = arith.constant 0 : i32
      %dma_wait3A_193 = tpu.memref_slice %arg11[%run_scoped3A_139, %dma_wait3A_191, %dma_wait3A_192] : memref<2x64x80xf32, #tpu.memory_space<vmem>> -> memref<1x64x80xf32, #tpu.memory_space<vmem>>
      %dma_wait3A_194 = tpu.memref_squeeze %dma_wait3A_193 : memref<1x64x80xf32, #tpu.memory_space<vmem>> -> memref<64x80xf32, #tpu.memory_space<vmem>>
      %dma_wait3A_195 = arith.constant 0 : i32
      %dma_wait3A_196 = tpu.memref_slice %arg6[%arg0, %add3A_138, %dma_wait3A_195] : memref<2x10112x80xf32, #tpu.memory_space<hbm>> -> memref<1x64x80xf32, #tpu.memory_space<hbm>>
      %dma_wait3A_197 = tpu.memref_squeeze %dma_wait3A_196 : memref<1x64x80xf32, #tpu.memory_space<hbm>> -> memref<64x80xf32, #tpu.memory_space<hbm>>
      %dma_wait3A_198 = arith.constant 0 : i32
      %dma_wait3A_199 = tpu.memref_slice %arg6[%arg0, %add3A_138, %dma_wait3A_198] : memref<2x10112x80xf32, #tpu.memory_space<hbm>> -> memref<1x64x80xf32, #tpu.memory_space<hbm>>
      %dma_wait3A_200 = tpu.memref_squeeze %dma_wait3A_199 : memref<1x64x80xf32, #tpu.memory_space<hbm>> -> memref<64x80xf32, #tpu.memory_space<hbm>>
      %dma_wait3A_201 = arith.constant 0 : i32
      %dma_wait3A_202 = arith.constant 0 : i32
      %dma_wait3A_203 = tpu.memref_slice %arg11[%run_scoped3A_139, %dma_wait3A_201, %dma_wait3A_202] : memref<2x64x80xf32, #tpu.memory_space<vmem>> -> memref<1x64x80xf32, #tpu.memory_space<vmem>>
      %dma_wait3A_204 = tpu.memref_squeeze %dma_wait3A_203 : memref<1x64x80xf32, #tpu.memory_space<vmem>> -> memref<64x80xf32, #tpu.memory_space<vmem>>
      tpu.wait_dma2 semaphore(%run_scoped3A_176 : memref<!tpu.dma_semaphore, #tpu.memory_space<semaphore_mem>>) src(%dma_wait3A_204 : memref<64x80xf32, #tpu.memory_space<vmem>>) dst(%dma_wait3A_200 : memref<64x80xf32, #tpu.memory_space<hbm>>)
      tpu.yield
    }) : () -> ()
    %add3A_140 = arith.constant 256 : i32
    %add3A_141 = arith.addi %mul3A_11, %add3A_140 : i32
    %run_scoped3A_142 = arith.constant 0 : i32
    "tpu.region"() ({
      %run_scoped3A_176 = tpu.sem_alloc : memref<!tpu.dma_semaphore, #tpu.memory_space<semaphore_mem>>
      %dma_start3A_177 = arith.constant 0 : i32
      %dma_start3A_178 = arith.constant 0 : i32
      %dma_start3A_179 = tpu.memref_slice %arg11[%run_scoped3A_142, %dma_start3A_177, %dma_start3A_178] : memref<2x64x80xf32, #tpu.memory_space<vmem>> -> memref<1x64x80xf32, #tpu.memory_space<vmem>>
      %dma_start3A_180 = tpu.memref_squeeze %dma_start3A_179 : memref<1x64x80xf32, #tpu.memory_space<vmem>> -> memref<64x80xf32, #tpu.memory_space<vmem>>
      %dma_start3A_181 = arith.constant 0 : i32
      %dma_start3A_182 = tpu.memref_slice %arg12[%add3A_141, %dma_start3A_181] : memref<10112x80xf32, #tpu.memory_space<vmem_shared>> -> memref<64x80xf32, #tpu.memory_space<vmem_shared>>
      %dma_start3A_183 = arith.constant 0 : i32
      %dma_start3A_184 = arith.constant 0 : i32
      %dma_start3A_185 = tpu.memref_slice %arg11[%run_scoped3A_142, %dma_start3A_183, %dma_start3A_184] : memref<2x64x80xf32, #tpu.memory_space<vmem>> -> memref<1x64x80xf32, #tpu.memory_space<vmem>>
      %dma_start3A_186 = tpu.memref_squeeze %dma_start3A_185 : memref<1x64x80xf32, #tpu.memory_space<vmem>> -> memref<64x80xf32, #tpu.memory_space<vmem>>
      %dma_start3A_187 = arith.constant 0 : i32
      %dma_start3A_188 = tpu.memref_slice %arg12[%add3A_141, %dma_start3A_187] : memref<10112x80xf32, #tpu.memory_space<vmem_shared>> -> memref<64x80xf32, #tpu.memory_space<vmem_shared>>
      tpu.enqueue_dma source(%dma_start3A_188 : memref<64x80xf32, #tpu.memory_space<vmem_shared>>) target(%dma_start3A_186 : memref<64x80xf32, #tpu.memory_space<vmem>>) target_semaphore(%run_scoped3A_176 : memref<!tpu.dma_semaphore, #tpu.memory_space<semaphore_mem>>)
      %dma_wait3A_189 = arith.constant 0 : i32
      %dma_wait3A_190 = arith.constant 0 : i32
      %dma_wait3A_191 = tpu.memref_slice %arg11[%run_scoped3A_142, %dma_wait3A_189, %dma_wait3A_190] : memref<2x64x80xf32, #tpu.memory_space<vmem>> -> memref<1x64x80xf32, #tpu.memory_space<vmem>>
      %dma_wait3A_192 = tpu.memref_squeeze %dma_wait3A_191 : memref<1x64x80xf32, #tpu.memory_space<vmem>> -> memref<64x80xf32, #tpu.memory_space<vmem>>
      %dma_wait3A_193 = arith.constant 0 : i32
      %dma_wait3A_194 = tpu.memref_slice %arg12[%add3A_141, %dma_wait3A_193] : memref<10112x80xf32, #tpu.memory_space<vmem_shared>> -> memref<64x80xf32, #tpu.memory_space<vmem_shared>>
      %dma_wait3A_195 = arith.constant 0 : i32
      %dma_wait3A_196 = arith.constant 0 : i32
      %dma_wait3A_197 = tpu.memref_slice %arg11[%run_scoped3A_142, %dma_wait3A_195, %dma_wait3A_196] : memref<2x64x80xf32, #tpu.memory_space<vmem>> -> memref<1x64x80xf32, #tpu.memory_space<vmem>>
      %dma_wait3A_198 = tpu.memref_squeeze %dma_wait3A_197 : memref<1x64x80xf32, #tpu.memory_space<vmem>> -> memref<64x80xf32, #tpu.memory_space<vmem>>
      %dma_wait3A_199 = arith.constant 0 : i32
      %dma_wait3A_200 = tpu.memref_slice %arg12[%add3A_141, %dma_wait3A_199] : memref<10112x80xf32, #tpu.memory_space<vmem_shared>> -> memref<64x80xf32, #tpu.memory_space<vmem_shared>>
      tpu.wait_dma2 semaphore(%run_scoped3A_176 : memref<!tpu.dma_semaphore, #tpu.memory_space<semaphore_mem>>) src(%dma_wait3A_200 : memref<64x80xf32, #tpu.memory_space<vmem_shared>>) dst(%dma_wait3A_198 : memref<64x80xf32, #tpu.memory_space<vmem>>)
      tpu.yield
    }) : () -> ()
    %add3A_143 = arith.constant 256 : i32
    %add3A_144 = arith.addi %mul3A_11, %add3A_143 : i32
    %run_scoped3A_145 = arith.constant 0 : i32
    "tpu.region"() ({
      %run_scoped3A_176 = tpu.sem_alloc : memref<!tpu.dma_semaphore, #tpu.memory_space<semaphore_mem>>
      %dma_start3A_177 = arith.constant 0 : i32
      %dma_start3A_178 = arith.constant 0 : i32
      %dma_start3A_179 = tpu.memref_slice %arg11[%run_scoped3A_145, %dma_start3A_177, %dma_start3A_178] : memref<2x64x80xf32, #tpu.memory_space<vmem>> -> memref<1x64x80xf32, #tpu.memory_space<vmem>>
      %dma_start3A_180 = tpu.memref_squeeze %dma_start3A_179 : memref<1x64x80xf32, #tpu.memory_space<vmem>> -> memref<64x80xf32, #tpu.memory_space<vmem>>
      %dma_start3A_181 = arith.constant 0 : i32
      %dma_start3A_182 = tpu.memref_slice %arg6[%arg0, %add3A_144, %dma_start3A_181] : memref<2x10112x80xf32, #tpu.memory_space<hbm>> -> memref<1x64x80xf32, #tpu.memory_space<hbm>>
      %dma_start3A_183 = tpu.memref_squeeze %dma_start3A_182 : memref<1x64x80xf32, #tpu.memory_space<hbm>> -> memref<64x80xf32, #tpu.memory_space<hbm>>
      %dma_start3A_184 = arith.constant 0 : i32
      %dma_start3A_185 = tpu.memref_slice %arg6[%arg0, %add3A_144, %dma_start3A_184] : memref<2x10112x80xf32, #tpu.memory_space<hbm>> -> memref<1x64x80xf32, #tpu.memory_space<hbm>>
      %dma_start3A_186 = tpu.memref_squeeze %dma_start3A_185 : memref<1x64x80xf32, #tpu.memory_space<hbm>> -> memref<64x80xf32, #tpu.memory_space<hbm>>
      %dma_start3A_187 = arith.constant 0 : i32
      %dma_start3A_188 = arith.constant 0 : i32
      %dma_start3A_189 = tpu.memref_slice %arg11[%run_scoped3A_145, %dma_start3A_187, %dma_start3A_188] : memref<2x64x80xf32, #tpu.memory_space<vmem>> -> memref<1x64x80xf32, #tpu.memory_space<vmem>>
      %dma_start3A_190 = tpu.memref_squeeze %dma_start3A_189 : memref<1x64x80xf32, #tpu.memory_space<vmem>> -> memref<64x80xf32, #tpu.memory_space<vmem>>
      tpu.enqueue_dma source(%dma_start3A_190 : memref<64x80xf32, #tpu.memory_space<vmem>>) target(%dma_start3A_186 : memref<64x80xf32, #tpu.memory_space<hbm>>) target_semaphore(%run_scoped3A_176 : memref<!tpu.dma_semaphore, #tpu.memory_space<semaphore_mem>>)
      %dma_wait3A_191 = arith.constant 0 : i32
      %dma_wait3A_192 = arith.constant 0 : i32
      %dma_wait3A_193 = tpu.memref_slice %arg11[%run_scoped3A_145, %dma_wait3A_191, %dma_wait3A_192] : memref<2x64x80xf32, #tpu.memory_space<vmem>> -> memref<1x64x80xf32, #tpu.memory_space<vmem>>
      %dma_wait3A_194 = tpu.memref_squeeze %dma_wait3A_193 : memref<1x64x80xf32, #tpu.memory_space<vmem>> -> memref<64x80xf32, #tpu.memory_space<vmem>>
      %dma_wait3A_195 = arith.constant 0 : i32
      %dma_wait3A_196 = tpu.memref_slice %arg6[%arg0, %add3A_144, %dma_wait3A_195] : memref<2x10112x80xf32, #tpu.memory_space<hbm>> -> memref<1x64x80xf32, #tpu.memory_space<hbm>>
      %dma_wait3A_197 = tpu.memref_squeeze %dma_wait3A_196 : memref<1x64x80xf32, #tpu.memory_space<hbm>> -> memref<64x80xf32, #tpu.memory_space<hbm>>
      %dma_wait3A_198 = arith.constant 0 : i32
      %dma_wait3A_199 = tpu.memref_slice %arg6[%arg0, %add3A_144, %dma_wait3A_198] : memref<2x10112x80xf32, #tpu.memory_space<hbm>> -> memref<1x64x80xf32, #tpu.memory_space<hbm>>
      %dma_wait3A_200 = tpu.memref_squeeze %dma_wait3A_199 : memref<1x64x80xf32, #tpu.memory_space<hbm>> -> memref<64x80xf32, #tpu.memory_space<hbm>>
      %dma_wait3A_201 = arith.constant 0 : i32
      %dma_wait3A_202 = arith.constant 0 : i32
      %dma_wait3A_203 = tpu.memref_slice %arg11[%run_scoped3A_145, %dma_wait3A_201, %dma_wait3A_202] : memref<2x64x80xf32, #tpu.memory_space<vmem>> -> memref<1x64x80xf32, #tpu.memory_space<vmem>>
      %dma_wait3A_204 = tpu.memref_squeeze %dma_wait3A_203 : memref<1x64x80xf32, #tpu.memory_space<vmem>> -> memref<64x80xf32, #tpu.memory_space<vmem>>
      tpu.wait_dma2 semaphore(%run_scoped3A_176 : memref<!tpu.dma_semaphore, #tpu.memory_space<semaphore_mem>>) src(%dma_wait3A_204 : memref<64x80xf32, #tpu.memory_space<vmem>>) dst(%dma_wait3A_200 : memref<64x80xf32, #tpu.memory_space<hbm>>)
      tpu.yield
    }) : () -> ()
    %add3A_146 = arith.constant 320 : i32
    %add3A_147 = arith.addi %mul3A_11, %add3A_146 : i32
    %run_scoped3A_148 = arith.constant 0 : i32
    "tpu.region"() ({
      %run_scoped3A_176 = tpu.sem_alloc : memref<!tpu.dma_semaphore, #tpu.memory_space<semaphore_mem>>
      %dma_start3A_177 = arith.constant 0 : i32
      %dma_start3A_178 = arith.constant 0 : i32
      %dma_start3A_179 = tpu.memref_slice %arg11[%run_scoped3A_148, %dma_start3A_177, %dma_start3A_178] : memref<2x64x80xf32, #tpu.memory_space<vmem>> -> memref<1x64x80xf32, #tpu.memory_space<vmem>>
      %dma_start3A_180 = tpu.memref_squeeze %dma_start3A_179 : memref<1x64x80xf32, #tpu.memory_space<vmem>> -> memref<64x80xf32, #tpu.memory_space<vmem>>
      %dma_start3A_181 = arith.constant 0 : i32
      %dma_start3A_182 = tpu.memref_slice %arg12[%add3A_147, %dma_start3A_181] : memref<10112x80xf32, #tpu.memory_space<vmem_shared>> -> memref<64x80xf32, #tpu.memory_space<vmem_shared>>
      %dma_start3A_183 = arith.constant 0 : i32
      %dma_start3A_184 = arith.constant 0 : i32
      %dma_start3A_185 = tpu.memref_slice %arg11[%run_scoped3A_148, %dma_start3A_183, %dma_start3A_184] : memref<2x64x80xf32, #tpu.memory_space<vmem>> -> memref<1x64x80xf32, #tpu.memory_space<vmem>>
      %dma_start3A_186 = tpu.memref_squeeze %dma_start3A_185 : memref<1x64x80xf32, #tpu.memory_space<vmem>> -> memref<64x80xf32, #tpu.memory_space<vmem>>
      %dma_start3A_187 = arith.constant 0 : i32
      %dma_start3A_188 = tpu.memref_slice %arg12[%add3A_147, %dma_start3A_187] : memref<10112x80xf32, #tpu.memory_space<vmem_shared>> -> memref<64x80xf32, #tpu.memory_space<vmem_shared>>
      tpu.enqueue_dma source(%dma_start3A_188 : memref<64x80xf32, #tpu.memory_space<vmem_shared>>) target(%dma_start3A_186 : memref<64x80xf32, #tpu.memory_space<vmem>>) target_semaphore(%run_scoped3A_176 : memref<!tpu.dma_semaphore, #tpu.memory_space<semaphore_mem>>)
      %dma_wait3A_189 = arith.constant 0 : i32
      %dma_wait3A_190 = arith.constant 0 : i32
      %dma_wait3A_191 = tpu.memref_slice %arg11[%run_scoped3A_148, %dma_wait3A_189, %dma_wait3A_190] : memref<2x64x80xf32, #tpu.memory_space<vmem>> -> memref<1x64x80xf32, #tpu.memory_space<vmem>>
      %dma_wait3A_192 = tpu.memref_squeeze %dma_wait3A_191 : memref<1x64x80xf32, #tpu.memory_space<vmem>> -> memref<64x80xf32, #tpu.memory_space<vmem>>
      %dma_wait3A_193 = arith.constant 0 : i32
      %dma_wait3A_194 = tpu.memref_slice %arg12[%add3A_147, %dma_wait3A_193] : memref<10112x80xf32, #tpu.memory_space<vmem_shared>> -> memref<64x80xf32, #tpu.memory_space<vmem_shared>>
      %dma_wait3A_195 = arith.constant 0 : i32
      %dma_wait3A_196 = arith.constant 0 : i32
      %dma_wait3A_197 = tpu.memref_slice %arg11[%run_scoped3A_148, %dma_wait3A_195, %dma_wait3A_196] : memref<2x64x80xf32, #tpu.memory_space<vmem>> -> memref<1x64x80xf32, #tpu.memory_space<vmem>>
      %dma_wait3A_198 = tpu.memref_squeeze %dma_wait3A_197 : memref<1x64x80xf32, #tpu.memory_space<vmem>> -> memref<64x80xf32, #tpu.memory_space<vmem>>
      %dma_wait3A_199 = arith.constant 0 : i32
      %dma_wait3A_200 = tpu.memref_slice %arg12[%add3A_147, %dma_wait3A_199] : memref<10112x80xf32, #tpu.memory_space<vmem_shared>> -> memref<64x80xf32, #tpu.memory_space<vmem_shared>>
      tpu.wait_dma2 semaphore(%run_scoped3A_176 : memref<!tpu.dma_semaphore, #tpu.memory_space<semaphore_mem>>) src(%dma_wait3A_200 : memref<64x80xf32, #tpu.memory_space<vmem_shared>>) dst(%dma_wait3A_198 : memref<64x80xf32, #tpu.memory_space<vmem>>)
      tpu.yield
    }) : () -> ()
    %add3A_149 = arith.constant 320 : i32
    %add3A_150 = arith.addi %mul3A_11, %add3A_149 : i32
    %run_scoped3A_151 = arith.constant 0 : i32
    "tpu.region"() ({
      %run_scoped3A_176 = tpu.sem_alloc : memref<!tpu.dma_semaphore, #tpu.memory_space<semaphore_mem>>
      %dma_start3A_177 = arith.constant 0 : i32
      %dma_start3A_178 = arith.constant 0 : i32
      %dma_start3A_179 = tpu.memref_slice %arg11[%run_scoped3A_151, %dma_start3A_177, %dma_start3A_178] : memref<2x64x80xf32, #tpu.memory_space<vmem>> -> memref<1x64x80xf32, #tpu.memory_space<vmem>>
      %dma_start3A_180 = tpu.memref_squeeze %dma_start3A_179 : memref<1x64x80xf32, #tpu.memory_space<vmem>> -> memref<64x80xf32, #tpu.memory_space<vmem>>
      %dma_start3A_181 = arith.constant 0 : i32
      %dma_start3A_182 = tpu.memref_slice %arg6[%arg0, %add3A_150, %dma_start3A_181] : memref<2x10112x80xf32, #tpu.memory_space<hbm>> -> memref<1x64x80xf32, #tpu.memory_space<hbm>>
      %dma_start3A_183 = tpu.memref_squeeze %dma_start3A_182 : memref<1x64x80xf32, #tpu.memory_space<hbm>> -> memref<64x80xf32, #tpu.memory_space<hbm>>
      %dma_start3A_184 = arith.constant 0 : i32
      %dma_start3A_185 = tpu.memref_slice %arg6[%arg0, %add3A_150, %dma_start3A_184] : memref<2x10112x80xf32, #tpu.memory_space<hbm>> -> memref<1x64x80xf32, #tpu.memory_space<hbm>>
      %dma_start3A_186 = tpu.memref_squeeze %dma_start3A_185 : memref<1x64x80xf32, #tpu.memory_space<hbm>> -> memref<64x80xf32, #tpu.memory_space<hbm>>
      %dma_start3A_187 = arith.constant 0 : i32
      %dma_start3A_188 = arith.constant 0 : i32
      %dma_start3A_189 = tpu.memref_slice %arg11[%run_scoped3A_151, %dma_start3A_187, %dma_start3A_188] : memref<2x64x80xf32, #tpu.memory_space<vmem>> -> memref<1x64x80xf32, #tpu.memory_space<vmem>>
      %dma_start3A_190 = tpu.memref_squeeze %dma_start3A_189 : memref<1x64x80xf32, #tpu.memory_space<vmem>> -> memref<64x80xf32, #tpu.memory_space<vmem>>
      tpu.enqueue_dma source(%dma_start3A_190 : memref<64x80xf32, #tpu.memory_space<vmem>>) target(%dma_start3A_186 : memref<64x80xf32, #tpu.memory_space<hbm>>) target_semaphore(%run_scoped3A_176 : memref<!tpu.dma_semaphore, #tpu.memory_space<semaphore_mem>>)
      %dma_wait3A_191 = arith.constant 0 : i32
      %dma_wait3A_192 = arith.constant 0 : i32
      %dma_wait3A_193 = tpu.memref_slice %arg11[%run_scoped3A_151, %dma_wait3A_191, %dma_wait3A_192] : memref<2x64x80xf32, #tpu.memory_space<vmem>> -> memref<1x64x80xf32, #tpu.memory_space<vmem>>
      %dma_wait3A_194 = tpu.memref_squeeze %dma_wait3A_193 : memref<1x64x80xf32, #tpu.memory_space<vmem>> -> memref<64x80xf32, #tpu.memory_space<vmem>>
      %dma_wait3A_195 = arith.constant 0 : i32
      %dma_wait3A_196 = tpu.memref_slice %arg6[%arg0, %add3A_150, %dma_wait3A_195] : memref<2x10112x80xf32, #tpu.memory_space<hbm>> -> memref<1x64x80xf32, #tpu.memory_space<hbm>>
      %dma_wait3A_197 = tpu.memref_squeeze %dma_wait3A_196 : memref<1x64x80xf32, #tpu.memory_space<hbm>> -> memref<64x80xf32, #tpu.memory_space<hbm>>
      %dma_wait3A_198 = arith.constant 0 : i32
      %dma_wait3A_199 = tpu.memref_slice %arg6[%arg0, %add3A_150, %dma_wait3A_198] : memref<2x10112x80xf32, #tpu.memory_space<hbm>> -> memref<1x64x80xf32, #tpu.memory_space<hbm>>
      %dma_wait3A_200 = tpu.memref_squeeze %dma_wait3A_199 : memref<1x64x80xf32, #tpu.memory_space<hbm>> -> memref<64x80xf32, #tpu.memory_space<hbm>>
      %dma_wait3A_201 = arith.constant 0 : i32
      %dma_wait3A_202 = arith.constant 0 : i32
      %dma_wait3A_203 = tpu.memref_slice %arg11[%run_scoped3A_151, %dma_wait3A_201, %dma_wait3A_202] : memref<2x64x80xf32, #tpu.memory_space<vmem>> -> memref<1x64x80xf32, #tpu.memory_space<vmem>>
      %dma_wait3A_204 = tpu.memref_squeeze %dma_wait3A_203 : memref<1x64x80xf32, #tpu.memory_space<vmem>> -> memref<64x80xf32, #tpu.memory_space<vmem>>
      tpu.wait_dma2 semaphore(%run_scoped3A_176 : memref<!tpu.dma_semaphore, #tpu.memory_space<semaphore_mem>>) src(%dma_wait3A_204 : memref<64x80xf32, #tpu.memory_space<vmem>>) dst(%dma_wait3A_200 : memref<64x80xf32, #tpu.memory_space<hbm>>)
      tpu.yield
    }) : () -> ()
    %add3A_152 = arith.constant 384 : i32
    %add3A_153 = arith.addi %mul3A_11, %add3A_152 : i32
    %run_scoped3A_154 = arith.constant 0 : i32
    "tpu.region"() ({
      %run_scoped3A_176 = tpu.sem_alloc : memref<!tpu.dma_semaphore, #tpu.memory_space<semaphore_mem>>
      %dma_start3A_177 = arith.constant 0 : i32
      %dma_start3A_178 = arith.constant 0 : i32
      %dma_start3A_179 = tpu.memref_slice %arg11[%run_scoped3A_154, %dma_start3A_177, %dma_start3A_178] : memref<2x64x80xf32, #tpu.memory_space<vmem>> -> memref<1x64x80xf32, #tpu.memory_space<vmem>>
      %dma_start3A_180 = tpu.memref_squeeze %dma_start3A_179 : memref<1x64x80xf32, #tpu.memory_space<vmem>> -> memref<64x80xf32, #tpu.memory_space<vmem>>
      %dma_start3A_181 = arith.constant 0 : i32
      %dma_start3A_182 = tpu.memref_slice %arg12[%add3A_153, %dma_start3A_181] : memref<10112x80xf32, #tpu.memory_space<vmem_shared>> -> memref<64x80xf32, #tpu.memory_space<vmem_shared>>
      %dma_start3A_183 = arith.constant 0 : i32
      %dma_start3A_184 = arith.constant 0 : i32
      %dma_start3A_185 = tpu.memref_slice %arg11[%run_scoped3A_154, %dma_start3A_183, %dma_start3A_184] : memref<2x64x80xf32, #tpu.memory_space<vmem>> -> memref<1x64x80xf32, #tpu.memory_space<vmem>>
      %dma_start3A_186 = tpu.memref_squeeze %dma_start3A_185 : memref<1x64x80xf32, #tpu.memory_space<vmem>> -> memref<64x80xf32, #tpu.memory_space<vmem>>
      %dma_start3A_187 = arith.constant 0 : i32
      %dma_start3A_188 = tpu.memref_slice %arg12[%add3A_153, %dma_start3A_187] : memref<10112x80xf32, #tpu.memory_space<vmem_shared>> -> memref<64x80xf32, #tpu.memory_space<vmem_shared>>
      tpu.enqueue_dma source(%dma_start3A_188 : memref<64x80xf32, #tpu.memory_space<vmem_shared>>) target(%dma_start3A_186 : memref<64x80xf32, #tpu.memory_space<vmem>>) target_semaphore(%run_scoped3A_176 : memref<!tpu.dma_semaphore, #tpu.memory_space<semaphore_mem>>)
      %dma_wait3A_189 = arith.constant 0 : i32
      %dma_wait3A_190 = arith.constant 0 : i32
      %dma_wait3A_191 = tpu.memref_slice %arg11[%run_scoped3A_154, %dma_wait3A_189, %dma_wait3A_190] : memref<2x64x80xf32, #tpu.memory_space<vmem>> -> memref<1x64x80xf32, #tpu.memory_space<vmem>>
      %dma_wait3A_192 = tpu.memref_squeeze %dma_wait3A_191 : memref<1x64x80xf32, #tpu.memory_space<vmem>> -> memref<64x80xf32, #tpu.memory_space<vmem>>
      %dma_wait3A_193 = arith.constant 0 : i32
      %dma_wait3A_194 = tpu.memref_slice %arg12[%add3A_153, %dma_wait3A_193] : memref<10112x80xf32, #tpu.memory_space<vmem_shared>> -> memref<64x80xf32, #tpu.memory_space<vmem_shared>>
      %dma_wait3A_195 = arith.constant 0 : i32
      %dma_wait3A_196 = arith.constant 0 : i32
      %dma_wait3A_197 = tpu.memref_slice %arg11[%run_scoped3A_154, %dma_wait3A_195, %dma_wait3A_196] : memref<2x64x80xf32, #tpu.memory_space<vmem>> -> memref<1x64x80xf32, #tpu.memory_space<vmem>>
      %dma_wait3A_198 = tpu.memref_squeeze %dma_wait3A_197 : memref<1x64x80xf32, #tpu.memory_space<vmem>> -> memref<64x80xf32, #tpu.memory_space<vmem>>
      %dma_wait3A_199 = arith.constant 0 : i32
      %dma_wait3A_200 = tpu.memref_slice %arg12[%add3A_153, %dma_wait3A_199] : memref<10112x80xf32, #tpu.memory_space<vmem_shared>> -> memref<64x80xf32, #tpu.memory_space<vmem_shared>>
      tpu.wait_dma2 semaphore(%run_scoped3A_176 : memref<!tpu.dma_semaphore, #tpu.memory_space<semaphore_mem>>) src(%dma_wait3A_200 : memref<64x80xf32, #tpu.memory_space<vmem_shared>>) dst(%dma_wait3A_198 : memref<64x80xf32, #tpu.memory_space<vmem>>)
      tpu.yield
    }) : () -> ()
    %add3A_155 = arith.constant 384 : i32
    %add3A_156 = arith.addi %mul3A_11, %add3A_155 : i32
    %run_scoped3A_157 = arith.constant 0 : i32
    "tpu.region"() ({
      %run_scoped3A_176 = tpu.sem_alloc : memref<!tpu.dma_semaphore, #tpu.memory_space<semaphore_mem>>
      %dma_start3A_177 = arith.constant 0 : i32
      %dma_start3A_178 = arith.constant 0 : i32
      %dma_start3A_179 = tpu.memref_slice %arg11[%run_scoped3A_157, %dma_start3A_177, %dma_start3A_178] : memref<2x64x80xf32, #tpu.memory_space<vmem>> -> memref<1x64x80xf32, #tpu.memory_space<vmem>>
      %dma_start3A_180 = tpu.memref_squeeze %dma_start3A_179 : memref<1x64x80xf32, #tpu.memory_space<vmem>> -> memref<64x80xf32, #tpu.memory_space<vmem>>
      %dma_start3A_181 = arith.constant 0 : i32
      %dma_start3A_182 = tpu.memref_slice %arg6[%arg0, %add3A_156, %dma_start3A_181] : memref<2x10112x80xf32, #tpu.memory_space<hbm>> -> memref<1x64x80xf32, #tpu.memory_space<hbm>>
      %dma_start3A_183 = tpu.memref_squeeze %dma_start3A_182 : memref<1x64x80xf32, #tpu.memory_space<hbm>> -> memref<64x80xf32, #tpu.memory_space<hbm>>
      %dma_start3A_184 = arith.constant 0 : i32
      %dma_start3A_185 = tpu.memref_slice %arg6[%arg0, %add3A_156, %dma_start3A_184] : memref<2x10112x80xf32, #tpu.memory_space<hbm>> -> memref<1x64x80xf32, #tpu.memory_space<hbm>>
      %dma_start3A_186 = tpu.memref_squeeze %dma_start3A_185 : memref<1x64x80xf32, #tpu.memory_space<hbm>> -> memref<64x80xf32, #tpu.memory_space<hbm>>
      %dma_start3A_187 = arith.constant 0 : i32
      %dma_start3A_188 = arith.constant 0 : i32
      %dma_start3A_189 = tpu.memref_slice %arg11[%run_scoped3A_157, %dma_start3A_187, %dma_start3A_188] : memref<2x64x80xf32, #tpu.memory_space<vmem>> -> memref<1x64x80xf32, #tpu.memory_space<vmem>>
      %dma_start3A_190 = tpu.memref_squeeze %dma_start3A_189 : memref<1x64x80xf32, #tpu.memory_space<vmem>> -> memref<64x80xf32, #tpu.memory_space<vmem>>
      tpu.enqueue_dma source(%dma_start3A_190 : memref<64x80xf32, #tpu.memory_space<vmem>>) target(%dma_start3A_186 : memref<64x80xf32, #tpu.memory_space<hbm>>) target_semaphore(%run_scoped3A_176 : memref<!tpu.dma_semaphore, #tpu.memory_space<semaphore_mem>>)
      %dma_wait3A_191 = arith.constant 0 : i32
      %dma_wait3A_192 = arith.constant 0 : i32
      %dma_wait3A_193 = tpu.memref_slice %arg11[%run_scoped3A_157, %dma_wait3A_191, %dma_wait3A_192] : memref<2x64x80xf32, #tpu.memory_space<vmem>> -> memref<1x64x80xf32, #tpu.memory_space<vmem>>
      %dma_wait3A_194 = tpu.memref_squeeze %dma_wait3A_193 : memref<1x64x80xf32, #tpu.memory_space<vmem>> -> memref<64x80xf32, #tpu.memory_space<vmem>>
      %dma_wait3A_195 = arith.constant 0 : i32
      %dma_wait3A_196 = tpu.memref_slice %arg6[%arg0, %add3A_156, %dma_wait3A_195] : memref<2x10112x80xf32, #tpu.memory_space<hbm>> -> memref<1x64x80xf32, #tpu.memory_space<hbm>>
      %dma_wait3A_197 = tpu.memref_squeeze %dma_wait3A_196 : memref<1x64x80xf32, #tpu.memory_space<hbm>> -> memref<64x80xf32, #tpu.memory_space<hbm>>
      %dma_wait3A_198 = arith.constant 0 : i32
      %dma_wait3A_199 = tpu.memref_slice %arg6[%arg0, %add3A_156, %dma_wait3A_198] : memref<2x10112x80xf32, #tpu.memory_space<hbm>> -> memref<1x64x80xf32, #tpu.memory_space<hbm>>
      %dma_wait3A_200 = tpu.memref_squeeze %dma_wait3A_199 : memref<1x64x80xf32, #tpu.memory_space<hbm>> -> memref<64x80xf32, #tpu.memory_space<hbm>>
      %dma_wait3A_201 = arith.constant 0 : i32
      %dma_wait3A_202 = arith.constant 0 : i32
      %dma_wait3A_203 = tpu.memref_slice %arg11[%run_scoped3A_157, %dma_wait3A_201, %dma_wait3A_202] : memref<2x64x80xf32, #tpu.memory_space<vmem>> -> memref<1x64x80xf32, #tpu.memory_space<vmem>>
      %dma_wait3A_204 = tpu.memref_squeeze %dma_wait3A_203 : memref<1x64x80xf32, #tpu.memory_space<vmem>> -> memref<64x80xf32, #tpu.memory_space<vmem>>
      tpu.wait_dma2 semaphore(%run_scoped3A_176 : memref<!tpu.dma_semaphore, #tpu.memory_space<semaphore_mem>>) src(%dma_wait3A_204 : memref<64x80xf32, #tpu.memory_space<vmem>>) dst(%dma_wait3A_200 : memref<64x80xf32, #tpu.memory_space<hbm>>)
      tpu.yield
    }) : () -> ()
    %add3A_158 = arith.constant 448 : i32
    %add3A_159 = arith.addi %mul3A_11, %add3A_158 : i32
    %run_scoped3A_160 = arith.constant 0 : i32
    "tpu.region"() ({
      %run_scoped3A_176 = tpu.sem_alloc : memref<!tpu.dma_semaphore, #tpu.memory_space<semaphore_mem>>
      %dma_start3A_177 = arith.constant 0 : i32
      %dma_start3A_178 = arith.constant 0 : i32
      %dma_start3A_179 = tpu.memref_slice %arg11[%run_scoped3A_160, %dma_start3A_177, %dma_start3A_178] : memref<2x64x80xf32, #tpu.memory_space<vmem>> -> memref<1x64x80xf32, #tpu.memory_space<vmem>>
      %dma_start3A_180 = tpu.memref_squeeze %dma_start3A_179 : memref<1x64x80xf32, #tpu.memory_space<vmem>> -> memref<64x80xf32, #tpu.memory_space<vmem>>
      %dma_start3A_181 = arith.constant 0 : i32
      %dma_start3A_182 = tpu.memref_slice %arg12[%add3A_159, %dma_start3A_181] : memref<10112x80xf32, #tpu.memory_space<vmem_shared>> -> memref<64x80xf32, #tpu.memory_space<vmem_shared>>
      %dma_start3A_183 = arith.constant 0 : i32
      %dma_start3A_184 = arith.constant 0 : i32
      %dma_start3A_185 = tpu.memref_slice %arg11[%run_scoped3A_160, %dma_start3A_183, %dma_start3A_184] : memref<2x64x80xf32, #tpu.memory_space<vmem>> -> memref<1x64x80xf32, #tpu.memory_space<vmem>>
      %dma_start3A_186 = tpu.memref_squeeze %dma_start3A_185 : memref<1x64x80xf32, #tpu.memory_space<vmem>> -> memref<64x80xf32, #tpu.memory_space<vmem>>
      %dma_start3A_187 = arith.constant 0 : i32
      %dma_start3A_188 = tpu.memref_slice %arg12[%add3A_159, %dma_start3A_187] : memref<10112x80xf32, #tpu.memory_space<vmem_shared>> -> memref<64x80xf32, #tpu.memory_space<vmem_shared>>
      tpu.enqueue_dma source(%dma_start3A_188 : memref<64x80xf32, #tpu.memory_space<vmem_shared>>) target(%dma_start3A_186 : memref<64x80xf32, #tpu.memory_space<vmem>>) target_semaphore(%run_scoped3A_176 : memref<!tpu.dma_semaphore, #tpu.memory_space<semaphore_mem>>)
      %dma_wait3A_189 = arith.constant 0 : i32
      %dma_wait3A_190 = arith.constant 0 : i32
      %dma_wait3A_191 = tpu.memref_slice %arg11[%run_scoped3A_160, %dma_wait3A_189, %dma_wait3A_190] : memref<2x64x80xf32, #tpu.memory_space<vmem>> -> memref<1x64x80xf32, #tpu.memory_space<vmem>>
      %dma_wait3A_192 = tpu.memref_squeeze %dma_wait3A_191 : memref<1x64x80xf32, #tpu.memory_space<vmem>> -> memref<64x80xf32, #tpu.memory_space<vmem>>
      %dma_wait3A_193 = arith.constant 0 : i32
      %dma_wait3A_194 = tpu.memref_slice %arg12[%add3A_159, %dma_wait3A_193] : memref<10112x80xf32, #tpu.memory_space<vmem_shared>> -> memref<64x80xf32, #tpu.memory_space<vmem_shared>>
      %dma_wait3A_195 = arith.constant 0 : i32
      %dma_wait3A_196 = arith.constant 0 : i32
      %dma_wait3A_197 = tpu.memref_slice %arg11[%run_scoped3A_160, %dma_wait3A_195, %dma_wait3A_196] : memref<2x64x80xf32, #tpu.memory_space<vmem>> -> memref<1x64x80xf32, #tpu.memory_space<vmem>>
      %dma_wait3A_198 = tpu.memref_squeeze %dma_wait3A_197 : memref<1x64x80xf32, #tpu.memory_space<vmem>> -> memref<64x80xf32, #tpu.memory_space<vmem>>
      %dma_wait3A_199 = arith.constant 0 : i32
      %dma_wait3A_200 = tpu.memref_slice %arg12[%add3A_159, %dma_wait3A_199] : memref<10112x80xf32, #tpu.memory_space<vmem_shared>> -> memref<64x80xf32, #tpu.memory_space<vmem_shared>>
      tpu.wait_dma2 semaphore(%run_scoped3A_176 : memref<!tpu.dma_semaphore, #tpu.memory_space<semaphore_mem>>) src(%dma_wait3A_200 : memref<64x80xf32, #tpu.memory_space<vmem_shared>>) dst(%dma_wait3A_198 : memref<64x80xf32, #tpu.memory_space<vmem>>)
      tpu.yield
    }) : () -> ()
    %add3A_161 = arith.constant 448 : i32
    %add3A_162 = arith.addi %mul3A_11, %add3A_161 : i32
    %run_scoped3A_163 = arith.constant 0 : i32
    "tpu.region"() ({
      %run_scoped3A_176 = tpu.sem_alloc : memref<!tpu.dma_semaphore, #tpu.memory_space<semaphore_mem>>
      %dma_start3A_177 = arith.constant 0 : i32
      %dma_start3A_178 = arith.constant 0 : i32
      %dma_start3A_179 = tpu.memref_slice %arg11[%run_scoped3A_163, %dma_start3A_177, %dma_start3A_178] : memref<2x64x80xf32, #tpu.memory_space<vmem>> -> memref<1x64x80xf32, #tpu.memory_space<vmem>>
      %dma_start3A_180 = tpu.memref_squeeze %dma_start3A_179 : memref<1x64x80xf32, #tpu.memory_space<vmem>> -> memref<64x80xf32, #tpu.memory_space<vmem>>
      %dma_start3A_181 = arith.constant 0 : i32
      %dma_start3A_182 = tpu.memref_slice %arg6[%arg0, %add3A_162, %dma_start3A_181] : memref<2x10112x80xf32, #tpu.memory_space<hbm>> -> memref<1x64x80xf32, #tpu.memory_space<hbm>>
      %dma_start3A_183 = tpu.memref_squeeze %dma_start3A_182 : memref<1x64x80xf32, #tpu.memory_space<hbm>> -> memref<64x80xf32, #tpu.memory_space<hbm>>
      %dma_start3A_184 = arith.constant 0 : i32
      %dma_start3A_185 = tpu.memref_slice %arg6[%arg0, %add3A_162, %dma_start3A_184] : memref<2x10112x80xf32, #tpu.memory_space<hbm>> -> memref<1x64x80xf32, #tpu.memory_space<hbm>>
      %dma_start3A_186 = tpu.memref_squeeze %dma_start3A_185 : memref<1x64x80xf32, #tpu.memory_space<hbm>> -> memref<64x80xf32, #tpu.memory_space<hbm>>
      %dma_start3A_187 = arith.constant 0 : i32
      %dma_start3A_188 = arith.constant 0 : i32
      %dma_start3A_189 = tpu.memref_slice %arg11[%run_scoped3A_163, %dma_start3A_187, %dma_start3A_188] : memref<2x64x80xf32, #tpu.memory_space<vmem>> -> memref<1x64x80xf32, #tpu.memory_space<vmem>>
      %dma_start3A_190 = tpu.memref_squeeze %dma_start3A_189 : memref<1x64x80xf32, #tpu.memory_space<vmem>> -> memref<64x80xf32, #tpu.memory_space<vmem>>
      tpu.enqueue_dma source(%dma_start3A_190 : memref<64x80xf32, #tpu.memory_space<vmem>>) target(%dma_start3A_186 : memref<64x80xf32, #tpu.memory_space<hbm>>) target_semaphore(%run_scoped3A_176 : memref<!tpu.dma_semaphore, #tpu.memory_space<semaphore_mem>>)
      %dma_wait3A_191 = arith.constant 0 : i32
      %dma_wait3A_192 = arith.constant 0 : i32
      %dma_wait3A_193 = tpu.memref_slice %arg11[%run_scoped3A_163, %dma_wait3A_191, %dma_wait3A_192] : memref<2x64x80xf32, #tpu.memory_space<vmem>> -> memref<1x64x80xf32, #tpu.memory_space<vmem>>
      %dma_wait3A_194 = tpu.memref_squeeze %dma_wait3A_193 : memref<1x64x80xf32, #tpu.memory_space<vmem>> -> memref<64x80xf32, #tpu.memory_space<vmem>>
      %dma_wait3A_195 = arith.constant 0 : i32
      %dma_wait3A_196 = tpu.memref_slice %arg6[%arg0, %add3A_162, %dma_wait3A_195] : memref<2x10112x80xf32, #tpu.memory_space<hbm>> -> memref<1x64x80xf32, #tpu.memory_space<hbm>>
      %dma_wait3A_197 = tpu.memref_squeeze %dma_wait3A_196 : memref<1x64x80xf32, #tpu.memory_space<hbm>> -> memref<64x80xf32, #tpu.memory_space<hbm>>
      %dma_wait3A_198 = arith.constant 0 : i32
      %dma_wait3A_199 = tpu.memref_slice %arg6[%arg0, %add3A_162, %dma_wait3A_198] : memref<2x10112x80xf32, #tpu.memory_space<hbm>> -> memref<1x64x80xf32, #tpu.memory_space<hbm>>
      %dma_wait3A_200 = tpu.memref_squeeze %dma_wait3A_199 : memref<1x64x80xf32, #tpu.memory_space<hbm>> -> memref<64x80xf32, #tpu.memory_space<hbm>>
      %dma_wait3A_201 = arith.constant 0 : i32
      %dma_wait3A_202 = arith.constant 0 : i32
      %dma_wait3A_203 = tpu.memref_slice %arg11[%run_scoped3A_163, %dma_wait3A_201, %dma_wait3A_202] : memref<2x64x80xf32, #tpu.memory_space<vmem>> -> memref<1x64x80xf32, #tpu.memory_space<vmem>>
      %dma_wait3A_204 = tpu.memref_squeeze %dma_wait3A_203 : memref<1x64x80xf32, #tpu.memory_space<vmem>> -> memref<64x80xf32, #tpu.memory_space<vmem>>
      tpu.wait_dma2 semaphore(%run_scoped3A_176 : memref<!tpu.dma_semaphore, #tpu.memory_space<semaphore_mem>>) src(%dma_wait3A_204 : memref<64x80xf32, #tpu.memory_space<vmem>>) dst(%dma_wait3A_200 : memref<64x80xf32, #tpu.memory_space<hbm>>)
      tpu.yield
    }) : () -> ()
    %add3A_164 = arith.constant 512 : i32
    %add3A_165 = arith.addi %mul3A_11, %add3A_164 : i32
    %run_scoped3A_166 = arith.constant 0 : i32
    "tpu.region"() ({
      %run_scoped3A_176 = tpu.sem_alloc : memref<!tpu.dma_semaphore, #tpu.memory_space<semaphore_mem>>
      %dma_start3A_177 = arith.constant 0 : i32
      %dma_start3A_178 = arith.constant 0 : i32
      %dma_start3A_179 = tpu.memref_slice %arg11[%run_scoped3A_166, %dma_start3A_177, %dma_start3A_178] : memref<2x64x80xf32, #tpu.memory_space<vmem>> -> memref<1x64x80xf32, #tpu.memory_space<vmem>>
      %dma_start3A_180 = tpu.memref_squeeze %dma_start3A_179 : memref<1x64x80xf32, #tpu.memory_space<vmem>> -> memref<64x80xf32, #tpu.memory_space<vmem>>
      %dma_start3A_181 = arith.constant 0 : i32
      %dma_start3A_182 = tpu.memref_slice %arg12[%add3A_165, %dma_start3A_181] : memref<10112x80xf32, #tpu.memory_space<vmem_shared>> -> memref<64x80xf32, #tpu.memory_space<vmem_shared>>
      %dma_start3A_183 = arith.constant 0 : i32
      %dma_start3A_184 = arith.constant 0 : i32
      %dma_start3A_185 = tpu.memref_slice %arg11[%run_scoped3A_166, %dma_start3A_183, %dma_start3A_184] : memref<2x64x80xf32, #tpu.memory_space<vmem>> -> memref<1x64x80xf32, #tpu.memory_space<vmem>>
      %dma_start3A_186 = tpu.memref_squeeze %dma_start3A_185 : memref<1x64x80xf32, #tpu.memory_space<vmem>> -> memref<64x80xf32, #tpu.memory_space<vmem>>
      %dma_start3A_187 = arith.constant 0 : i32
      %dma_start3A_188 = tpu.memref_slice %arg12[%add3A_165, %dma_start3A_187] : memref<10112x80xf32, #tpu.memory_space<vmem_shared>> -> memref<64x80xf32, #tpu.memory_space<vmem_shared>>
      tpu.enqueue_dma source(%dma_start3A_188 : memref<64x80xf32, #tpu.memory_space<vmem_shared>>) target(%dma_start3A_186 : memref<64x80xf32, #tpu.memory_space<vmem>>) target_semaphore(%run_scoped3A_176 : memref<!tpu.dma_semaphore, #tpu.memory_space<semaphore_mem>>)
      %dma_wait3A_189 = arith.constant 0 : i32
      %dma_wait3A_190 = arith.constant 0 : i32
      %dma_wait3A_191 = tpu.memref_slice %arg11[%run_scoped3A_166, %dma_wait3A_189, %dma_wait3A_190] : memref<2x64x80xf32, #tpu.memory_space<vmem>> -> memref<1x64x80xf32, #tpu.memory_space<vmem>>
      %dma_wait3A_192 = tpu.memref_squeeze %dma_wait3A_191 : memref<1x64x80xf32, #tpu.memory_space<vmem>> -> memref<64x80xf32, #tpu.memory_space<vmem>>
      %dma_wait3A_193 = arith.constant 0 : i32
      %dma_wait3A_194 = tpu.memref_slice %arg12[%add3A_165, %dma_wait3A_193] : memref<10112x80xf32, #tpu.memory_space<vmem_shared>> -> memref<64x80xf32, #tpu.memory_space<vmem_shared>>
      %dma_wait3A_195 = arith.constant 0 : i32
      %dma_wait3A_196 = arith.constant 0 : i32
      %dma_wait3A_197 = tpu.memref_slice %arg11[%run_scoped3A_166, %dma_wait3A_195, %dma_wait3A_196] : memref<2x64x80xf32, #tpu.memory_space<vmem>> -> memref<1x64x80xf32, #tpu.memory_space<vmem>>
      %dma_wait3A_198 = tpu.memref_squeeze %dma_wait3A_197 : memref<1x64x80xf32, #tpu.memory_space<vmem>> -> memref<64x80xf32, #tpu.memory_space<vmem>>
      %dma_wait3A_199 = arith.constant 0 : i32
      %dma_wait3A_200 = tpu.memref_slice %arg12[%add3A_165, %dma_wait3A_199] : memref<10112x80xf32, #tpu.memory_space<vmem_shared>> -> memref<64x80xf32, #tpu.memory_space<vmem_shared>>
      tpu.wait_dma2 semaphore(%run_scoped3A_176 : memref<!tpu.dma_semaphore, #tpu.memory_space<semaphore_mem>>) src(%dma_wait3A_200 : memref<64x80xf32, #tpu.memory_space<vmem_shared>>) dst(%dma_wait3A_198 : memref<64x80xf32, #tpu.memory_space<vmem>>)
      tpu.yield
    }) : () -> ()
    %add3A_167 = arith.constant 512 : i32
    %add3A_168 = arith.addi %mul3A_11, %add3A_167 : i32
    %run_scoped3A_169 = arith.constant 0 : i32
    "tpu.region"() ({
      %run_scoped3A_176 = tpu.sem_alloc : memref<!tpu.dma_semaphore, #tpu.memory_space<semaphore_mem>>
      %dma_start3A_177 = arith.constant 0 : i32
      %dma_start3A_178 = arith.constant 0 : i32
      %dma_start3A_179 = tpu.memref_slice %arg11[%run_scoped3A_169, %dma_start3A_177, %dma_start3A_178] : memref<2x64x80xf32, #tpu.memory_space<vmem>> -> memref<1x64x80xf32, #tpu.memory_space<vmem>>
      %dma_start3A_180 = tpu.memref_squeeze %dma_start3A_179 : memref<1x64x80xf32, #tpu.memory_space<vmem>> -> memref<64x80xf32, #tpu.memory_space<vmem>>
      %dma_start3A_181 = arith.constant 0 : i32
      %dma_start3A_182 = tpu.memref_slice %arg6[%arg0, %add3A_168, %dma_start3A_181] : memref<2x10112x80xf32, #tpu.memory_space<hbm>> -> memref<1x64x80xf32, #tpu.memory_space<hbm>>
      %dma_start3A_183 = tpu.memref_squeeze %dma_start3A_182 : memref<1x64x80xf32, #tpu.memory_space<hbm>> -> memref<64x80xf32, #tpu.memory_space<hbm>>
      %dma_start3A_184 = arith.constant 0 : i32
      %dma_start3A_185 = tpu.memref_slice %arg6[%arg0, %add3A_168, %dma_start3A_184] : memref<2x10112x80xf32, #tpu.memory_space<hbm>> -> memref<1x64x80xf32, #tpu.memory_space<hbm>>
      %dma_start3A_186 = tpu.memref_squeeze %dma_start3A_185 : memref<1x64x80xf32, #tpu.memory_space<hbm>> -> memref<64x80xf32, #tpu.memory_space<hbm>>
      %dma_start3A_187 = arith.constant 0 : i32
      %dma_start3A_188 = arith.constant 0 : i32
      %dma_start3A_189 = tpu.memref_slice %arg11[%run_scoped3A_169, %dma_start3A_187, %dma_start3A_188] : memref<2x64x80xf32, #tpu.memory_space<vmem>> -> memref<1x64x80xf32, #tpu.memory_space<vmem>>
      %dma_start3A_190 = tpu.memref_squeeze %dma_start3A_189 : memref<1x64x80xf32, #tpu.memory_space<vmem>> -> memref<64x80xf32, #tpu.memory_space<vmem>>
      tpu.enqueue_dma source(%dma_start3A_190 : memref<64x80xf32, #tpu.memory_space<vmem>>) target(%dma_start3A_186 : memref<64x80xf32, #tpu.memory_space<hbm>>) target_semaphore(%run_scoped3A_176 : memref<!tpu.dma_semaphore, #tpu.memory_space<semaphore_mem>>)
      %dma_wait3A_191 = arith.constant 0 : i32
      %dma_wait3A_192 = arith.constant 0 : i32
      %dma_wait3A_193 = tpu.memref_slice %arg11[%run_scoped3A_169, %dma_wait3A_191, %dma_wait3A_192] : memref<2x64x80xf32, #tpu.memory_space<vmem>> -> memref<1x64x80xf32, #tpu.memory_space<vmem>>
      %dma_wait3A_194 = tpu.memref_squeeze %dma_wait3A_193 : memref<1x64x80xf32, #tpu.memory_space<vmem>> -> memref<64x80xf32, #tpu.memory_space<vmem>>
      %dma_wait3A_195 = arith.constant 0 : i32
      %dma_wait3A_196 = tpu.memref_slice %arg6[%arg0, %add3A_168, %dma_wait3A_195] : memref<2x10112x80xf32, #tpu.memory_space<hbm>> -> memref<1x64x80xf32, #tpu.memory_space<hbm>>
      %dma_wait3A_197 = tpu.memref_squeeze %dma_wait3A_196 : memref<1x64x80xf32, #tpu.memory_space<hbm>> -> memref<64x80xf32, #tpu.memory_space<hbm>>
      %dma_wait3A_198 = arith.constant 0 : i32
      %dma_wait3A_199 = tpu.memref_slice %arg6[%arg0, %add3A_168, %dma_wait3A_198] : memref<2x10112x80xf32, #tpu.memory_space<hbm>> -> memref<1x64x80xf32, #tpu.memory_space<hbm>>
      %dma_wait3A_200 = tpu.memref_squeeze %dma_wait3A_199 : memref<1x64x80xf32, #tpu.memory_space<hbm>> -> memref<64x80xf32, #tpu.memory_space<hbm>>
      %dma_wait3A_201 = arith.constant 0 : i32
      %dma_wait3A_202 = arith.constant 0 : i32
      %dma_wait3A_203 = tpu.memref_slice %arg11[%run_scoped3A_169, %dma_wait3A_201, %dma_wait3A_202] : memref<2x64x80xf32, #tpu.memory_space<vmem>> -> memref<1x64x80xf32, #tpu.memory_space<vmem>>
      %dma_wait3A_204 = tpu.memref_squeeze %dma_wait3A_203 : memref<1x64x80xf32, #tpu.memory_space<vmem>> -> memref<64x80xf32, #tpu.memory_space<vmem>>
      tpu.wait_dma2 semaphore(%run_scoped3A_176 : memref<!tpu.dma_semaphore, #tpu.memory_space<semaphore_mem>>) src(%dma_wait3A_204 : memref<64x80xf32, #tpu.memory_space<vmem>>) dst(%dma_wait3A_200 : memref<64x80xf32, #tpu.memory_space<hbm>>)
      tpu.yield
    }) : () -> ()
    %add3A_170 = arith.constant 576 : i32
    %add3A_171 = arith.addi %mul3A_11, %add3A_170 : i32
    %run_scoped3A_172 = arith.constant 0 : i32
    "tpu.region"() ({
      %run_scoped3A_176 = tpu.sem_alloc : memref<!tpu.dma_semaphore, #tpu.memory_space<semaphore_mem>>
      %dma_start3A_177 = arith.constant 0 : i32
      %dma_start3A_178 = arith.constant 0 : i32
      %dma_start3A_179 = tpu.memref_slice %arg11[%run_scoped3A_172, %dma_start3A_177, %dma_start3A_178] : memref<2x64x80xf32, #tpu.memory_space<vmem>> -> memref<1x56x80xf32, #tpu.memory_space<vmem>>
      %dma_start3A_180 = tpu.memref_squeeze %dma_start3A_179 : memref<1x56x80xf32, #tpu.memory_space<vmem>> -> memref<56x80xf32, #tpu.memory_space<vmem>>
      %dma_start3A_181 = arith.constant 0 : i32
      %dma_start3A_182 = tpu.memref_slice %arg12[%add3A_171, %dma_start3A_181] : memref<10112x80xf32, #tpu.memory_space<vmem_shared>> -> memref<56x80xf32, #tpu.memory_space<vmem_shared>>
      %dma_start3A_183 = arith.constant 0 : i32
      %dma_start3A_184 = arith.constant 0 : i32
      %dma_start3A_185 = tpu.memref_slice %arg11[%run_scoped3A_172, %dma_start3A_183, %dma_start3A_184] : memref<2x64x80xf32, #tpu.memory_space<vmem>> -> memref<1x56x80xf32, #tpu.memory_space<vmem>>
      %dma_start3A_186 = tpu.memref_squeeze %dma_start3A_185 : memref<1x56x80xf32, #tpu.memory_space<vmem>> -> memref<56x80xf32, #tpu.memory_space<vmem>>
      %dma_start3A_187 = arith.constant 0 : i32
      %dma_start3A_188 = tpu.memref_slice %arg12[%add3A_171, %dma_start3A_187] : memref<10112x80xf32, #tpu.memory_space<vmem_shared>> -> memref<56x80xf32, #tpu.memory_space<vmem_shared>>
      tpu.enqueue_dma source(%dma_start3A_188 : memref<56x80xf32, #tpu.memory_space<vmem_shared>>) target(%dma_start3A_186 : memref<56x80xf32, #tpu.memory_space<vmem>>) target_semaphore(%run_scoped3A_176 : memref<!tpu.dma_semaphore, #tpu.memory_space<semaphore_mem>>)
      %dma_wait3A_189 = arith.constant 0 : i32
      %dma_wait3A_190 = arith.constant 0 : i32
      %dma_wait3A_191 = tpu.memref_slice %arg11[%run_scoped3A_172, %dma_wait3A_189, %dma_wait3A_190] : memref<2x64x80xf32, #tpu.memory_space<vmem>> -> memref<1x56x80xf32, #tpu.memory_space<vmem>>
      %dma_wait3A_192 = tpu.memref_squeeze %dma_wait3A_191 : memref<1x56x80xf32, #tpu.memory_space<vmem>> -> memref<56x80xf32, #tpu.memory_space<vmem>>
      %dma_wait3A_193 = arith.constant 0 : i32
      %dma_wait3A_194 = tpu.memref_slice %arg12[%add3A_171, %dma_wait3A_193] : memref<10112x80xf32, #tpu.memory_space<vmem_shared>> -> memref<56x80xf32, #tpu.memory_space<vmem_shared>>
      %dma_wait3A_195 = arith.constant 0 : i32
      %dma_wait3A_196 = arith.constant 0 : i32
      %dma_wait3A_197 = tpu.memref_slice %arg11[%run_scoped3A_172, %dma_wait3A_195, %dma_wait3A_196] : memref<2x64x80xf32, #tpu.memory_space<vmem>> -> memref<1x56x80xf32, #tpu.memory_space<vmem>>
      %dma_wait3A_198 = tpu.memref_squeeze %dma_wait3A_197 : memref<1x56x80xf32, #tpu.memory_space<vmem>> -> memref<56x80xf32, #tpu.memory_space<vmem>>
      %dma_wait3A_199 = arith.constant 0 : i32
      %dma_wait3A_200 = tpu.memref_slice %arg12[%add3A_171, %dma_wait3A_199] : memref<10112x80xf32, #tpu.memory_space<vmem_shared>> -> memref<56x80xf32, #tpu.memory_space<vmem_shared>>
      tpu.wait_dma2 semaphore(%run_scoped3A_176 : memref<!tpu.dma_semaphore, #tpu.memory_space<semaphore_mem>>) src(%dma_wait3A_200 : memref<56x80xf32, #tpu.memory_space<vmem_shared>>) dst(%dma_wait3A_198 : memref<56x80xf32, #tpu.memory_space<vmem>>)
      tpu.yield
    }) : () -> ()
    %add3A_173 = arith.constant 576 : i32
    %add3A_174 = arith.addi %mul3A_11, %add3A_173 : i32
    %run_scoped3A_175 = arith.constant 0 : i32
    "tpu.region"() ({
      %run_scoped3A_176 = tpu.sem_alloc : memref<!tpu.dma_semaphore, #tpu.memory_space<semaphore_mem>>
      %dma_start3A_177 = arith.constant 0 : i32
      %dma_start3A_178 = arith.constant 0 : i32
      %dma_start3A_179 = tpu.memref_slice %arg11[%run_scoped3A_175, %dma_start3A_177, %dma_start3A_178] : memref<2x64x80xf32, #tpu.memory_space<vmem>> -> memref<1x56x80xf32, #tpu.memory_space<vmem>>
      %dma_start3A_180 = tpu.memref_squeeze %dma_start3A_179 : memref<1x56x80xf32, #tpu.memory_space<vmem>> -> memref<56x80xf32, #tpu.memory_space<vmem>>
      %dma_start3A_181 = arith.constant 0 : i32
      %dma_start3A_182 = tpu.memref_slice %arg6[%arg0, %add3A_174, %dma_start3A_181] : memref<2x10112x80xf32, #tpu.memory_space<hbm>> -> memref<1x56x80xf32, #tpu.memory_space<hbm>>
      %dma_start3A_183 = tpu.memref_squeeze %dma_start3A_182 : memref<1x56x80xf32, #tpu.memory_space<hbm>> -> memref<56x80xf32, #tpu.memory_space<hbm>>
      %dma_start3A_184 = arith.constant 0 : i32
      %dma_start3A_185 = tpu.memref_slice %arg6[%arg0, %add3A_174, %dma_start3A_184] : memref<2x10112x80xf32, #tpu.memory_space<hbm>> -> memref<1x56x80xf32, #tpu.memory_space<hbm>>
      %dma_start3A_186 = tpu.memref_squeeze %dma_start3A_185 : memref<1x56x80xf32, #tpu.memory_space<hbm>> -> memref<56x80xf32, #tpu.memory_space<hbm>>
      %dma_start3A_187 = arith.constant 0 : i32
      %dma_start3A_188 = arith.constant 0 : i32
      %dma_start3A_189 = tpu.memref_slice %arg11[%run_scoped3A_175, %dma_start3A_187, %dma_start3A_188] : memref<2x64x80xf32, #tpu.memory_space<vmem>> -> memref<1x56x80xf32, #tpu.memory_space<vmem>>
      %dma_start3A_190 = tpu.memref_squeeze %dma_start3A_189 : memref<1x56x80xf32, #tpu.memory_space<vmem>> -> memref<56x80xf32, #tpu.memory_space<vmem>>
      tpu.enqueue_dma source(%dma_start3A_190 : memref<56x80xf32, #tpu.memory_space<vmem>>) target(%dma_start3A_186 : memref<56x80xf32, #tpu.memory_space<hbm>>) target_semaphore(%run_scoped3A_176 : memref<!tpu.dma_semaphore, #tpu.memory_space<semaphore_mem>>)
      %dma_wait3A_191 = arith.constant 0 : i32
      %dma_wait3A_192 = arith.constant 0 : i32
      %dma_wait3A_193 = tpu.memref_slice %arg11[%run_scoped3A_175, %dma_wait3A_191, %dma_wait3A_192] : memref<2x64x80xf32, #tpu.memory_space<vmem>> -> memref<1x56x80xf32, #tpu.memory_space<vmem>>
      %dma_wait3A_194 = tpu.memref_squeeze %dma_wait3A_193 : memref<1x56x80xf32, #tpu.memory_space<vmem>> -> memref<56x80xf32, #tpu.memory_space<vmem>>
      %dma_wait3A_195 = arith.constant 0 : i32
      %dma_wait3A_196 = tpu.memref_slice %arg6[%arg0, %add3A_174, %dma_wait3A_195] : memref<2x10112x80xf32, #tpu.memory_space<hbm>> -> memref<1x56x80xf32, #tpu.memory_space<hbm>>
      %dma_wait3A_197 = tpu.memref_squeeze %dma_wait3A_196 : memref<1x56x80xf32, #tpu.memory_space<hbm>> -> memref<56x80xf32, #tpu.memory_space<hbm>>
      %dma_wait3A_198 = arith.constant 0 : i32
      %dma_wait3A_199 = tpu.memref_slice %arg6[%arg0, %add3A_174, %dma_wait3A_198] : memref<2x10112x80xf32, #tpu.memory_space<hbm>> -> memref<1x56x80xf32, #tpu.memory_space<hbm>>
      %dma_wait3A_200 = tpu.memref_squeeze %dma_wait3A_199 : memref<1x56x80xf32, #tpu.memory_space<hbm>> -> memref<56x80xf32, #tpu.memory_space<hbm>>
      %dma_wait3A_201 = arith.constant 0 : i32
      %dma_wait3A_202 = arith.constant 0 : i32
      %dma_wait3A_203 = tpu.memref_slice %arg11[%run_scoped3A_175, %dma_wait3A_201, %dma_wait3A_202] : memref<2x64x80xf32, #tpu.memory_space<vmem>> -> memref<1x56x80xf32, #tpu.memory_space<vmem>>
      %dma_wait3A_204 = tpu.memref_squeeze %dma_wait3A_203 : memref<1x56x80xf32, #tpu.memory_space<vmem>> -> memref<56x80xf32, #tpu.memory_space<vmem>>
      tpu.wait_dma2 semaphore(%run_scoped3A_176 : memref<!tpu.dma_semaphore, #tpu.memory_space<semaphore_mem>>) src(%dma_wait3A_204 : memref<56x80xf32, #tpu.memory_space<vmem>>) dst(%dma_wait3A_200 : memref<56x80xf32, #tpu.memory_space<hbm>>)
      tpu.yield
    }) : () -> ()
    return
  }
}

module attributes {stable_mosaic.version = 14 : i64} {
  func.func @_p_kernel(%arg0: i32, %arg1: i32, %arg2: memref<10240x16xf32, #tpu.memory_space<vmem>>, %arg3: memref<1x16x64xf32, #tpu.memory_space<vmem>>, %arg4: memref<1x1x64xf32, #tpu.memory_space<vmem>>, %arg5: memref<1x10240x64xf32, #tpu.memory_space<vmem>>) attributes {dimension_semantics = [#tpu.dimension_semantics<arbitrary>, #tpu.dimension_semantics<arbitrary>], iteration_bounds = array<i64: 2, 32>, scalar_prefetch = 0 : i64, scratch_operands = 0 : i64, tpu.core_type = #tpu.core_type<tc>, window_params = [{transform_indices = @transform_0, window_bounds = array<i64: 10240, 16>}, {transform_indices = @transform_1, window_bounds = array<i64: 1, 16, 64>}, {transform_indices = @transform_2, window_bounds = array<i64: 1, 1, 64>}, {transform_indices = @transform_3, window_bounds = array<i64: 1, 10240, 64>}]} {
    %get3A = arith.constant 0 : index
    %get3A_0 = arith.constant 0 : index
    %get3A_1 = vector.load %arg2[%get3A, %get3A_0] : memref<10240x16xf32, #tpu.memory_space<vmem>>, vector<10240x16xf32>
    %get3A_2 = arith.constant 0 : index
    %get3A_3 = arith.constant 0 : index
    %get3A_4 = arith.constant 0 : index
    %get3A_5 = vector.load %arg3[%get3A_2, %get3A_3, %get3A_4] : memref<1x16x64xf32, #tpu.memory_space<vmem>>, vector<1x16x64xf32>
    %get3A_6 = vector.shape_cast %get3A_5 : vector<1x16x64xf32> to vector<16x64xf32>
    %dot_general3A = arith.constant dense<0.000000e+00> : vector<10240x64xf32>
    %dot_general3A_7 = tpu.matmul %get3A_1, %get3A_6, %dot_general3A {dimension_numbers = #tpu.dot_dimension_numbers<[1], [0], [0], [1], [0, 0, 1, 1], [], []>, transpose_lhs_hint = false} : vector<10240x16xf32>, vector<16x64xf32>, vector<10240x64xf32> -> vector<10240x64xf32>
    %get3A_8 = arith.constant 0 : index
    %get3A_9 = arith.constant 0 : index
    %get3A_10 = arith.constant 0 : index
    %get3A_11 = vector.load %arg4[%get3A_8, %get3A_9, %get3A_10] : memref<1x1x64xf32, #tpu.memory_space<vmem>>, vector<1x1x64xf32>
    %get3A_12 = vector.shape_cast %get3A_11 : vector<1x1x64xf32> to vector<1x64xf32>
    %add3A = vector.broadcast %get3A_12 : vector<1x64xf32> to vector<10240x64xf32>
    %add3A_13 = arith.addf %dot_general3A_7, %add3A : vector<10240x64xf32>
    %swap3A = arith.constant 0 : index
    %swap3A_14 = arith.constant 0 : index
    %swap3A_15 = arith.constant 0 : index
    %swap3A_16 = vector.load %arg5[%swap3A, %swap3A_14, %swap3A_15] : memref<1x10240x64xf32, #tpu.memory_space<vmem>>, vector<1x10240x64xf32>
    %swap3A_17 = vector.shape_cast %swap3A_16 : vector<1x10240x64xf32> to vector<10240x64xf32>
    %swap3A_18 = vector.shape_cast %add3A_13 : vector<10240x64xf32> to vector<1x10240x64xf32>
    tpu.vector_store %arg5[%swap3A, %swap3A_14, %swap3A_15], %swap3A_18 {strides = array<i32>} : memref<1x10240x64xf32, #tpu.memory_space<vmem>>, vector<1x10240x64xf32>,
    return
  }
  func.func @transform_0(%arg0: i32, %arg1: i32) -> (i32, i32) {
    %c0_i32 = arith.constant 0 : i32
    %c0_i32_0 = arith.constant 0 : i32
    return %arg1, %c0_i32 : i32, i32
  }
  func.func @transform_1(%arg0: i32, %arg1: i32) -> (i32, i32, i32) {
    %c0_i32 = arith.constant 0 : i32
    %c0_i32_0 = arith.constant 0 : i32
    %c0_i32_1 = arith.constant 0 : i32
    return %arg0, %c0_i32, %c0_i32_0 : i32, i32, i32
  }
  func.func @transform_2(%arg0: i32, %arg1: i32) -> (i32, i32, i32) {
    %c0_i32 = arith.constant 0 : i32
    %c0_i32_0 = arith.constant 0 : i32
    %c0_i32_1 = arith.constant 0 : i32
    return %arg0, %c0_i32, %c0_i32_0 : i32, i32, i32
  }
  func.func @transform_3(%arg0: i32, %arg1: i32) -> (i32, i32, i32) {
    %c0_i32 = arith.constant 0 : i32
    %c0_i32_0 = arith.constant 0 : i32
    return %arg0, %arg1, %c0_i32 : i32, i32, i32
  }
}

module attributes {stable_mosaic.version = 14 : i64} {
  func.func @_g_kernel(%arg0: i32, %arg1: memref<10000x128xf32, #tpu.memory_space<vmem>>, %arg2: memref<1x128x64xf32, #tpu.memory_space<vmem>>, %arg3: memref<1x10000x64xf32, #tpu.memory_space<vmem>>) attributes {dimension_semantics = [#tpu.dimension_semantics<arbitrary>], iteration_bounds = array<i64: 2>, scalar_prefetch = 0 : i64, scratch_operands = 0 : i64, tpu.core_type = #tpu.core_type<tc>, window_params = [{pipeline_mode = #tpu.pipeline_mode<synchronous>, transform_indices = @transform_0, window_bounds = array<i64: 10000, 128>}, {transform_indices = @transform_1, window_bounds = array<i64: 1, 128, 64>}, {transform_indices = @transform_2, window_bounds = array<i64: 1, 10000, 64>}]} {
    %get3A = arith.constant 0 : index
    %get3A_0 = arith.constant 0 : index
    %get3A_1 = vector.load %arg1[%get3A, %get3A_0] : memref<10000x128xf32, #tpu.memory_space<vmem>>, vector<10000x128xf32>
    %get3A_2 = arith.constant 0 : index
    %get3A_3 = arith.constant 0 : index
    %get3A_4 = arith.constant 0 : index
    %get3A_5 = vector.load %arg2[%get3A_2, %get3A_3, %get3A_4] : memref<1x128x64xf32, #tpu.memory_space<vmem>>, vector<1x128x64xf32>
    %get3A_6 = vector.shape_cast %get3A_5 : vector<1x128x64xf32> to vector<128x64xf32>
    %dot_general3A = arith.constant dense<0.000000e+00> : vector<10000x64xf32>
    %dot_general3A_7 = tpu.matmul %get3A_1, %get3A_6, %dot_general3A {dimension_numbers = #tpu.dot_dimension_numbers<[1], [0], [0], [1], [0, 0, 1, 1], [], []>, transpose_lhs_hint = false} : vector<10000x128xf32>, vector<128x64xf32>, vector<10000x64xf32> -> vector<10000x64xf32>
    %swap3A = arith.constant 0 : index
    %swap3A_8 = arith.constant 0 : index
    %swap3A_9 = arith.constant 0 : index
    %swap3A_10 = vector.load %arg3[%swap3A, %swap3A_8, %swap3A_9] : memref<1x10000x64xf32, #tpu.memory_space<vmem>>, vector<1x10000x64xf32>
    %swap3A_11 = vector.shape_cast %swap3A_10 : vector<1x10000x64xf32> to vector<10000x64xf32>
    %swap3A_12 = vector.shape_cast %dot_general3A_7 : vector<10000x64xf32> to vector<1x10000x64xf32>
    tpu.vector_store %arg3[%swap3A, %swap3A_8, %swap3A_9], %swap3A_12 {strides = array<i32>} : memref<1x10000x64xf32, #tpu.memory_space<vmem>>, vector<1x10000x64xf32>,
    return
  }
  func.func @transform_0(%arg0: i32) -> (i32, i32) {
    %c0_i32 = arith.constant 0 : i32
    %c0_i32_0 = arith.constant 0 : i32
    %c0_i32_1 = arith.constant 0 : i32
    return %c0_i32, %c0_i32_0 : i32, i32
  }
  func.func @transform_1(%arg0: i32) -> (i32, i32, i32) {
    %c0_i32 = arith.constant 0 : i32
    %c0_i32_0 = arith.constant 0 : i32
    %c0_i32_1 = arith.constant 0 : i32
    return %arg0, %c0_i32, %c0_i32_0 : i32, i32, i32
  }
  func.func @transform_2(%arg0: i32) -> (i32, i32, i32) {
    %c0_i32 = arith.constant 0 : i32
    %c0_i32_0 = arith.constant 0 : i32
    %c0_i32_1 = arith.constant 0 : i32
    return %arg0, %c0_i32, %c0_i32_0 : i32, i32, i32
  }
}

module attributes {stable_mosaic.version = 14 : i64} {
  func.func @_node_kernel(%arg0: i32, %arg1: memref<1000x128xf32, #tpu.memory_space<vmem>>, %arg2: memref<1x1000x80xf32, #tpu.memory_space<vmem>>, %arg3: memref<1x1000x80xf32, #tpu.memory_space<vmem>>, %arg4: memref<128x128xf32, #tpu.memory_space<vmem>>, %arg5: memref<1x128xf32, #tpu.memory_space<vmem>>, %arg6: memref<256x128xf32, #tpu.memory_space<vmem>>, %arg7: memref<1x128xf32, #tpu.memory_space<vmem>>, %arg8: memref<128x128xf32, #tpu.memory_space<vmem>>, %arg9: memref<1x128xf32, #tpu.memory_space<vmem>>, %arg10: memref<1000x128xf32, #tpu.memory_space<vmem>>) attributes {dimension_semantics = [#tpu.dimension_semantics<arbitrary>], iteration_bounds = array<i64: 10>, scalar_prefetch = 0 : i64, scratch_operands = 0 : i64, tpu.core_type = #tpu.core_type<tc>, window_params = [{transform_indices = @transform_0, window_bounds = array<i64: 1000, 128>}, {transform_indices = @transform_1, window_bounds = array<i64: 1, 1000, 80>}, {transform_indices = @transform_2, window_bounds = array<i64: 1, 1000, 80>}, {pipeline_mode = #tpu.pipeline_mode<synchronous>, transform_indices = @transform_3, window_bounds = array<i64: 128, 128>}, {pipeline_mode = #tpu.pipeline_mode<synchronous>, transform_indices = @transform_4, window_bounds = array<i64: 1, 128>}, {pipeline_mode = #tpu.pipeline_mode<synchronous>, transform_indices = @transform_5, window_bounds = array<i64: 256, 128>}, {pipeline_mode = #tpu.pipeline_mode<synchronous>, transform_indices = @transform_6, window_bounds = array<i64: 1, 128>}, {pipeline_mode = #tpu.pipeline_mode<synchronous>, transform_indices = @transform_7, window_bounds = array<i64: 128, 128>}, {pipeline_mode = #tpu.pipeline_mode<synchronous>, transform_indices = @transform_8, window_bounds = array<i64: 1, 128>}, {transform_indices = @transform_9, window_bounds = array<i64: 1000, 128>}]} {
    %get3A = arith.constant 0 : index
    %get3A_0 = arith.constant 0 : index
    %get3A_1 = arith.constant 0 : index
    %get3A_2 = vector.load %arg2[%get3A, %get3A_0, %get3A_1] : memref<1x1000x80xf32, #tpu.memory_space<vmem>>, vector<1x1000x80xf32>
    %get3A_3 = vector.shape_cast %get3A_2 : vector<1x1000x80xf32> to vector<1000x80xf32>
    %get3A_4 = arith.constant 0 : index
    %get3A_5 = arith.constant 0 : index
    %get3A_6 = arith.constant 0 : index
    %get3A_7 = vector.load %arg3[%get3A_4, %get3A_5, %get3A_6] : memref<1x1000x80xf32, #tpu.memory_space<vmem>>, vector<1x1000x80xf32>
    %get3A_8 = vector.shape_cast %get3A_7 : vector<1x1000x80xf32> to vector<1000x80xf32>
    %slice3A = vector.extract_strided_slice %get3A_3 {offsets = [0, 0], sizes = [1000, 64], strides = [1, 1]} : vector<1000x80xf32> to vector<1000x64xf32>
    %slice3A_9 = vector.extract_strided_slice %get3A_8 {offsets = [0, 0], sizes = [1000, 64], strides = [1, 1]} : vector<1000x80xf32> to vector<1000x64xf32>
    %concatenate3A = tpu.concatenate %slice3A, %slice3A_9 in 1 : vector<1000x64xf32>, vector<1000x64xf32> -> vector<1000x128xf32>
    %slice3A_10 = vector.extract_strided_slice %get3A_3 {offsets = [0, 64], sizes = [1000, 1], strides = [1, 1]} : vector<1000x80xf32> to vector<1000x1xf32>
    %get3A_11 = arith.constant 0 : index
    %get3A_12 = arith.constant 0 : index
    %get3A_13 = vector.load %arg4[%get3A_11, %get3A_12] : memref<128x128xf32, #tpu.memory_space<vmem>>, vector<128x128xf32>
    %dot_general3A = arith.constant dense<0.000000e+00> : vector<1000x128xf32>
    %dot_general3A_14 = tpu.matmul %concatenate3A, %get3A_13, %dot_general3A {dimension_numbers = #tpu.dot_dimension_numbers<[1], [0], [0], [1], [0, 0, 1, 1], [], []>, transpose_lhs_hint = false} : vector<1000x128xf32>, vector<128x128xf32>, vector<1000x128xf32> -> vector<1000x128xf32>
    %get3A_15 = arith.constant 0 : index
    %get3A_16 = arith.constant 0 : index
    %get3A_17 = vector.load %arg5[%get3A_15, %get3A_16] : memref<1x128xf32, #tpu.memory_space<vmem>>, vector<1x128xf32>
    %mul3A = vector.broadcast %slice3A_10 : vector<1000x1xf32> to vector<1000x128xf32>
    %mul3A_18 = vector.broadcast %get3A_17 : vector<1x128xf32> to vector<1000x128xf32>
    %mul3A_19 = arith.mulf %mul3A, %mul3A_18 : vector<1000x128xf32>
    %add3A = arith.addf %dot_general3A_14, %mul3A_19 : vector<1000x128xf32>
    %get3A_20 = arith.constant 0 : index
    %get3A_21 = arith.constant 0 : index
    %get3A_22 = vector.load %arg1[%get3A_20, %get3A_21] : memref<1000x128xf32, #tpu.memory_space<vmem>>, vector<1000x128xf32>
    %get3A_23 = arith.constant 0 : index
    %get3A_24 = arith.constant 0 : index
    %get3A_25 = vector.load %arg6[%get3A_23, %get3A_24] : memref<256x128xf32, #tpu.memory_space<vmem>>, vector<128x128xf32>
    %dot_general3A_26 = arith.constant dense<0.000000e+00> : vector<1000x128xf32>
    %dot_general3A_27 = tpu.matmul %get3A_22, %get3A_25, %dot_general3A_26 {dimension_numbers = #tpu.dot_dimension_numbers<[1], [0], [0], [1], [0, 0, 1, 1], [], []>, transpose_lhs_hint = false} : vector<1000x128xf32>, vector<128x128xf32>, vector<1000x128xf32> -> vector<1000x128xf32>
    %get3A_28 = arith.constant 128 : index
    %get3A_29 = arith.constant 0 : index
    %get3A_30 = vector.load %arg6[%get3A_28, %get3A_29] : memref<256x128xf32, #tpu.memory_space<vmem>>, vector<128x128xf32>
    %dot_general3A_31 = arith.constant dense<0.000000e+00> : vector<1000x128xf32>
    %dot_general3A_32 = tpu.matmul %add3A, %get3A_30, %dot_general3A_31 {dimension_numbers = #tpu.dot_dimension_numbers<[1], [0], [0], [1], [0, 0, 1, 1], [], []>, transpose_lhs_hint = false} : vector<1000x128xf32>, vector<128x128xf32>, vector<1000x128xf32> -> vector<1000x128xf32>
    %add3A_33 = arith.addf %dot_general3A_27, %dot_general3A_32 : vector<1000x128xf32>
    %get3A_34 = arith.constant 0 : index
    %get3A_35 = arith.constant 0 : index
    %get3A_36 = vector.load %arg7[%get3A_34, %get3A_35] : memref<1x128xf32, #tpu.memory_space<vmem>>, vector<1x128xf32>
    %add3A_37 = vector.broadcast %get3A_36 : vector<1x128xf32> to vector<1000x128xf32>
    %add3A_38 = arith.addf %add3A_33, %add3A_37 : vector<1000x128xf32>
    %max3A = arith.constant 0.000000e+00 : f32
    %max3A_39 = vector.broadcast %max3A : f32 to vector<1000x128xf32>
    %max3A_40 = arith.maximumf %add3A_38, %max3A_39 : vector<1000x128xf32>
    %get3A_41 = arith.constant 0 : index
    %get3A_42 = arith.constant 0 : index
    %get3A_43 = vector.load %arg8[%get3A_41, %get3A_42] : memref<128x128xf32, #tpu.memory_space<vmem>>, vector<128x128xf32>
    %dot_general3A_44 = arith.constant dense<0.000000e+00> : vector<1000x128xf32>
    %dot_general3A_45 = tpu.matmul %max3A_40, %get3A_43, %dot_general3A_44 {dimension_numbers = #tpu.dot_dimension_numbers<[1], [0], [0], [1], [0, 0, 1, 1], [], []>, transpose_lhs_hint = false} : vector<1000x128xf32>, vector<128x128xf32>, vector<1000x128xf32> -> vector<1000x128xf32>
    %get3A_46 = arith.constant 0 : index
    %get3A_47 = arith.constant 0 : index
    %get3A_48 = vector.load %arg9[%get3A_46, %get3A_47] : memref<1x128xf32, #tpu.memory_space<vmem>>, vector<1x128xf32>
    %add3A_49 = vector.broadcast %get3A_48 : vector<1x128xf32> to vector<1000x128xf32>
    %add3A_50 = arith.addf %dot_general3A_45, %add3A_49 : vector<1000x128xf32>
    %swap3A = arith.constant 0 : index
    %swap3A_51 = arith.constant 0 : index
    %swap3A_52 = vector.load %arg10[%swap3A, %swap3A_51] : memref<1000x128xf32, #tpu.memory_space<vmem>>, vector<1000x128xf32>
    tpu.vector_store %arg10[%swap3A, %swap3A_51], %add3A_50 {strides = array<i32>} : memref<1000x128xf32, #tpu.memory_space<vmem>>, vector<1000x128xf32>,
    return
  }
  func.func @transform_0(%arg0: i32) -> (i32, i32) {
    %c0_i32 = arith.constant 0 : i32
    %c0_i32_0 = arith.constant 0 : i32
    return %arg0, %c0_i32 : i32, i32
  }
  func.func @transform_1(%arg0: i32) -> (i32, i32, i32) {
    %c0_i32 = arith.constant 0 : i32
    %c0_i32_0 = arith.constant 0 : i32
    %c0_i32_1 = arith.constant 0 : i32
    return %c0_i32, %arg0, %c0_i32_0 : i32, i32, i32
  }
  func.func @transform_2(%arg0: i32) -> (i32, i32, i32) {
    %c1_i32 = arith.constant 1 : i32
    %c0_i32 = arith.constant 0 : i32
    %c0_i32_0 = arith.constant 0 : i32
    return %c1_i32, %arg0, %c0_i32 : i32, i32, i32
  }
  func.func @transform_3(%arg0: i32) -> (i32, i32) {
    %c0_i32 = arith.constant 0 : i32
    %c0_i32_0 = arith.constant 0 : i32
    %c0_i32_1 = arith.constant 0 : i32
    return %c0_i32, %c0_i32_0 : i32, i32
  }
  func.func @transform_4(%arg0: i32) -> (i32, i32) {
    %c0_i32 = arith.constant 0 : i32
    %c0_i32_0 = arith.constant 0 : i32
    %c0_i32_1 = arith.constant 0 : i32
    return %c0_i32, %c0_i32_0 : i32, i32
  }
  func.func @transform_5(%arg0: i32) -> (i32, i32) {
    %c0_i32 = arith.constant 0 : i32
    %c0_i32_0 = arith.constant 0 : i32
    %c0_i32_1 = arith.constant 0 : i32
    return %c0_i32, %c0_i32_0 : i32, i32
  }
  func.func @transform_6(%arg0: i32) -> (i32, i32) {
    %c0_i32 = arith.constant 0 : i32
    %c0_i32_0 = arith.constant 0 : i32
    %c0_i32_1 = arith.constant 0 : i32
    return %c0_i32, %c0_i32_0 : i32, i32
  }
  func.func @transform_7(%arg0: i32) -> (i32, i32) {
    %c0_i32 = arith.constant 0 : i32
    %c0_i32_0 = arith.constant 0 : i32
    %c0_i32_1 = arith.constant 0 : i32
    return %c0_i32, %c0_i32_0 : i32, i32
  }
  func.func @transform_8(%arg0: i32) -> (i32, i32) {
    %c0_i32 = arith.constant 0 : i32
    %c0_i32_0 = arith.constant 0 : i32
    %c0_i32_1 = arith.constant 0 : i32
    return %c0_i32, %c0_i32_0 : i32, i32
  }
  func.func @transform_9(%arg0: i32) -> (i32, i32) {
    %c0_i32 = arith.constant 0 : i32
    %c0_i32_0 = arith.constant 0 : i32
    return %arg0, %c0_i32 : i32, i32
  }
}

</mosaic_0001>

<sc_bundles>
// kernel: kernel.6.cloned.1.call-start
scs
__scs_entry_jumppad:
0x0: {  	(pc) =	sbr.rel $0x88, $3  }
0x1: {  	(tag) =	ssettag $0x0;
	lr =	simm.s32 $0x1  }
0x2: {  	[smem:$0x3F96] =	sst lr;
	_ =	strace $0xD0000000  }
0x3: {  	_ = 	snop  }
0x4: {  	_ = 	snop  }
0x5: {  	_ = 	snop  }
0x6: {  	_ = 	snop  }
0x7: {  	_ = 	snop  }
__scs_overlays_trampoline_lowered:
0x8: {  	[smem:$0x3FA5] =	sst s0  }
0x9: {  	[smem:$0x3FA6] =	sst s1  }
0xa: {  	[smem:$0x3FA7] =	sst s2  }
0xb: {  	[smem:$0x3FA8] =	sst s3  }
0xc: {  	[smem:$0x3FA9] =	sst s4  }
0xd: {  	[smem:$0x3FAA] =	sst s5  }
0xe: {  	[smem:$0x3FAB] =	sst s6  }
0xf: {  	[smem:$0x3FAC] =	sst s7  }
0x10: {  	[smem:$0x3FAD] =	sst s8  }
0x11: {  	[smem:$0x3FAE] =	sst s9;
	s0 =	simm.s32 @!p0 $0x0  }
0x12: {  	s1 =	sld [smem:$0x3F94];
	s0 =	simm.s32 @p0 $0x1  }
0x13: {  	[smem:$0x3FAF] =	sst s0;
	s0 =	simm.s32 @!p1 $0x0  }
0x14: {  	s2 =	sld [smem:$0x3F93];
	s0 =	simm.s32 @p1 $0x1  }
0x15: {  	[smem:$0x3FB0] =	sst s0;
	s0 =	simm.s32 @!p2 $0x0  }
0x16: {  	s3 =	sld [smem:$0x3FDB];
	s0 =	simm.s32 @p2 $0x1  }
0x17: {  	s4 =	simm.s32 $0x1BF5;
	[smem:$0x3FB2] =	sst s0  }
0x18: {  	s0 =	sld [smem:$0x3F95];
	_ =	swait.ge [sflag:s4], $0x0  }
0x19: {  	s7 =	sld [smem:$0x3F96]  }
0x1a: {  	s8 =	sadd.s32 $0xFFFFE003, lr  }
0x1b: {  	s9 =	sadd.s32 $0xFFFFFEF7, lr;
	s5 =	simm.s32 $0xFFFFFFFF;
	p2 =	slt.u32 s8, $0xFFFFF086  }
0x1c: {  	p1 =	slt.u32 s9, $0xF7A;
	s5 =	simm.s32 @!p2 $0x0  }
0x1d: {  	s5 =	simm.s32 @p1 $0x1;
	p0 =	seq.s32 s7, s2  }
0x1e: {  	s7 =	smul.u32 @!p0 $0xF7A, s2;
	p2 =	seq.s32 @!p0 s5, $0x0  }
0x1f: {  	s9 =	smul.u32 $0xF7A, s1;
	s8 =	simm.s32 @!p0 $0x1BF5;
	p2 =	por !p2, p0  }
0x20: {  	[sflag:s8] =	ssyncset.s32 @!p0 $0xFFFFF086;
	s6 =	sadd.s32 @!p0 s3, s7;
	s7 =	simm.s32 @!p0 $0x108  }
0x21: {  	s3 =	sadd.s32 s3, s9;
	s6 =	sadd.s32 @!p0 $0x88, s6;
	s7 =	simm.s32 @p2 $0x1082  }
0x22: {  	[simem:s7], [sflag:s8] =	dma.local @!p0 [hbm:s6], $0xF7A  }
0x23: {  	s9 =	sor.u32 $0xD0000000, s2;
	s6 =	simm.s32 $0x108;
	_ =	swait.ge @!p0 [sflag:s8], $0x0  }
0x24: {  	s3 =	sadd.s32 $0x88, s3;
	s6 =	simm.s32 @!p1 $0x1082;
	[sflag:s4] =	ssyncset.s32 $0xFFFFF086  }
0x25: {  	[simem:s6], [sflag:s4] =	dma.local [hbm:s3], $0xF7A  }
0x26: {  	[smem:$0x3F96] =	sst s1;
	(tag) =	ssettag s2;
	_ =	strace s9  }
0x27: {  	s1 =	sld [smem:$0x3FA6]  }
0x28: {  	s2 =	sld [smem:$0x3FA7]  }
0x29: {  	s4 =	sld [smem:$0x3FA9]  }
0x2a: {  	p0 =	seq.s32 s5, $0x0;
	s5 =	sld [smem:$0x3FAA]  }
0x2b: {  	s6 =	sld [smem:$0x3FAB]  }
0x2c: {  	s7 =	sld [smem:$0x3FAC]  }
0x2d: {  	s3 =	simm.s32 $0x108;
	s8 =	sld [smem:$0x3FAD]  }
0x2e: {  	s3 =	simm.s32 @!p0 $0x1082;
	s9 =	sld [smem:$0x3FAE]  }
0x2f: {  	lr =	sadd.s32 s0, s3;
	s0 =	sld [smem:$0x3FA5]  }
0x30: {  	s3 =	sld [smem:$0x3FA8]  }
0x31: {  	[smem:$0x3FB1] =	sst s10  }
0x32: {  	s10 =	sld [smem:$0x3FAF];
	_ =	sdelay $0x3  }
0x33: {  	p0 =	seq.s32 s10, $0x1;
	s10 =	sld [smem:$0x3FB1];
	_ =	sdelay $0x3  }
0x34: {  	[smem:$0x3FB1] =	sst s10  }
0x35: {  	s10 =	sld [smem:$0x3FB0];
	_ =	sdelay $0x3  }
0x36: {  	p1 =	seq.s32 s10, $0x1;
	s10 =	sld [smem:$0x3FB1];
	_ =	sdelay $0x3  }
0x37: {  	[smem:$0x3FB1] =	sst s10  }
0x38: {  	s10 =	sld [smem:$0x3FB2]  }
0x39: {  	_ = 	snop;
	(pc) =	sbr.ind lr, $3  }
0x3a: {  	_ = 	snop  }
0x3b: {  	_ = 	snop  }
0x3c: {  	p2 =	seq.s32 s10, $0x1;
	s10 =	sld [smem:$0x3FB1]  }
0x3d: {  	_ =	shalt  }
0x3e: {  	_ =	shalt  }
0x3f: {  	_ =	shalt  }
0x40: {  	_ =	shalt  }
0x41: {  	_ =	shalt  }
0x42: {  	_ =	shalt  }
0x43: {  	_ =	shalt  }
0x44: {  	_ =	shalt  }
0x45: {  	_ =	shalt  }
0x46: {  	_ =	shalt  }
0x47: {  	_ =	shalt  }
0x48: {  	_ =	shalt  }
0x49: {  	_ =	shalt  }
0x4a: {  	_ =	shalt  }
0x4b: {  	_ =	shalt  }
0x4c: {  	_ =	shalt  }
0x4d: {  	_ =	shalt  }
0x4e: {  	_ =	shalt  }
0x4f: {  	_ =	shalt  }
0x50: {  	_ =	shalt  }
0x51: {  	_ =	shalt  }
0x52: {  	_ =	shalt  }
0x53: {  	_ =	shalt  }
0x54: {  	_ =	shalt  }
0x55: {  	_ =	shalt  }
0x56: {  	_ =	shalt  }
0x57: {  	_ =	shalt  }
0x58: {  	_ =	shalt  }
0x59: {  	_ =	shalt  }
0x5a: {  	_ =	shalt  }
0x5b: {  	_ =	shalt  }
0x5c: {  	_ =	shalt  }
0x5d: {  	_ =	shalt  }
0x5e: {  	_ =	shalt  }
0x5f: {  	_ =	shalt  }
0x60: {  	_ =	shalt  }
0x61: {  	_ =	shalt  }
0x62: {  	_ =	shalt  }
0x63: {  	_ =	shalt  }
0x64: {  	_ =	shalt  }
0x65: {  	_ =	shalt  }
0x66: {  	_ =	shalt  }
0x67: {  	_ =	shalt  }
0x68: {  	_ =	shalt  }
0x69: {  	_ =	shalt  }
0x6a: {  	_ =	shalt  }
0x6b: {  	_ =	shalt  }
0x6c: {  	_ =	shalt  }
0x6d: {  	_ =	shalt  }
0x6e: {  	_ =	shalt  }
0x6f: {  	_ =	shalt  }
0x70: {  	_ =	shalt  }
0x71: {  	_ =	shalt  }
0x72: {  	_ =	shalt  }
0x73: {  	_ =	shalt  }
0x74: {  	_ =	shalt  }
0x75: {  	_ =	shalt  }
0x76: {  	_ =	shalt  }
0x77: {  	_ =	shalt  }
0x78: {  	_ =	shalt  }
0x79: {  	_ =	shalt  }
0x7a: {  	_ =	shalt  }
0x7b: {  	_ =	shalt  }
0x7c: {  	_ =	shalt  }
0x7d: {  	_ =	shalt  }
0x7e: {  	_ =	shalt  }
0x7f: {  	_ =	shalt  }
0x80: {  	_ =	shalt  }
0x81: {  	_ =	shalt  }
0x82: {  	_ =	shalt  }
0x83: {  	_ =	shalt  }
0x84: {  	_ =	shalt  }
0x85: {  	_ =	shalt  }
0x86: {  	_ =	shalt  }
0x87: {  	_ =	shalt  }
.Lfunc_end0:
.L_simem_size_0:
called_computation_lowered:
.L_overlay_start_0:
0x88: {  	s2 =	sld [smem:$0x3FD9]  }
0x89: {  	s3 =	sld [smem:$0x3FFE];
	_ =	sdelay $0x1  }
0x8a: {  	s1 =	srdreg.scid  }
0x8b: {  	s0 =	sand.u32 $0x1, s1  }
0x8c: {  	s17 =	sshll.u32 s0, $0xA;
	s2 =	sadd.s32 s3, s2  }
0x8d: {  	s2 =	sadd.s32 s2, s17  }
0x8e: {  	[smem:$0x3FBD] =	sst s2  }
0x8f: {  	_ = 	snop  }
0x90: {  	s2 =	sld [smem:$0x3FD0];
	(tm) =	ssettm $0x1  }
0x91: {  	s18 =	sld [smem:$0x3FFB];
	_ =	sdelay $0x3  }
0x92: {  	_ =	strace s18  }
0x93: {  	s3 =	sld [smem:$0x3FFC];
	_ =	sdelay $0x3  }
0x94: {  	_ =	strace s3  }
0x95: {  	s3 =	sld [smem:$0x3FFD];
	_ =	sdelay $0x3  }
0x96: {  	_ =	strace s3  }
0x97: {  	_ =	strace $0x8FFFFFFF  }
0x98: {  	s19 =	sld [smem:$0x3FDB];
	_ =	sdelay $0x1  }
0x99: {  	s4 =	simm.s32 $_scs_section_size  }
0x9a: {  	s5 =	simm.s32 $_size__tile_overlayer_lowered;
	s6 =	simm.s32 $_tile_overlayer_lowered  }
0x9b: {  	s22 =	simm.s32 $0x1BFF;
	s21 =	sshll.u32 s6, $0x1;
	s3 =	sadd.s32 s4, s19  }
0x9c: {  	s7 =	simm.s32 $0x0;
	s20 =	sshll.u32 s5, $0x1;
	s5 =	sadd.s32 s21, s3  }
0x9d: {  	[timem:s7], [sflag:s22] =	dma.local [hbm:s5], s20  }
0x9e: {  	_ =	swait.ge [sflag:s22], s20  }
0x9f: {  	s4 =	ssub.s32 $0x0, s20;
	[sflag:s22] =	ssyncset.done $0x0  }
0xa0: {  	[sflag:s22] =	ssyncadd.s32 s4;
	_ =	sdelay $0x1  }
0xa1: {  	s23 =	simm.s32 $0x1B8B  }
0xa2: {  	_ =	swait.ge [sflag:s23], $0x1  }
0xa3: {  	[sflag:s23] =	ssyncset.done $0x0  }
0xa4: {  	s25 =	simm.s32 $0x1B8E;
	s24 =	sld [smem:$0x3FFE];
	[sflag:s23] =	ssyncadd.s32 $0xFFFFFFFF  }
0xa5: {  	s26 =	simm.s32 $execute0_lowered;
	[smem:$0x3FD2] =	sst s25  }
0xa6: {  	s5 =	sshll.u32 s26, $0x1;
	_ =	strace $0x80000046;
	[dreg:$0x1] =	wrdreg $0xFFFFFFFF  }
0xa7: {  	s28 =	simm.s32 $_size_execute0_lowered;
	s3 =	sadd.s32 s3, s5;
	[dreg:$0x0] =	wrdreg $0x0  }
0xa8: {  	s5 =	sshll.u32 s28, $0x1;
	[dreg:$0x2] =	wrdreg s3  }
0xa9: {  	[dreg:$0x3] =	wrdreg s5  }
0xaa: {  	[dreg:$0x4] =	wrdreg $0xC0  }
0xab: {  	_ =	task [dreg:s7], $0x5FFFF  }
0xac: {  	[dreg:$0x1] =	wrdreg $0xFFFFFFFF  }
0xad: {  	[dreg:$0x0] =	wrdreg $0x60  }
0xae: {  	[dreg:$0x2] =	wrdreg s2  }
0xaf: {  	[dreg:$0x3] =	wrdreg s24  }
0xb0: {  	[dreg:$0x4] =	wrdreg $0x108000  }
0xb1: {  	[dreg:$0x5] =	wrdreg $0x9  }
0xb2: {  	_ =	task.clear_ibuf [dreg:s7], $0x6FFFF;
	_ =	strace $0x90000046  }
0xb3: {  	s29 =	simm.s32 $0x9;
	_ =	strace $0x80000048  }
0xb4: {  	_ =	swait.ge [sflag:s29], $0x1  }
0xb5: {  	[sflag:s29] =	ssyncadd.s32 $0xFFFFFFFF  }
0xb6: {  	_ =	strace $0x90000048  }
0xb7: {  	_ =	sfence  }
0xb8: {  	s30 =	sld [smem:$0x0];
	_ =	sdelay $0x2  }
0xb9: {  	s31 =	sshll.u32 s1, $0xD;
	s1 =	sshrl.u32 s1, $0x2  }
0xba: {  	s3 =	sand.u32 $0x4000, s31;
	s1 =	sadd.s32 s1, s30  }
0xbb: {  	s0 =	sor.u32 s3, s0;
	s1 =	sshll.u32 s1, $0x11  }
0xbc: {  	s0 =	sor.u32 s1, s0  }
0xbd: {  	s0 =	sadd.s32 $0x8F2B, s0  }
0xbe: {  	[sflag:s0] =	ssyncadd.remote.s32 $0x1  }
0xbf: {  	_ =	sfence.sel $0xFFFF  }
0xc0: {  	[dreg:$0x0] =	wrdreg $0xFFFFFFFF;
	(pc) =	sbr.abs _section_cstart, $3  }
0xc1: {  	[dreg:$0x1] =	wrdreg $0xFFFFFFFF  }
0xc2: {  	_ =	task.clear_ibuf [dreg:s7], $0x2FFFF;
	_ =	strace $0x9FFFFFFF  }
0xc3: {  	(tm) =	ssettm $0x7FFFFFFF  }
tec
execute0_lowered:
.L_overlay_start_1:
0x0: {  	(tag) =	ssettag $0x1  }
0x1: {  	s2 =	rddreg [dreg:$0x0];
	s0 =	srdreg.scid  }
0x2: {  	s3 =	rddreg [dreg:$0x1];
	s20 =	stileid.u32  }
0x3: {  	s1 =	simm.s32 $0x0;
	s28 =	simm.s32 $0x6;
	s29 =	simm.s32 $0x0  }
0x4: {  	s4 =	sand.u32 $0x1, s0;
	s5 =	smul.u32 $0xC580, s20;
	[smem:$0x7FF] =	sst s1  }
0x5: {  	s6 =	sadd.s32 $0x516000, s3;
	s0 =	ssub.s32 $0x2, s4;
	s11 =	smul.u32 $0xC5800, s4  }
0x6: {  	s12 =	smul.u32 $0x13880, s4;
	s7 =	sshrl.u32 s0, $0x1;
	s8 =	sadd.s32 $0x2800, s5  }
0x7: {  	s9 =	sadd.s32 $0x3C00, s5;
	s10 =	sadd.s32 $0x5000, s5;
	s13 =	sadd.s32 $0x6400, s5  }
0x8: {  	s14 =	sadd.s32 $0x7800, s5;
	s16 =	sadd.s32 $0x8C00, s5;
	s18 =	sadd.s32 $0xA000, s5  }
0x9: {  	s0 =	ssub.s32 s0, s7;
	s7 =	sadd.s32 $0x1400, s5;
	s15 =	sadd.s32 s5, s11  }
0xa: {  	s2 =	sadd.s32 s2, s12;
	s19 =	sadd.s32 s11, s8;
	s22 =	sadd.s32 s11, s9  }
0xb: {  	s24 =	sadd.s32 s11, s10;
	s25 =	sshrl.u32 s15, $0x3;
	s26 =	sadd.s32 s11, s7  }
0xc: {  	s21 =	sshrl.u32 s19, $0x3;
	s23 =	sshrl.u32 s22, $0x3;
	s0 =	smax.u32 s0, $0x1  }
0xd: {  	s12 =	sadd.s32 s6, s25;
	s17 =	sshrl.u32 s26, $0x3;
	s25 =	sshrl.u32 s24, $0x3  }
0xe: {  	s26 =	sadd.s32 s11, s13;
	[dreg:$0x4] =	wrdreg s12;
	s12 =	sadd.s32 s6, s17  }
0xf: {  	s15 =	sshrl.u32 s26, $0x3;
	s17 =	sadd.s32 s11, s14;
	[dreg:$0x5] =	wrdreg s12  }
0x10: {  	s12 =	sadd.s32 s6, s21;
	s19 =	sshrl.u32 s17, $0x3;
	s21 =	sadd.s32 s11, s16  }
0x11: {  	s17 =	smul.u32 $0xA00, s20;
	[dreg:$0x6] =	wrdreg s12;
	s12 =	sadd.s32 s6, s23  }
0x12: {  	s22 =	sshrl.u32 s21, $0x3;
	s23 =	sadd.s32 s11, s18;
	[dreg:$0x7] =	wrdreg s12  }
0x13: {  	s12 =	sadd.s32 s6, s25;
	s24 =	sadd.s32 s17, s3;
	s17 =	smul.u32 $0x1400000, s4  }
0x14: {  	s4 =	simm.s32 $0x40;
	[dreg:$0x8] =	wrdreg s12;
	s12 =	sadd.s32 s6, s15  }
0x15: {  	s15 =	sshrl.u32 s23, $0x3;
	[dreg:$0x9] =	wrdreg s12;
	s12 =	sadd.s32 s6, s19  }
0x16: {  	s19 =	sadd.s32 $0xB400, s5;
	s15 =	sadd.s32 s6, s15;
	[dreg:$0xa] =	wrdreg s12  }
0x17: {  	s12 =	sadd.s32 s6, s22;
	s11 =	sadd.s32 s11, s19;
	[dreg:$0xc] =	wrdreg s15  }
0x18: {  	s23 =	sadd.s32 $0x50C000, s24;
	[dreg:$0xb] =	wrdreg s12;
	s11 =	sshrl.u32 s11, $0x3  }
0x19: {  	s24 =	sadd.s32 $0x502000, s24;
	s12 =	rddreg [dreg:$0x2];
	s6 =	sadd.s32 s6, s11  }
0x1a: {  	s15 =	sadd.s32 $0x2000, s3;
	s9 =	sadd.s32 s9, s12;
	[dreg:$0xd] =	wrdreg s6  }
0x1b: {  	s11 =	sadd.s32 s10, s12;
	_ =	strace $0x80000047;
	[dreg:$0xe] =	wrdreg s9  }
0x1c: {  	s21 =	sadd.s32 s5, s12;
	s13 =	sadd.s32 s13, s12;
	[dreg:$0xf] =	wrdreg s11  }
0x1d: {  	s30 =	sadd.s32 s7, s12;
	s14 =	sadd.s32 s14, s12;
	[dreg:$0x10] =	wrdreg s13  }
0x1e: {  	s31 =	sadd.s32 s8, s12;
	s22 =	sadd.s32 s16, s12;
	[dreg:$0x11] =	wrdreg s14  }
0x1f: {  	s8 =	smul.u32 $0x140000, s20;
	s25 =	sadd.s32 s18, s12;
	[dreg:$0x12] =	wrdreg s22  }
0x20: {  	s26 =	sadd.s32 s19, s12;
	s5 =	simm.s32 $0x1;
	[dreg:$0x13] =	wrdreg s23  }
0x21: {  	s7 =	simm.s32 $0xB000;
	s10 =	simm.s32 $0x4;
	[dreg:$0x14] =	wrdreg s24  }
0x22: {  	s6 =	simm.s32 $0x3;
	s3 =	sadd.s32 s8, s17;
	[dreg:$0x16] =	wrdreg s0  }
0x23: {  	s11 =	smul.u32 $0x140, s20;
	s0 =	simm.s32 $0xE000;
	s3 =	sshrl.u32 s3, $0x3  }
0x24: {  	v0 =	vimm.f32 $0.0e+00;
	vm0 =	vcmask $0x300;
	s8 =	simm.s32 $0xD000;
	s9 =	simm.s32 $0x2;
	s3 =	sadd.s32 s15, s3  }
0x25: {  	v1 =	vsel vm0, $0x3F800000, v0;
	s13 =	simm.s32 $0xF400;
	[dreg:$0x15] =	wrdreg s3;
	s3 =	simm.s32 $0x7  }
.LBB2_1:
0x26: {  	s14 =	simm.s32 $0x20;
	s16 =	simm.s32 $0x1C0  }
.LBB2_2:
0x27: {  	p0 =	sne.s32 s16, $0x4F40;
	[tilespmem:s14+$0xF420] =	vst v0  }
0x28: {  	[tilespmem:s14+$0xDFE0] =	vst v0  }
0x29: {  	[tilespmem:s14+$0xDFF0] =	vst v0  }
0x2a: {  	[tilespmem:s14+$0xE000] =	vst v0  }
0x2b: {  	[tilespmem:s14+$0xE010] =	vst v0  }
.Ltmp0:
0x2c: {  	[tilespmem:s14+$0xE020] =	vst v0;
	(pc) =	sbr.rel @p0 .LBB2_2-.Ltmp0, $4  }
0x2d: {  	[tilespmem:s14+$0xF3E0] =	vst v0  }
0x2e: {  	[tilespmem:s14+$0xF3F0] =	vst v0  }
0x2f: {  	[tilespmem:s14+$0xF400] =	vst v0  }
0x30: {  	[tilespmem:s14+$0xF410] =	vst v0;
	s14 =	sshra.s32 s16, $0x2;
	s16 =	sadd.s32 $0x140, s16  }
0x31: {  	[tilespmem:s14+$0xF420] =	vst v0  }
0x32: {  	[tilespmem:s14+$0xDFE0] =	vst v0  }
0x33: {  	[tilespmem:s14+$0xDFF0] =	vst v0  }
0x34: {  	[tilespmem:s14+$0xE000] =	vst v0  }
0x35: {  	[tilespmem:s14+$0xE010] =	vst v0  }
0x36: {  	[tilespmem:s14+$0xE020] =	vst v0  }
0x37: {  	[tilespmem:s14+$0xF3E0] =	vst v0  }
0x38: {  	[tilespmem:s14+$0xF3F0] =	vst v0  }
0x39: {  	[tilespmem:s14+$0xF400] =	vst v0  }
0x3a: {  	[tilespmem:s14+$0xF410] =	vst v0  }
0x3b: {  	[spmem:s21] =	stream.linear.scatter [tilespmem:s0], [sflag:$0x7], $0x1400, $0x38;
	[tilespmem:$0x1CD80] =	vst v63  }
0x3c: {  	_ =	swait.ge [sflag:s3], $0x1400  }
0x3d: {  	[sflag:s3] =	ssyncset.done $0x0  }
0x3e: {  	[sflag:s3] =	ssyncadd.s32 $0xFFFFEC00  }
0x3f: {  	[spmem:s30] =	stream.linear.scatter [tilespmem:s0], [sflag:$0x7], $0x1400, $0x38;
	[tilespmem:$0x1CD80] =	vst v63  }
0x40: {  	_ =	swait.ge [sflag:s3], $0x1400  }
0x41: {  	[sflag:s3] =	ssyncset.done $0x0  }
0x42: {  	[sflag:s3] =	ssyncadd.s32 $0xFFFFEC00  }
0x43: {  	[spmem:s31] =	stream.linear.scatter [tilespmem:s0], [sflag:$0x7], $0x1400, $0x38;
	[tilespmem:$0x1CD80] =	vst v63  }
0x44: {  	_ =	swait.ge [sflag:s3], $0x1400  }
0x45: {  	[sflag:s3] =	ssyncset.done $0x0  }
0x46: {  	s19 =	rddreg [dreg:$0xe];
	[sflag:s3] =	ssyncadd.s32 $0xFFFFEC00  }
0x47: {  	[spmem:s19] =	stream.linear.scatter [tilespmem:s0], [sflag:$0x7], $0x1400, $0x38;
	[tilespmem:$0x1CD80] =	vst v63  }
0x48: {  	_ =	swait.ge [sflag:s3], $0x1400  }
0x49: {  	[sflag:s3] =	ssyncset.done $0x0  }
0x4a: {  	s20 =	rddreg [dreg:$0xf];
	[sflag:s3] =	ssyncadd.s32 $0xFFFFEC00  }
0x4b: {  	[spmem:s20] =	stream.linear.scatter [tilespmem:s0], [sflag:$0x7], $0x1400, $0x38;
	[tilespmem:$0x1CD80] =	vst v63  }
0x4c: {  	_ =	swait.ge [sflag:s3], $0x1400  }
0x4d: {  	[sflag:s3] =	ssyncset.done $0x0  }
0x4e: {  	s22 =	smov.u32 s21;
	s21 =	rddreg [dreg:$0x10];
	[sflag:s3] =	ssyncadd.s32 $0xFFFFEC00  }
0x4f: {  	[spmem:s21] =	stream.linear.scatter [tilespmem:s0], [sflag:$0x7], $0x1400, $0x38;
	[tilespmem:$0x1CD80] =	vst v63  }
0x50: {  	_ =	swait.ge [sflag:s3], $0x1400  }
0x51: {  	[sflag:s3] =	ssyncset.done $0x0  }
0x52: {  	s23 =	smov.u32 s30;
	s30 =	rddreg [dreg:$0x11];
	[sflag:s3] =	ssyncadd.s32 $0xFFFFEC00  }
0x53: {  	[spmem:s30] =	stream.linear.scatter [tilespmem:s0], [sflag:$0x7], $0x1400, $0x38;
	[tilespmem:$0x1CD80] =	vst v63  }
0x54: {  	_ =	swait.ge [sflag:s3], $0x1400  }
0x55: {  	[sflag:s3] =	ssyncset.done $0x0  }
0x56: {  	s24 =	smov.u32 s31;
	s31 =	rddreg [dreg:$0x12];
	[sflag:s3] =	ssyncadd.s32 $0xFFFFEC00  }
0x57: {  	[spmem:s31] =	stream.linear.scatter [tilespmem:s0], [sflag:$0x7], $0x1400, $0x38;
	[tilespmem:$0x1CD80] =	vst v63  }
0x58: {  	_ =	swait.ge [sflag:s3], $0x1400  }
0x59: {  	[sflag:s3] =	ssyncset.done $0x0  }
0x5a: {  	[sflag:s3] =	ssyncadd.s32 $0xFFFFEC00  }
0x5b: {  	[spmem:s25] =	stream.linear.scatter [tilespmem:s0], [sflag:$0x7], $0x1400, $0x38;
	[tilespmem:$0x1CD80] =	vst v63  }
0x5c: {  	_ =	swait.ge [sflag:s3], $0x1400  }
0x5d: {  	[sflag:s3] =	ssyncset.done $0x0  }
0x5e: {  	[sflag:s3] =	ssyncadd.s32 $0xFFFFEC00  }
0x5f: {  	[spmem:s26] =	stream.linear.scatter [tilespmem:s0], [sflag:$0x7], $0x1180, $0x38;
	[tilespmem:$0x1CD80] =	vst v63  }
0x60: {  	_ =	swait.ge [sflag:s3], $0x1180  }
0x61: {  	[sflag:s3] =	ssyncset.done $0x0  }
0x62: {  	s14 =	simm.s32 $0x140;
	s16 =	simm.s32 $0x0;
	[sflag:s3] =	ssyncadd.s32 $0xFFFFEE80  }
.LBB2_4:
0x63: {  	p0 =	sne.s32 s14, $0x4EC0;
	[tilespmem:s16+$0xE040] =	vst v1;
	s18 =	smov.u32 s14;
	s14 =	sadd.s32 $0x140, s14  }
.Ltmp1:
0x64: {  	[tilespmem:s16+$0xF440] =	vst v1;
	(pc) =	sbr.rel @p0 .LBB2_4-.Ltmp1, $2  }
0x65: {  	_ =	sdelay $0x2  }
0x66: {  	s16 =	sshra.s32 s18, $0x2  }
0x67: {  	[tilespmem:s16+$0xE040] =	vst v1  }
0x68: {  	[tilespmem:s16+$0xF440] =	vst v1  }
0x69: {  	[bflag:$0x0] =	sbarrier.arrive $0xFFFF  }
0x6a: {  	s30 =	simm.s32 $0x0;
	s14 =	rddreg [dreg:$0x13]  }
0x6b: {  	[tilespmem:s30], [sflag:$0x7] =	stream.linear.gather [hbm4b:s14+s30], $0x5000, $0x38;
	[tilespmem:$0x1CD80] =	vst v63  }
0x6c: {  	_ =	swait.ge [sflag:s3], $0x5000  }
0x6d: {  	[sflag:s3] =	ssyncset.done $0x0  }
0x6e: {  	s19 =	simm.s32 $0x5000;
	s18 =	rddreg [dreg:$0x14];
	[sflag:s3] =	ssyncadd.s32 $0xFFFFB000  }
0x6f: {  	[tilespmem:s19], [sflag:$0x7] =	stream.linear.gather [hbm4b:s18+s30], $0x5000, $0x38;
	[tilespmem:$0x1CD80] =	vst v63  }
0x70: {  	_ =	swait.ge [sflag:s3], $0x5000  }
0x71: {  	[sflag:s3] =	ssyncset.done $0x0  }
0x72: {  	s20 =	simm.s32 $0xA000;
	[sflag:s3] =	ssyncadd.s32 $0xFFFFB000  }
0x73: {  	[tilespmem:s20], [sflag:$0x1] =	stream.indirect.gather [hbm4b:s2+s4], $0x40, s30, s4, $0xb8;
	[tilespmem:$0x1CD80] =	vst v63  }
0x74: {  	s31 =	simm.s32 $0xC000;
	s21 =	rddreg [dreg:$0x15]  }
0x75: {  	[tilespmem:s31], [sflag:$0x3] =	stream.linear.gather [hbm4b:s21+s30], $0x1000, $0x38;
	[tilespmem:$0x1CD80] =	vst v63  }
.LBB2_6:
0x76: {  	_ =	swait.ge [sflag:s5], $0x1000  }
0x77: {  	s14 =	sshllo.u32 s30, $0x1;
	[sflag:s5] =	ssyncset.done $0x0  }
0x78: {  	s16 =	sshll.u32 s14, $0x8;
	s14 =	sadd.s32 s11, s14;
	[sflag:s5] =	ssyncadd.s32 $0xFFFFF000  }
0x79: {  	s14 =	sshll.u32 s14, $0xC;
	_ =	swait.ge [sflag:s6], $0x1000  }
0x7a: {  	s14 =	sadd.s32 s17, s14;
	[sflag:s6] =	ssyncset.done $0x0  }
0x7b: {  	s31 =	sshrl.u32 s16, $0x2;
	s14 =	sshrl.u32 s14, $0x3;
	[sflag:s6] =	ssyncadd.s32 $0xFFFFF000  }
0x7c: {  	[tilespmem:s7], [sflag:$0x2] =	stream.indirect.gather [hbm4b:s2+s4], $0x40, s31, s4, $0xb8;
	[tilespmem:$0x1CD80] =	vst v63  }
0x7d: {  	p0 =	seq.s32 s30, $0x0;
	s14 =	sadd.s32 s15, s14  }
0x7e: {  	[tilespmem:s8], [sflag:$0x4] =	stream.linear.gather [hbm4b:s14+s1], $0x1000, $0x38;
	[tilespmem:$0x1CD80] =	vst v63  }
0x7f: {  	s14 =	simm.s32 @!p0 $0x5  }
0x80: {  	_ =	swait.ge @!p0 [sflag:s14], $0x1400  }
0x81: {  	[sflag:s14] =	ssyncset.done @!p0 $0x0  }
0x82: {  	[sflag:s14] =	ssyncadd.s32 @!p0 $0xFFFFEC00;
	s14 =	simm.s32 $0xA040  }
0x83: {  	s18 =	simm.s32 $0xC040;
	v2 =	vld [tilespmem:s14+$0xFFFFFFC0]  }
0x84: {  	v3 =	vld [tilespmem:s18+$0xFFFFFFC0];
	_ =	sdelay $0x4  }
0x85: {  	v2 =	vadd.f32 v3, v2;
	_ =	sdelay $0x1  }
0x86: {  	s16 =	simm.s32 $0xE050;
	v2 =	vmax.f32 v2, $0.0e+00  }
0x87: {  	[tilespmem:s16+$0xFFFFFFB0] =	vst v2  }
0x88: {  	v2 =	vld [tilespmem:s14+$0xFFFFFFD0]  }
0x89: {  	v3 =	vld [tilespmem:s18+$0xFFFFFFD0];
	_ =	sdelay $0x4  }
0x8a: {  	v2 =	vadd.f32 v3, v2;
	_ =	sdelay $0x1  }
0x8b: {  	v2 =	vmax.f32 v2, $0.0e+00  }
0x8c: {  	[tilespmem:s16+$0xFFFFFFC0] =	vst v2  }
0x8d: {  	v2 =	vld [tilespmem:s14+$0xFFFFFFE0]  }
0x8e: {  	v3 =	vld [tilespmem:s18+$0xFFFFFFE0];
	_ =	sdelay $0x4  }
0x8f: {  	v2 =	vadd.f32 v3, v2;
	_ =	sdelay $0x1  }
0x90: {  	v2 =	vmax.f32 v2, $0.0e+00  }
0x91: {  	[tilespmem:s16+$0xFFFFFFD0] =	vst v2  }
0x92: {  	v2 =	vld [tilespmem:s14+$0xFFFFFFF0]  }
0x93: {  	v3 =	vld [tilespmem:s18+$0xFFFFFFF0];
	_ =	sdelay $0x4  }
0x94: {  	v2 =	vadd.f32 v3, v2;
	_ =	sdelay $0x1  }
0x95: {  	v2 =	vmax.f32 v2, $0.0e+00  }
0x96: {  	[tilespmem:s16+$0xFFFFFFE0] =	vst v2  }
0x97: {  	v2 =	vld [tilespmem:s14+$0x0]  }
0x98: {  	v3 =	vld [tilespmem:s18+$0x0];
	_ =	sdelay $0x4  }
0x99: {  	v2 =	vadd.f32 v3, v2;
	_ =	sdelay $0x1  }
0x9a: {  	v2 =	vmax.f32 v2, $0.0e+00  }
0x9b: {  	[tilespmem:s16+$0x0] =	vst v2  }
0x9c: {  	v2 =	vld [tilespmem:s14+$0x10]  }
0x9d: {  	v3 =	vld [tilespmem:s18+$0x10];
	_ =	sdelay $0x4  }
0x9e: {  	v2 =	vadd.f32 v3, v2;
	_ =	sdelay $0x1  }
0x9f: {  	v2 =	vmax.f32 v2, $0.0e+00  }
0xa0: {  	[tilespmem:s16+$0x10] =	vst v2  }
0xa1: {  	v2 =	vld [tilespmem:s14+$0x20]  }
0xa2: {  	v3 =	vld [tilespmem:s18+$0x20];
	_ =	sdelay $0x4  }
0xa3: {  	v2 =	vadd.f32 v3, v2;
	_ =	sdelay $0x1  }
0xa4: {  	v2 =	vmax.f32 v2, $0.0e+00  }
0xa5: {  	[tilespmem:s16+$0x20] =	vst v2  }
0xa6: {  	v2 =	vld [tilespmem:s14+$0x30]  }
0xa7: {  	s19 =	sshll.u32 s30, $0x1;
	s20 =	simm.s32 $0x0;
	s21 =	simm.s32 $0xE0F0;
	v3 =	vld [tilespmem:s18+$0x30]  }
.LBB2_7:
0xa8: {  	s20 =	sadd.s32 $0x2, s20;
	s18 =	sadd.s32 $0x80, s18;
	s14 =	sadd.s32 $0x80, s14  }
0xa9: {  	p0 =	slt.u32 s20, $0x3E;
	_ =	sdelay $0x2  }
0xaa: {  	v2 =	vadd.f32 v3, v2;
	_ =	sdelay $0x1  }
0xab: {  	v2 =	vmax.f32 v2, $0.0e+00  }
0xac: {  	[tilespmem:s16+$0x30] =	vst v2;
	s16 =	smov.u32 s21  }
0xad: {  	v2 =	vld [tilespmem:s14+$0xFFFFFFC0]  }
0xae: {  	v3 =	vld [tilespmem:s18+$0xFFFFFFC0];
	_ =	sdelay $0x4  }
0xaf: {  	v2 =	vadd.f32 v3, v2;
	_ =	sdelay $0x1  }
0xb0: {  	v2 =	vmax.f32 v2, $0.0e+00  }
0xb1: {  	[tilespmem:s21+$0xFFFFFFB0] =	vst v2  }
0xb2: {  	v2 =	vld [tilespmem:s14+$0xFFFFFFD0]  }
0xb3: {  	v3 =	vld [tilespmem:s18+$0xFFFFFFD0];
	_ =	sdelay $0x4  }
0xb4: {  	v2 =	vadd.f32 v3, v2;
	_ =	sdelay $0x1  }
0xb5: {  	v2 =	vmax.f32 v2, $0.0e+00  }
0xb6: {  	[tilespmem:s21+$0xFFFFFFC0] =	vst v2  }
0xb7: {  	v2 =	vld [tilespmem:s14+$0xFFFFFFE0]  }
0xb8: {  	v3 =	vld [tilespmem:s18+$0xFFFFFFE0];
	_ =	sdelay $0x4  }
0xb9: {  	v2 =	vadd.f32 v3, v2;
	_ =	sdelay $0x1  }
0xba: {  	v2 =	vmax.f32 v2, $0.0e+00  }
0xbb: {  	[tilespmem:s21+$0xFFFFFFD0] =	vst v2  }
0xbc: {  	v2 =	vld [tilespmem:s14+$0xFFFFFFF0]  }
0xbd: {  	v3 =	vld [tilespmem:s18+$0xFFFFFFF0];
	_ =	sdelay $0x4  }
0xbe: {  	v2 =	vadd.f32 v3, v2;
	_ =	sdelay $0x1  }
0xbf: {  	v2 =	vmax.f32 v2, $0.0e+00  }
0xc0: {  	[tilespmem:s21+$0xFFFFFFE0] =	vst v2  }
0xc1: {  	v2 =	vld [tilespmem:s14+$0x0]  }
0xc2: {  	v3 =	vld [tilespmem:s18+$0x0];
	_ =	sdelay $0x4  }
0xc3: {  	v2 =	vadd.f32 v3, v2;
	_ =	sdelay $0x1  }
0xc4: {  	v2 =	vmax.f32 v2, $0.0e+00  }
0xc5: {  	[tilespmem:s21+$0x0] =	vst v2  }
0xc6: {  	v2 =	vld [tilespmem:s14+$0x10]  }
0xc7: {  	v3 =	vld [tilespmem:s18+$0x10];
	_ =	sdelay $0x4  }
0xc8: {  	v2 =	vadd.f32 v3, v2;
	_ =	sdelay $0x1  }
0xc9: {  	v2 =	vmax.f32 v2, $0.0e+00  }
0xca: {  	[tilespmem:s21+$0x10] =	vst v2  }
0xcb: {  	v2 =	vld [tilespmem:s14+$0x20]  }
0xcc: {  	v3 =	vld [tilespmem:s18+$0x20];
	_ =	sdelay $0x4  }
0xcd: {  	v2 =	vadd.f32 v3, v2  }
.Ltmp2:
0xce: {  	(pc) =	sbr.rel @p0 .LBB2_7-.Ltmp2, $4  }
0xcf: {  	v2 =	vmax.f32 v2, $0.0e+00  }
0xd0: {  	[tilespmem:s21+$0x20] =	vst v2  }
0xd1: {  	v2 =	vld [tilespmem:s14+$0x30]  }
0xd2: {  	s21 =	sadd.s32 $0xA0, s21;
	v3 =	vld [tilespmem:s18+$0x30]  }
0xd3: {  	_ =	sdelay $0x3  }
0xd4: {  	v2 =	vadd.f32 v3, v2  }
0xd5: {  	s14 =	sshll.u32 s30, $0x7  }
0xd6: {  	s14 =	sand.u32 $0x3FFFFF80, s14;
	v2 =	vmax.f32 v2, $0.0e+00  }
0xd7: {  	s14 =	sadd.s32 $0x5000, s14;
	[tilespmem:s16+$0x30] =	vst v2  }
0xd8: {  	[spmem:s12] =	stream.indirect.scatter.add.f32 [tilespmem:s0], [sflag:$0x5], $0x50, s14, s4, $0xb8;
	[tilespmem:$0x1CD80] =	vst v63  }
0xd9: {  	p0 =	seq.s32 s30, $0x9F;
	_ =	swait.ge [sflag:s9], $0x1000  }
0xda: {  	s18 =	simm.s32 @!p0 $0x40;
	s14 =	sadd.s32 @!p0 $0x2, s19;
	[sflag:s9] =	ssyncset.done $0x0  }
0xdb: {  	s16 =	sshll.u32 @!p0 s14, $0x6;
	s14 =	sadd.s32 @!p0 s11, s14;
	[sflag:s9] =	ssyncadd.s32 $0xFFFFF000  }
0xdc: {  	p1 =	seq.s32 @!p0 s30, $0x0;
	s14 =	sshll.u32 @!p0 s14, $0xC;
	_ =	swait.ge [sflag:s10], $0x1000  }
0xdd: {  	s19 =	simm.s32 @!p0 $0xA000;
	s14 =	sadd.s32 @!p0 s17, s14;
	[sflag:s10] =	ssyncset.done $0x0  }
0xde: {  	s16 =	sand.u32 @!p0 $0x3FFFFFC0, s16;
	s14 =	sshrl.u32 @!p0 s14, $0x3;
	[sflag:s10] =	ssyncadd.s32 $0xFFFFF000  }
0xdf: {  	[tilespmem:s19], [sflag:$0x1] =	stream.indirect.gather @!p0 [hbm4b:s2+s18], $0x40, s16, s18, $0xb8;
	[tilespmem:$0x1CD80] =	vst v63  }
0xe0: {  	s14 =	sadd.s32 @!p0 s15, s14;
	s16 =	simm.s32 @!p0 $0x0;
	s18 =	simm.s32 @!p0 $0xC000  }
0xe1: {  	[tilespmem:s18], [sflag:$0x3] =	stream.linear.gather @!p0 [hbm4b:s14+s16], $0x1000, $0x38;
	[tilespmem:$0x1CD80] =	vst v63  }
0xe2: {  	p0 =	por p0, !p1  }
0xe3: {  	_ =	swait.ge @p0 [sflag:s28], $0x1400  }
0xe4: {  	[sflag:s28] =	ssyncset.done @p0 $0x0  }
0xe5: {  	s14 =	simm.s32 $0xB070;
	[sflag:s28] =	ssyncadd.s32 @p0 $0xFFFFEC00  }
0xe6: {  	s16 =	simm.s32 $0xD070;
	v2 =	vld [tilespmem:s14+$0xFFFFFF90]  }
0xe7: {  	v3 =	vld [tilespmem:s16+$0xFFFFFF90];
	_ =	sdelay $0x4  }
0xe8: {  	v2 =	vadd.f32 v3, v2;
	_ =	sdelay $0x1  }
0xe9: {  	s18 =	simm.s32 $0xF480;
	v2 =	vmax.f32 v2, $0.0e+00  }
0xea: {  	[tilespmem:s18+$0xFFFFFF80] =	vst v2  }
0xeb: {  	v2 =	vld [tilespmem:s14+$0xFFFFFFA0]  }
0xec: {  	v3 =	vld [tilespmem:s16+$0xFFFFFFA0];
	_ =	sdelay $0x4  }
0xed: {  	v2 =	vadd.f32 v3, v2;
	_ =	sdelay $0x1  }
0xee: {  	v2 =	vmax.f32 v2, $0.0e+00  }
0xef: {  	[tilespmem:s18+$0xFFFFFF90] =	vst v2  }
0xf0: {  	v2 =	vld [tilespmem:s14+$0xFFFFFFB0]  }
0xf1: {  	v3 =	vld [tilespmem:s16+$0xFFFFFFB0];
	_ =	sdelay $0x4  }
0xf2: {  	v2 =	vadd.f32 v3, v2;
	_ =	sdelay $0x1  }
0xf3: {  	v2 =	vmax.f32 v2, $0.0e+00  }
0xf4: {  	[tilespmem:s18+$0xFFFFFFA0] =	vst v2  }
0xf5: {  	v2 =	vld [tilespmem:s14+$0xFFFFFFC0]  }
0xf6: {  	v3 =	vld [tilespmem:s16+$0xFFFFFFC0];
	_ =	sdelay $0x4  }
0xf7: {  	v2 =	vadd.f32 v3, v2;
	_ =	sdelay $0x1  }
0xf8: {  	v2 =	vmax.f32 v2, $0.0e+00  }
0xf9: {  	[tilespmem:s18+$0xFFFFFFB0] =	vst v2  }
0xfa: {  	v2 =	vld [tilespmem:s14+$0xFFFFFFD0]  }
0xfb: {  	v3 =	vld [tilespmem:s16+$0xFFFFFFD0];
	_ =	sdelay $0x4  }
0xfc: {  	v2 =	vadd.f32 v3, v2;
	_ =	sdelay $0x1  }
0xfd: {  	v2 =	vmax.f32 v2, $0.0e+00  }
0xfe: {  	[tilespmem:s18+$0xFFFFFFD0] =	vst v2  }
0xff: {  	v2 =	vld [tilespmem:s14+$0xFFFFFFE0]  }
0x100: {  	v3 =	vld [tilespmem:s16+$0xFFFFFFE0];
	_ =	sdelay $0x4  }
0x101: {  	v2 =	vadd.f32 v3, v2;
	_ =	sdelay $0x1  }
0x102: {  	v2 =	vmax.f32 v2, $0.0e+00  }
0x103: {  	[tilespmem:s18+$0xFFFFFFE0] =	vst v2  }
0x104: {  	v2 =	vld [tilespmem:s14+$0xFFFFFFF0]  }
0x105: {  	v3 =	vld [tilespmem:s16+$0xFFFFFFF0];
	_ =	sdelay $0x4  }
0x106: {  	v2 =	vadd.f32 v3, v2;
	_ =	sdelay $0x1  }
0x107: {  	v2 =	vmax.f32 v2, $0.0e+00  }
0x108: {  	[tilespmem:s18+$0xFFFFFFF0] =	vst v2  }
0x109: {  	v2 =	vld [tilespmem:s14+$0x0]  }
0x10a: {  	s20 =	simm.s32 $0xF520;
	s19 =	simm.s32 $0x0;
	v3 =	vld [tilespmem:s16+$0x0]  }
.LBB2_9:
0x10b: {  	s19 =	sadd.s32 $0x2, s19;
	s16 =	sadd.s32 $0x80, s16;
	s14 =	sadd.s32 $0x80, s14  }
0x10c: {  	p0 =	slt.u32 s19, $0x3E;
	_ =	sdelay $0x2  }
0x10d: {  	v2 =	vadd.f32 v3, v2;
	_ =	sdelay $0x1  }
0x10e: {  	v2 =	vmax.f32 v2, $0.0e+00  }
0x10f: {  	[tilespmem:s18+$0x0] =	vst v2;
	s18 =	smov.u32 s20  }
0x110: {  	v2 =	vld [tilespmem:s14+$0xFFFFFF90]  }
0x111: {  	v3 =	vld [tilespmem:s16+$0xFFFFFF90];
	_ =	sdelay $0x4  }
0x112: {  	v2 =	vadd.f32 v3, v2;
	_ =	sdelay $0x1  }
0x113: {  	v2 =	vmax.f32 v2, $0.0e+00  }
0x114: {  	[tilespmem:s20+$0xFFFFFF80] =	vst v2  }
0x115: {  	v2 =	vld [tilespmem:s14+$0xFFFFFFA0]  }
0x116: {  	v3 =	vld [tilespmem:s16+$0xFFFFFFA0];
	_ =	sdelay $0x4  }
0x117: {  	v2 =	vadd.f32 v3, v2;
	_ =	sdelay $0x1  }
0x118: {  	v2 =	vmax.f32 v2, $0.0e+00  }
0x119: {  	[tilespmem:s20+$0xFFFFFF90] =	vst v2  }
0x11a: {  	v2 =	vld [tilespmem:s14+$0xFFFFFFB0]  }
0x11b: {  	v3 =	vld [tilespmem:s16+$0xFFFFFFB0];
	_ =	sdelay $0x4  }
0x11c: {  	v2 =	vadd.f32 v3, v2;
	_ =	sdelay $0x1  }
0x11d: {  	v2 =	vmax.f32 v2, $0.0e+00  }
0x11e: {  	[tilespmem:s20+$0xFFFFFFA0] =	vst v2  }
0x11f: {  	v2 =	vld [tilespmem:s14+$0xFFFFFFC0]  }
0x120: {  	v3 =	vld [tilespmem:s16+$0xFFFFFFC0];
	_ =	sdelay $0x4  }
0x121: {  	v2 =	vadd.f32 v3, v2;
	_ =	sdelay $0x1  }
0x122: {  	v2 =	vmax.f32 v2, $0.0e+00  }
0x123: {  	[tilespmem:s20+$0xFFFFFFB0] =	vst v2  }
0x124: {  	v2 =	vld [tilespmem:s14+$0xFFFFFFD0]  }
0x125: {  	v3 =	vld [tilespmem:s16+$0xFFFFFFD0];
	_ =	sdelay $0x4  }
0x126: {  	v2 =	vadd.f32 v3, v2;
	_ =	sdelay $0x1  }
0x127: {  	v2 =	vmax.f32 v2, $0.0e+00  }
0x128: {  	[tilespmem:s20+$0xFFFFFFD0] =	vst v2  }
0x129: {  	v2 =	vld [tilespmem:s14+$0xFFFFFFE0]  }
0x12a: {  	v3 =	vld [tilespmem:s16+$0xFFFFFFE0];
	_ =	sdelay $0x4  }
0x12b: {  	v2 =	vadd.f32 v3, v2;
	_ =	sdelay $0x1  }
0x12c: {  	v2 =	vmax.f32 v2, $0.0e+00  }
0x12d: {  	[tilespmem:s20+$0xFFFFFFE0] =	vst v2  }
0x12e: {  	v2 =	vld [tilespmem:s14+$0xFFFFFFF0]  }
0x12f: {  	v3 =	vld [tilespmem:s16+$0xFFFFFFF0];
	_ =	sdelay $0x4  }
0x130: {  	v2 =	vadd.f32 v3, v2  }
.Ltmp3:
0x131: {  	(pc) =	sbr.rel @p0 .LBB2_9-.Ltmp3, $4  }
0x132: {  	v2 =	vmax.f32 v2, $0.0e+00  }
0x133: {  	[tilespmem:s20+$0xFFFFFFF0] =	vst v2  }
0x134: {  	v2 =	vld [tilespmem:s14+$0x0]  }
0x135: {  	s20 =	sadd.s32 $0xA0, s20;
	v3 =	vld [tilespmem:s16+$0x0]  }
0x136: {  	_ =	sdelay $0x1  }
0x137: {  	s30 =	sadd.s32 $0x1, s30  }
0x138: {  	p0 =	sne.s32 s30, $0xA0  }
.Ltmp4:
0x139: {  	v2 =	vadd.f32 v3, v2;
	(pc) =	sbr.rel @p0 .LBB2_6-.Ltmp4, $4  }
0x13a: {  	_ = 	snop  }
0x13b: {  	v2 =	vmax.f32 v2, $0.0e+00  }
0x13c: {  	s14 =	sadd.s32 $0x5000, s31;
	[tilespmem:s18+$0x0] =	vst v2  }
0x13d: {  	[spmem:s12] =	stream.indirect.scatter.add.f32 [tilespmem:s13], [sflag:$0x6], $0x50, s14, s4, $0xb8;
	[tilespmem:$0x1CD80] =	vst v63  }
0x13e: {  	s14 =	simm.s32 $0x5  }
0x13f: {  	_ =	swait.ge [sflag:s14], $0x1400  }
0x140: {  	[sflag:s14] =	ssyncset.done $0x0  }
0x141: {  	[sflag:s14] =	ssyncadd.s32 $0xFFFFEC00  }
0x142: {  	_ =	swait.ge [sflag:s28], $0x1400  }
0x143: {  	[sflag:s28] =	ssyncset.done $0x0  }
0x144: {  	[sflag:s28] =	ssyncadd.s32 $0xFFFFEC00  }
0x145: {  	[bflag:$0x0] =	sbarrier.arrive $0xFFFF  }
0x146: {  	[tilespmem:s0], [sflag:$0x7] =	stream.linear.gather [spmem:s22], $0x1400, $0x38;
	[tilespmem:$0x1CD80] =	vst v63  }
0x147: {  	_ =	swait.ge [sflag:s3], $0x1400  }
0x148: {  	[sflag:s3] =	ssyncset.done $0x0  }
0x149: {  	s21 =	smov.u32 s22;
	s22 =	rddreg [dreg:$0x4];
	[sflag:s3] =	ssyncadd.s32 $0xFFFFEC00  }
0x14a: {  	[hbm4b:s22+s1] =	stream.linear.scatter [tilespmem:s0], [sflag:$0x7], $0x1400, $0x38;
	[tilespmem:$0x1CD80] =	vst v63  }
0x14b: {  	_ =	swait.ge [sflag:s3], $0x1400  }
0x14c: {  	[sflag:s3] =	ssyncset.done $0x0  }
0x14d: {  	[sflag:s3] =	ssyncadd.s32 $0xFFFFEC00  }
0x14e: {  	[tilespmem:s0], [sflag:$0x7] =	stream.linear.gather [spmem:s23], $0x1400, $0x38;
	[tilespmem:$0x1CD80] =	vst v63  }
0x14f: {  	_ =	swait.ge [sflag:s3], $0x1400  }
0x150: {  	[sflag:s3] =	ssyncset.done $0x0  }
0x151: {  	s30 =	smov.u32 s23;
	s23 =	rddreg [dreg:$0x5];
	[sflag:s3] =	ssyncadd.s32 $0xFFFFEC00  }
0x152: {  	[hbm4b:s23+s1] =	stream.linear.scatter [tilespmem:s0], [sflag:$0x7], $0x1400, $0x38;
	[tilespmem:$0x1CD80] =	vst v63  }
0x153: {  	_ =	swait.ge [sflag:s3], $0x1400  }
0x154: {  	[sflag:s3] =	ssyncset.done $0x0  }
0x155: {  	[sflag:s3] =	ssyncadd.s32 $0xFFFFEC00  }
0x156: {  	[tilespmem:s0], [sflag:$0x7] =	stream.linear.gather [spmem:s24], $0x1400, $0x38;
	[tilespmem:$0x1CD80] =	vst v63  }
0x157: {  	_ =	swait.ge [sflag:s3], $0x1400  }
0x158: {  	[sflag:s3] =	ssyncset.done $0x0  }
0x159: {  	s16 =	rddreg [dreg:$0x6];
	[sflag:s3] =	ssyncadd.s32 $0xFFFFEC00  }
0x15a: {  	[hbm4b:s16+s1] =	stream.linear.scatter [tilespmem:s0], [sflag:$0x7], $0x1400, $0x38;
	[tilespmem:$0x1CD80] =	vst v63  }
0x15b: {  	_ =	swait.ge [sflag:s3], $0x1400  }
0x15c: {  	[sflag:s3] =	ssyncset.done $0x0  }
0x15d: {  	s18 =	rddreg [dreg:$0xe];
	[sflag:s3] =	ssyncadd.s32 $0xFFFFEC00  }
0x15e: {  	[tilespmem:s0], [sflag:$0x7] =	stream.linear.gather [spmem:s18], $0x1400, $0x38;
	[tilespmem:$0x1CD80] =	vst v63  }
0x15f: {  	_ =	swait.ge [sflag:s3], $0x1400  }
0x160: {  	[sflag:s3] =	ssyncset.done $0x0  }
0x161: {  	s19 =	rddreg [dreg:$0x7];
	[sflag:s3] =	ssyncadd.s32 $0xFFFFEC00  }
0x162: {  	[hbm4b:s19+s1] =	stream.linear.scatter [tilespmem:s0], [sflag:$0x7], $0x1400, $0x38;
	[tilespmem:$0x1CD80] =	vst v63  }
0x163: {  	_ =	swait.ge [sflag:s3], $0x1400  }
0x164: {  	[sflag:s3] =	ssyncset.done $0x0  }
0x165: {  	s20 =	rddreg [dreg:$0xf];
	[sflag:s3] =	ssyncadd.s32 $0xFFFFEC00  }
0x166: {  	[tilespmem:s0], [sflag:$0x7] =	stream.linear.gather [spmem:s20], $0x1400, $0x38;
	[tilespmem:$0x1CD80] =	vst v63  }
0x167: {  	_ =	swait.ge [sflag:s3], $0x1400  }
0x168: {  	[sflag:s3] =	ssyncset.done $0x0  }
0x169: {  	s22 =	rddreg [dreg:$0x8];
	[sflag:s3] =	ssyncadd.s32 $0xFFFFEC00  }
0x16a: {  	[hbm4b:s22+s1] =	stream.linear.scatter [tilespmem:s0], [sflag:$0x7], $0x1400, $0x38;
	[tilespmem:$0x1CD80] =	vst v63  }
0x16b: {  	_ =	swait.ge [sflag:s3], $0x1400  }
0x16c: {  	[sflag:s3] =	ssyncset.done $0x0  }
0x16d: {  	s23 =	rddreg [dreg:$0x10];
	[sflag:s3] =	ssyncadd.s32 $0xFFFFEC00  }
0x16e: {  	[tilespmem:s0], [sflag:$0x7] =	stream.linear.gather [spmem:s23], $0x1400, $0x38;
	[tilespmem:$0x1CD80] =	vst v63  }
0x16f: {  	_ =	swait.ge [sflag:s3], $0x1400  }
0x170: {  	[sflag:s3] =	ssyncset.done $0x0  }
0x171: {  	s31 =	smov.u32 s24;
	s24 =	rddreg [dreg:$0x9];
	[sflag:s3] =	ssyncadd.s32 $0xFFFFEC00  }
0x172: {  	[hbm4b:s24+s1] =	stream.linear.scatter [tilespmem:s0], [sflag:$0x7], $0x1400, $0x38;
	[tilespmem:$0x1CD80] =	vst v63  }
0x173: {  	_ =	swait.ge [sflag:s3], $0x1400  }
0x174: {  	[sflag:s3] =	ssyncset.done $0x0  }
0x175: {  	s16 =	rddreg [dreg:$0x11];
	[sflag:s3] =	ssyncadd.s32 $0xFFFFEC00  }
0x176: {  	[tilespmem:s0], [sflag:$0x7] =	stream.linear.gather [spmem:s16], $0x1400, $0x38;
	[tilespmem:$0x1CD80] =	vst v63  }
0x177: {  	_ =	swait.ge [sflag:s3], $0x1400  }
0x178: {  	[sflag:s3] =	ssyncset.done $0x0  }
0x179: {  	s18 =	rddreg [dreg:$0xa];
	[sflag:s3] =	ssyncadd.s32 $0xFFFFEC00  }
0x17a: {  	[hbm4b:s18+s1] =	stream.linear.scatter [tilespmem:s0], [sflag:$0x7], $0x1400, $0x38;
	[tilespmem:$0x1CD80] =	vst v63  }
0x17b: {  	_ =	swait.ge [sflag:s3], $0x1400  }
0x17c: {  	[sflag:s3] =	ssyncset.done $0x0  }
0x17d: {  	s19 =	rddreg [dreg:$0x12];
	[sflag:s3] =	ssyncadd.s32 $0xFFFFEC00  }
0x17e: {  	[tilespmem:s0], [sflag:$0x7] =	stream.linear.gather [spmem:s19], $0x1400, $0x38;
	[tilespmem:$0x1CD80] =	vst v63  }
0x17f: {  	_ =	swait.ge [sflag:s3], $0x1400  }
0x180: {  	[sflag:s3] =	ssyncset.done $0x0  }
0x181: {  	s20 =	rddreg [dreg:$0xb];
	[sflag:s3] =	ssyncadd.s32 $0xFFFFEC00  }
0x182: {  	[hbm4b:s20+s1] =	stream.linear.scatter [tilespmem:s0], [sflag:$0x7], $0x1400, $0x38;
	[tilespmem:$0x1CD80] =	vst v63  }
0x183: {  	_ =	swait.ge [sflag:s3], $0x1400  }
0x184: {  	[sflag:s3] =	ssyncset.done $0x0  }
0x185: {  	[sflag:s3] =	ssyncadd.s32 $0xFFFFEC00  }
0x186: {  	[tilespmem:s0], [sflag:$0x7] =	stream.linear.gather [spmem:s25], $0x1400, $0x38;
	[tilespmem:$0x1CD80] =	vst v63  }
0x187: {  	_ =	swait.ge [sflag:s3], $0x1400  }
0x188: {  	[sflag:s3] =	ssyncset.done $0x0  }
0x189: {  	s22 =	rddreg [dreg:$0xc];
	[sflag:s3] =	ssyncadd.s32 $0xFFFFEC00  }
0x18a: {  	[hbm4b:s22+s1] =	stream.linear.scatter [tilespmem:s0], [sflag:$0x7], $0x1400, $0x38;
	[tilespmem:$0x1CD80] =	vst v63  }
0x18b: {  	_ =	swait.ge [sflag:s3], $0x1400  }
0x18c: {  	[sflag:s3] =	ssyncset.done $0x0  }
0x18d: {  	[sflag:s3] =	ssyncadd.s32 $0xFFFFEC00  }
0x18e: {  	[tilespmem:s0], [sflag:$0x7] =	stream.linear.gather [spmem:s26], $0x1180, $0x38;
	[tilespmem:$0x1CD80] =	vst v63  }
0x18f: {  	_ =	swait.ge [sflag:s3], $0x1180  }
0x190: {  	[sflag:s3] =	ssyncset.done $0x0  }
0x191: {  	s23 =	rddreg [dreg:$0xd];
	[sflag:s3] =	ssyncadd.s32 $0xFFFFEE80  }
0x192: {  	[hbm4b:s23+s1] =	stream.linear.scatter [tilespmem:s0], [sflag:$0x7], $0x1180, $0x38;
	[tilespmem:$0x1CD80] =	vst v63  }
0x193: {  	_ =	swait.ge [sflag:s3], $0x1180  }
0x194: {  	s29 =	sadd.s32 $0x1, s29;
	s24 =	rddreg [dreg:$0x16]  }
0x195: {  	p0 =	sne.s32 s29, s24  }
.Ltmp5:
0x196: {  	_ = 	snop;
	(pc) =	sbr.rel @p0 .LBB2_1-.Ltmp5, $3  }
0x197: {  	_ =	sdelay $0x1  }
0x198: {  	[sflag:s3] =	ssyncset.done $0x0  }
0x199: {  	[sflag:s3] =	ssyncadd.s32 $0xFFFFEE80  }
0x19a: {  	_ =	sfence.sel $0x180000  }
0x19b: {  	[bflag:$0x0] =	sbarrier.arrive $0xFFFF  }
0x19c: {  	_ =	strace $0x90000047  }
0x19d: {  	s0 =	stileid.u32;
	[bflag:$0x2] =	sbarrier.arrive $0xFFFF  }
0x19e: {  	p0 =	sne.s32 s0, $0x0;
	s0 =	rddreg [dreg:$0x3]  }
0x19f: {  	s0 =	sadd.s32 @!p0 $0x100000, s0  }
0x1a0: {  	[sflag:s0] =	ssyncadd.tile.s32 @!p0 $0x1;
	_ =	shalt  }
.Lfunc_end2:
_tile_overlayer_lowered:
.L_overlay_start_2:
0x1a1: {  	(tag) =	ssettag $0x2  }
0x1a2: {  	s0 =	rddreg [dreg:$0x0];
	s2 =	stileid.u32  }
0x1a3: {  	s1 =	rddreg [dreg:$0x1];
	p0 =	sne.s32 s2, $0x0  }
0x1a4: {  	s3 =	rddreg [dreg:$0x2];
	[bflag:$0x3] =	sbarrier.arrive $0xFFFF;
	s2 =	simm.s32 @!p0 $0x1C07  }
0x1a5: {  	[timem:s3], [sflag:s2] =	dma.local @!p0 [hbm:s0], s1  }
0x1a6: {  	s0 =	simm.s32 @!p0 $0x7  }
0x1a7: {  	_ =	swait.ge @!p0 [sflag:s0], s1  }
0x1a8: {  	s1 =	ssub.s32 @!p0 $0x0, s1;
	[sflag:s0] =	ssyncset.done @!p0 $0x0  }
0x1a9: {  	[sflag:s0] =	ssyncadd.s32 @!p0 s1  }
0x1aa: {  	[bflag:$0x3] =	sbarrier.arrive $0xFFFF  }
0x1ab: {  	_ =	shalt  }

</sc_bundles>
